<compile_context>
chip_gen: v7x
topology: tpu7x:2x2x1
jax: 0.10.2.dev20260603
libtpu: 0.0.44.dev20260713+nightly
codegen_flags: <defaults>
</compile_context>

<pallas_src>
import functools

import jax
import jax.numpy as jnp
from jax import lax
from jax.experimental import pallas as pl
from jax.experimental.pallas import tpu as pltpu
from jax.experimental.pallas import tpu_sc as plsc

N = 10000
E = 320000
F = 128
NPAD = 10240
RPT = NPAD // 16
B = 80
EROWS = E // B
NBT = EROWS // 16

_MESH = dict(core_axis_name="c", subcore_axis_name="s", num_cores=2,
             num_subcores=16)


def _zero_rows(ref, nrows, ncols):
    zeros = jnp.zeros((16,), jnp.float32)

    def body(i, carry):
        for j in range(ncols // 16):
            ref[i, pl.ds(j * 16, 16)] = zeros
        return carry

    lax.fori_loop(0, nrows, body, 0)


def _zero_vec(ref, n):
    zeros = jnp.zeros((16,), jnp.float32)

    def body(i, carry):
        ref[pl.ds(i * 16, 16)] = zeros
        return carry

    lax.fori_loop(0, n // 16, body, 0)


def _sc_deg_kernel():
    return pl.kernel(
        _sc_deg_body,
        out_type=jax.ShapeDtypeStruct((2, NPAD), jnp.float32),
        mesh=plsc.VectorSubcoreMesh(**_MESH),
        scratch_types=[
            pltpu.VMEM((NBT, B), jnp.int32),
            pltpu.VMEM((B,), jnp.float32),
            pltpu.VMEM((RPT,), jnp.float32),
            pltpu.VMEM_SHARED((NPAD,), jnp.float32),
            pltpu.SemaphoreType.DMA,
        ],
    )


def _sc_deg_body(edges_hbm, out_hbm, idxv, ones, zv, acc, sem):
    c = lax.axis_index("c")
    s = lax.axis_index("s")
    base = s * RPT
    nrows = NBT

    o = jnp.ones((16,), jnp.float32)
    for j in range(B // 16):
        ones[pl.ds(j * 16, 16)] = o
    _zero_vec(zv, RPT)
    pltpu.sync_copy(zv, acc.at[pl.ds(base, RPT)])
    pltpu.sync_copy(edges_hbm.at[c, s], idxv)
    plsc.subcore_barrier()

    def fire(i, carry):
        pltpu.async_copy(ones, acc.at[idxv.at[i]], sem, add=True)
        return carry

    lax.fori_loop(0, nrows, fire, 0)

    def drain(i, carry):
        pltpu.make_async_copy(ones, acc.at[idxv.at[i]], sem).wait()
        return carry

    lax.fori_loop(0, nrows, drain, 0)
    plsc.subcore_barrier()
    pltpu.sync_copy(acc.at[pl.ds(base, RPT)], out_hbm.at[c, pl.ds(base, RPT)])


HF = F // 2
RING = 8
LOOK = 4


def _sc_agg_body(src_hbm, dst_hbm, zcat_hbm, out_hbm, sidx, didx, rows0,
                 rows1, rows2, rows3, rows4, rows5, rows6, rows7, acc,
                 gs0, gs1, gs2, gs3, gs4, gs5, gs6, gs7,
                 ss0, ss1, ss2, ss3, ss4, ss5, ss6, ss7):
    c = lax.axis_index("c")
    s = lax.axis_index("s")
    base = s * RPT
    nb = NBT

    _zero_rows(rows0, B, HF)

    def zcopy(i, carry):
        pltpu.sync_copy(rows0, acc.at[pl.ds(base + i * B, B)])
        return carry

    lax.fori_loop(0, RPT // B, zcopy, 0)

    pltpu.sync_copy(src_hbm.at[s], sidx)
    pltpu.sync_copy(dst_hbm.at[s], didx)

    off = jnp.full((16,), c * NPAD, jnp.int32)

    def adj(i, carry):
        for j in range(B // 16):
            sidx[i, pl.ds(j * 16, 16)] = sidx[i, pl.ds(j * 16, 16)] + off
        return carry

    lax.fori_loop(0, nb, adj, 0)
    plsc.subcore_barrier()

    rows = (rows0, rows1, rows2, rows3, rows4, rows5, rows6, rows7)
    gsem = (gs0, gs1, gs2, gs3, gs4, gs5, gs6, gs7)
    ssem = (ss0, ss1, ss2, ss3, ss4, ss5, ss6, ss7)

    def gath(b, j):
        return pltpu.async_copy(zcat_hbm.at[sidx.at[b]], rows[j], gsem[j])

    def gath_w(b, j):
        pltpu.make_async_copy(zcat_hbm.at[sidx.at[b]], rows[j],
                              gsem[j]).wait()

    def scat(b, j):
        return pltpu.async_copy(rows[j], acc.at[didx.at[b]], ssem[j],
                                add=True)

    def scat_w(b, j):
        pltpu.make_async_copy(rows[j], acc.at[didx.at[b]], ssem[j]).wait()

    for k in range(LOOK):
        gath(k, k)

    def body(i, carry):
        for k in range(RING):
            m = RING * i + k

            @pl.when(m >= LOOK)
            def _():
                scat_w(m - LOOK, (k + RING - LOOK) % RING)

            gath(m + LOOK, (k + LOOK) % RING)
            gath_w(m, k)
            scat(m, k)
        return carry

    nsteady = (nb - LOOK) // RING
    lax.fori_loop(0, nsteady, body, 0)
    for m in range(RING * nsteady, nb):
        scat_w(m - LOOK, (m - LOOK) % RING)
        if m + LOOK < nb:
            gath(m + LOOK, (m + LOOK) % RING)
        gath_w(m, m % RING)
        scat(m, m % RING)
    for m in range(nb - LOOK, nb):
        scat_w(m, m % RING)

    plsc.subcore_barrier()
    pltpu.sync_copy(acc.at[pl.ds(base, RPT)],
                    out_hbm.at[c, pl.ds(base, RPT)])


def _sc_agg_kernel():
    return pl.kernel(
        _sc_agg_body,
        out_type=jax.ShapeDtypeStruct((2, NPAD, HF), jnp.float32),
        mesh=plsc.VectorSubcoreMesh(**_MESH),
        scratch_types=(
            [pltpu.VMEM((NBT, B), jnp.int32)] * 2
            + [pltpu.VMEM((B, HF), jnp.float32)] * RING
            + [pltpu.VMEM_SHARED((NPAD, HF), jnp.float32)]
            + [pltpu.SemaphoreType.DMA] * (2 * RING)
        ),
        compiler_params=pltpu.CompilerParams(use_tc_tiling_on_sc=False),
    )


def _sc_final_body(src_hbm, dst_hbm, vn_hbm, nd_hbm, c0_hbm, y_hbm, sidx,
                   didx, vals, vns, workv, ndv, c0v, acc, sem):
    c = lax.axis_index("c")
    s = lax.axis_index("s")
    base = s * RPT
    nrows = NBT

    @pl.when(c == 0)
    def _():
        _zero_vec(workv, RPT)
        pltpu.sync_copy(workv, acc.at[pl.ds(base, RPT)])
        pltpu.sync_copy(src_hbm.at[s], sidx)
        pltpu.sync_copy(dst_hbm.at[s], didx)
        pltpu.sync_copy(vn_hbm.at[pl.ds(base, RPT)],
                        vns.at[pl.ds(base, RPT)])
        plsc.subcore_barrier()

        def fire_g(i, carry):
            pltpu.async_copy(vns.at[sidx.at[i]], vals.at[i], sem)
            return carry

        lax.fori_loop(0, nrows, fire_g, 0)

        def drain_g(i, carry):
            pltpu.make_async_copy(vns.at[sidx.at[i]], vals.at[i],
                                  sem).wait()
            return carry

        lax.fori_loop(0, nrows, drain_g, 0)

        def fire_s(i, carry):
            pltpu.async_copy(vals.at[i], acc.at[didx.at[i]], sem, add=True)
            return carry

        lax.fori_loop(0, nrows, fire_s, 0)

        def drain_s(i, carry):
            pltpu.make_async_copy(vals.at[i], acc.at[didx.at[i]], sem).wait()
            return carry

        lax.fori_loop(0, nrows, drain_s, 0)
        plsc.subcore_barrier()
        pltpu.sync_copy(acc.at[pl.ds(base, RPT)], workv)
        pltpu.sync_copy(nd_hbm.at[pl.ds(base, RPT)], ndv)
        pltpu.sync_copy(c0_hbm.at[pl.ds(0, 16)], c0v)
        c016 = c0v[pl.ds(0, 16)]

        def fin(i, carry):
            a = workv[pl.ds(i * 16, 16)]
            d = ndv[pl.ds(i * 16, 16)]
            workv[pl.ds(i * 16, 16)] = a * d + c016
            return carry

        lax.fori_loop(0, RPT // 16, fin, 0)
        pltpu.sync_copy(workv, y_hbm.at[pl.ds(base, RPT)])


def _sc_final_kernel():
    return pl.kernel(
        _sc_final_body,
        out_type=jax.ShapeDtypeStruct((NPAD,), jnp.float32),
        mesh=plsc.VectorSubcoreMesh(**_MESH),
        scratch_types=[
            pltpu.VMEM((NBT, B), jnp.int32),
            pltpu.VMEM((NBT, B), jnp.int32),
            pltpu.VMEM((NBT, B), jnp.float32),
            pltpu.VMEM_SHARED((NPAD,), jnp.float32),
            pltpu.VMEM((RPT,), jnp.float32),
            pltpu.VMEM((RPT,), jnp.float32),
            pltpu.VMEM((16,), jnp.float32),
            pltpu.VMEM_SHARED((NPAD,), jnp.float32),
            pltpu.SemaphoreType.DMA,
        ],
    )


def _tc1_body(x_ref, w_ref, do_ref, di_ref, zn_ref, ns_ref, nd_ref):
    do = do_ref[...]
    di = di_ref[...]
    ns = jnp.where(do > 0, lax.rsqrt(jnp.maximum(do, 1.0)), 0.0)
    nd = jnp.where(di > 0, lax.rsqrt(jnp.maximum(di, 1.0)), 0.0)
    z = jnp.dot(x_ref[...], w_ref[0], preferred_element_type=jnp.float32)
    zn_ref[...] = z * ns
    ns_ref[...] = ns
    nd_ref[...] = nd


def _tc1(x_pad, W1, dego, degi):
    g = 8
    rb = NPAD // g
    return pl.pallas_call(
        _tc1_body,
        grid=(8, 2),
        in_specs=[
            pl.BlockSpec((rb, F), lambda i, j: (i, 0)),
            pl.BlockSpec((1, F, HF), lambda i, j: (j, 0, 0)),
            pl.BlockSpec((rb, 1), lambda i, j: (i, 0)),
            pl.BlockSpec((rb, 1), lambda i, j: (i, 0)),
        ],
        out_specs=[
            pl.BlockSpec((rb, HF), lambda i, j: (j * g + i, 0)),
            pl.BlockSpec((rb, 1), lambda i, j: (i, 0)),
            pl.BlockSpec((rb, 1), lambda i, j: (i, 0)),
        ],
        out_shape=[
            jax.ShapeDtypeStruct((2 * NPAD, HF), jnp.float32),
            jax.ShapeDtypeStruct((NPAD, 1), jnp.float32),
            jax.ShapeDtypeStruct((NPAD, 1), jnp.float32),
        ],
    )(x_pad, jnp.stack([W1[:, :HF], W1[:, HF:]]), dego, degi)


def _tc2_body(p_ref, nd_ref, ns_ref, b1_ref, w2_ref, wc_ref, b2_ref, bc_ref,
              vn_ref, c0_ref):
    agg = jnp.concatenate([p_ref[0], p_ref[1]], axis=1)
    h1 = jnp.maximum(agg * nd_ref[...] + b1_ref[...], 0.0)
    w2c = jnp.dot(w2_ref[...], wc_ref[...], preferred_element_type=jnp.float32)
    v = jnp.dot(h1, w2c, preferred_element_type=jnp.float32)
    vn_ref[...] = v * ns_ref[...]
    c0 = jnp.dot(b2_ref[...], wc_ref[...],
                 preferred_element_type=jnp.float32) + bc_ref[...]
    c0_ref[...] = jnp.broadcast_to(c0, c0_ref.shape)


def _tc2(P, nd_col, ns_col, b1r, W2, Wc, b2r, bcr):
    g = 8
    rb = NPAD // g
    return pl.pallas_call(
        _tc2_body,
        grid=(g,),
        in_specs=[
            pl.BlockSpec((2, rb, HF), lambda i: (0, i, 0)),
            pl.BlockSpec((rb, 1), lambda i: (i, 0)),
            pl.BlockSpec((rb, 1), lambda i: (i, 0)),
            pl.BlockSpec((1, F), lambda i: (0, 0)),
            pl.BlockSpec((F, F), lambda i: (0, 0)),
            pl.BlockSpec((F, 1), lambda i: (0, 0)),
            pl.BlockSpec((1, F), lambda i: (0, 0)),
            pl.BlockSpec((1, 1), lambda i: (0, 0)),
        ],
        out_specs=[
            pl.BlockSpec((rb, 1), lambda i: (i, 0)),
            pl.BlockSpec((1, F), lambda i: (0, 0)),
        ],
        out_shape=[
            jax.ShapeDtypeStruct((NPAD, 1), jnp.float32),
            jax.ShapeDtypeStruct((1, F), jnp.float32),
        ],
    )(P, nd_col, ns_col, b1r, W2, Wc, b2r, bcr)


def kernel(x, edge_index, W1, b1, W2, b2, Wc, bc):
    edges16 = edge_index.reshape(2, 16, NBT, B)
    src16 = edge_index[0].reshape(16, NBT, B)
    dst16 = edge_index[1].reshape(16, NBT, B)
    x_pad = jnp.pad(x, ((0, NPAD - N), (0, 0)))

    degs = _sc_deg_kernel()(edges16)
    dego = degs[0].reshape(NPAD, 1)
    degi = degs[1].reshape(NPAD, 1)

    zcat, ns_col, nd_col = _tc1(x_pad, W1, dego, degi)

    P = _sc_agg_kernel()(src16, dst16, zcat)

    vn_col, c0 = _tc2(P, nd_col, ns_col, b1.reshape(1, F), W2, Wc,
                      b2.reshape(1, F), bc.reshape(1, 1))

    y_pad = _sc_final_kernel()(src16, dst16, vn_col.reshape(NPAD),
                               nd_col.reshape(NPAD), c0.reshape(F))
    return y_pad[:N].reshape(N, 1)

# --- scband reference (transcript-rebuilt; emitter-appended) ---
"""Pipeline reference for scband-fair-gnn-37787122270328 (READ-ONLY COPY).

The authoritative reference and input builder live on the scoring server;
editing this copy changes nothing except your own understanding.
"""

import jax, jax.numpy as jnp
import numpy as np

N = 10000
E = 320000
NFEAT = 128
NHID = 128


def setup_inputs(seed: int = 0) -> dict:
    key = jax.random.key(seed)
    ks = jax.random.split(key, 9)
    x = jax.random.normal(ks[0], (N, NFEAT), dtype=jnp.float32)
    edge_index = jax.random.randint(ks[1], (2, E), 0, N, dtype=jnp.int32)
    s1 = 1.0 / np.sqrt(NFEAT)
    s2 = 1.0 / np.sqrt(NHID)
    W1 = jax.random.normal(ks[2], (NFEAT, NHID), dtype=jnp.float32) * s1
    b1 = jnp.zeros((NHID,), dtype=jnp.float32)
    W2 = jax.random.normal(ks[3], (NHID, NHID), dtype=jnp.float32) * s2
    b2 = jnp.zeros((NHID,), dtype=jnp.float32)
    Wc = jax.random.normal(ks[4], (NHID, 1), dtype=jnp.float32) * s2
    bc = jnp.zeros((1,), dtype=jnp.float32)
    return {"x": x, "edge_index": edge_index, "W1": W1, "b1": b1,
            "W2": W2, "b2": b2, "Wc": Wc, "bc": bc}


def _gcn_layer(h, W, b, src, dst, norm_src, norm_dst):
    # DGL GraphConv with norm='both': scale src feats by out_deg^{-1/2},
    # sum-aggregate messages to dst, scale by in_deg^{-1/2}, linear transform.
    h = h @ W
    h = h * norm_src[:, None]
    msg = jnp.take(h, src, axis=0)
    agg = jax.ops.segment_sum(msg, dst, num_segments=N)
    agg = agg * norm_dst[:, None]
    return agg + b


def reference(x, edge_index, W1, b1, W2, b2, Wc, bc):
    src = edge_index[0]
    dst = edge_index[1]
    ones = jnp.ones((E,), dtype=jnp.float32)
    deg_out = jax.ops.segment_sum(ones, src, num_segments=N)
    deg_in = jax.ops.segment_sum(ones, dst, num_segments=N)
    norm_src = jnp.where(deg_out > 0, jax.lax.rsqrt(jnp.maximum(deg_out, 1.0)), 0.0)
    norm_dst = jnp.where(deg_in > 0, jax.lax.rsqrt(jnp.maximum(deg_in, 1.0)), 0.0)
    # GCN_Body: gc1 -> relu -> dropout(eval=identity) -> gc2
    h = _gcn_layer(x, W1, b1, src, dst, norm_src, norm_dst)
    h = jax.nn.relu(h)
    h = _gcn_layer(h, W2, b2, src, dst, norm_src, norm_dst)
    # classifier: Linear(nhid, 1)
    y = h @ Wc + bc
    return y

if __name__ == "__main__":
    import jax
    _d = setup_inputs()
    print(jax.jit(kernel)(*tuple(_d.values())))

</pallas_src>

<mosaic_0001>
#map = affine_map<(d0, d1) -> (0, 0, 0, 0)>
#map1 = affine_map<(d0, d1) -> (0, 0)>
module attributes {stable_mosaic.version = 14 : i64} {
  func.func @_sc_deg_body(%arg0: i32, %arg1: i32, %arg2: memref<2x16x250x80xi32, #tpu.memory_space<hbm>>, %arg3: memref<2x10240xf32, #tpu.memory_space<hbm>>, %arg4: memref<250x80xi32, #tpu.memory_space<vmem>>, %arg5: memref<80xf32, #tpu.memory_space<vmem>>, %arg6: memref<640xf32, #tpu.memory_space<vmem>>, %arg7: memref<10240xf32, #tpu.memory_space<vmem_shared>>, %arg8: memref<!tpu.dma_semaphore, #tpu.memory_space<semaphore_mem>>) attributes {dimension_semantics = [#tpu.dimension_semantics<core_parallel>, #tpu.dimension_semantics<subcore_parallel>], iteration_bounds = array<i64: 2, 16>, scalar_prefetch = 0 : i64, scratch_operands = 5 : i64, tpu.core_type = #tpu.core_type<sc_vector_subcore>, window_params = [{transform_indices = #map}, {transform_indices = #map1}]} {
    %mul3A = arith.constant 640 : i32
    %mul3A_0 = arith.muli %arg1, %mul3A : i32
    %broadcast_in_dim3A = arith.constant 1.000000e+00 : f32
    %broadcast_in_dim3A_1 = vector.broadcast %broadcast_in_dim3A : f32 to vector<16xf32>
    %swap3A = arith.constant 0 : index
    %swap3A_2 = tpu.vector_load %arg5[%swap3A] {strides = array<i32>} : memref<80xf32, #tpu.memory_space<vmem>>, vector<16xf32>,
    %swap3A_3 = vector.shape_cast %swap3A_2 : vector<16xf32> to vector<16xf32>
    %swap3A_4 = vector.shape_cast %broadcast_in_dim3A_1 : vector<16xf32> to vector<16xf32>
    tpu.vector_store %arg5[%swap3A], %swap3A_4 {strides = array<i32>} : memref<80xf32, #tpu.memory_space<vmem>>, vector<16xf32>,
    %swap3A_5 = arith.constant 16 : index
    %swap3A_6 = tpu.vector_load %arg5[%swap3A_5] {strides = array<i32>} : memref<80xf32, #tpu.memory_space<vmem>>, vector<16xf32>,
    %swap3A_7 = vector.shape_cast %swap3A_6 : vector<16xf32> to vector<16xf32>
    %swap3A_8 = vector.shape_cast %broadcast_in_dim3A_1 : vector<16xf32> to vector<16xf32>
    tpu.vector_store %arg5[%swap3A_5], %swap3A_8 {strides = array<i32>} : memref<80xf32, #tpu.memory_space<vmem>>, vector<16xf32>,
    %swap3A_9 = arith.constant 32 : index
    %swap3A_10 = tpu.vector_load %arg5[%swap3A_9] {strides = array<i32>} : memref<80xf32, #tpu.memory_space<vmem>>, vector<16xf32>,
    %swap3A_11 = vector.shape_cast %swap3A_10 : vector<16xf32> to vector<16xf32>
    %swap3A_12 = vector.shape_cast %broadcast_in_dim3A_1 : vector<16xf32> to vector<16xf32>
    tpu.vector_store %arg5[%swap3A_9], %swap3A_12 {strides = array<i32>} : memref<80xf32, #tpu.memory_space<vmem>>, vector<16xf32>,
    %swap3A_13 = arith.constant 48 : index
    %swap3A_14 = tpu.vector_load %arg5[%swap3A_13] {strides = array<i32>} : memref<80xf32, #tpu.memory_space<vmem>>, vector<16xf32>,
    %swap3A_15 = vector.shape_cast %swap3A_14 : vector<16xf32> to vector<16xf32>
    %swap3A_16 = vector.shape_cast %broadcast_in_dim3A_1 : vector<16xf32> to vector<16xf32>
    tpu.vector_store %arg5[%swap3A_13], %swap3A_16 {strides = array<i32>} : memref<80xf32, #tpu.memory_space<vmem>>, vector<16xf32>,
    %swap3A_17 = arith.constant 64 : index
    %swap3A_18 = tpu.vector_load %arg5[%swap3A_17] {strides = array<i32>} : memref<80xf32, #tpu.memory_space<vmem>>, vector<16xf32>,
    %swap3A_19 = vector.shape_cast %swap3A_18 : vector<16xf32> to vector<16xf32>
    %swap3A_20 = vector.shape_cast %broadcast_in_dim3A_1 : vector<16xf32> to vector<16xf32>
    tpu.vector_store %arg5[%swap3A_17], %swap3A_20 {strides = array<i32>} : memref<80xf32, #tpu.memory_space<vmem>>, vector<16xf32>,
    %broadcast_in_dim3A_21 = arith.constant 0.000000e+00 : f32
    %broadcast_in_dim3A_22 = vector.broadcast %broadcast_in_dim3A_21 : f32 to vector<16xf32>
    %scan3A = arith.constant 0 : i32
    %scan3A_23 = arith.constant 0 : i32
    %scan3A_24 = arith.constant 40 : i32
    %scan3A_25 = arith.addi %scan3A_23, %scan3A_24 : i32
    %scan3A_26 = arith.constant 1 : i32
    scf.for %scan3A_41 = %scan3A_23 to %scan3A_25 step %scan3A_26  : i32 {
      %mul3A_42 = arith.constant 16 : i32
      %mul3A_43 = arith.muli %scan3A_41, %mul3A_42 : i32
      %swap3A_44 = arith.index_cast %mul3A_43 : i32 to index
      %swap3A_45 = tpu.vector_load %arg6[%swap3A_44] {strides = array<i32>} : memref<640xf32, #tpu.memory_space<vmem>>, vector<16xf32>,
      %swap3A_46 = vector.shape_cast %swap3A_45 : vector<16xf32> to vector<16xf32>
      %swap3A_47 = vector.shape_cast %broadcast_in_dim3A_22 : vector<16xf32> to vector<16xf32>
      tpu.vector_store %arg6[%swap3A_44], %swap3A_47 {strides = array<i32>} : memref<640xf32, #tpu.memory_space<vmem>>, vector<16xf32>,
    }
    %scan3A_27 = arith.constant 40 : i32
    "tpu.region"() ({
      %run_scoped3A = tpu.sem_alloc : memref<!tpu.dma_semaphore, #tpu.memory_space<semaphore_mem>>
      %dma_start3A = tpu.memref_slice %arg7[%mul3A_0] : memref<10240xf32, #tpu.memory_space<vmem_shared>> -> memref<640xf32, #tpu.memory_space<vmem_shared>>
      %dma_start3A_41 = tpu.memref_slice %arg7[%mul3A_0] : memref<10240xf32, #tpu.memory_space<vmem_shared>> -> memref<640xf32, #tpu.memory_space<vmem_shared>>
      tpu.enqueue_dma source(%arg6 : memref<640xf32, #tpu.memory_space<vmem>>) target(%dma_start3A_41 : memref<640xf32, #tpu.memory_space<vmem_shared>>) target_semaphore(%run_scoped3A : memref<!tpu.dma_semaphore, #tpu.memory_space<semaphore_mem>>)
      %dma_wait3A = tpu.memref_slice %arg7[%mul3A_0] : memref<10240xf32, #tpu.memory_space<vmem_shared>> -> memref<640xf32, #tpu.memory_space<vmem_shared>>
      %dma_wait3A_42 = tpu.memref_slice %arg7[%mul3A_0] : memref<10240xf32, #tpu.memory_space<vmem_shared>> -> memref<640xf32, #tpu.memory_space<vmem_shared>>
      tpu.wait_dma2 semaphore(%run_scoped3A : memref<!tpu.dma_semaphore, #tpu.memory_space<semaphore_mem>>) src(%arg6 : memref<640xf32, #tpu.memory_space<vmem>>) dst(%dma_wait3A_42 : memref<640xf32, #tpu.memory_space<vmem_shared>>)
      tpu.yield
    }) : () -> ()
    "tpu.region"() ({
      %run_scoped3A = tpu.sem_alloc : memref<!tpu.dma_semaphore, #tpu.memory_space<semaphore_mem>>
      %dma_start3A = arith.constant 0 : i32
      %dma_start3A_41 = arith.constant 0 : i32
      %dma_start3A_42 = tpu.memref_slice %arg2[%arg0, %arg1, %dma_start3A, %dma_start3A_41] : memref<2x16x250x80xi32, #tpu.memory_space<hbm>> -> memref<1x1x250x80xi32, #tpu.memory_space<hbm>>
      %dma_start3A_43 = tpu.memref_squeeze %dma_start3A_42 : memref<1x1x250x80xi32, #tpu.memory_space<hbm>> -> memref<250x80xi32, #tpu.memory_space<hbm>>
      %dma_start3A_44 = arith.constant 0 : i32
      %dma_start3A_45 = arith.constant 0 : i32
      %dma_start3A_46 = tpu.memref_slice %arg2[%arg0, %arg1, %dma_start3A_44, %dma_start3A_45] : memref<2x16x250x80xi32, #tpu.memory_space<hbm>> -> memref<1x1x250x80xi32, #tpu.memory_space<hbm>>
      %dma_start3A_47 = tpu.memref_squeeze %dma_start3A_46 : memref<1x1x250x80xi32, #tpu.memory_space<hbm>> -> memref<250x80xi32, #tpu.memory_space<hbm>>
      tpu.enqueue_dma source(%dma_start3A_47 : memref<250x80xi32, #tpu.memory_space<hbm>>) target(%arg4 : memref<250x80xi32, #tpu.memory_space<vmem>>) target_semaphore(%run_scoped3A : memref<!tpu.dma_semaphore, #tpu.memory_space<semaphore_mem>>)
      %dma_wait3A = arith.constant 0 : i32
      %dma_wait3A_48 = arith.constant 0 : i32
      %dma_wait3A_49 = tpu.memref_slice %arg2[%arg0, %arg1, %dma_wait3A, %dma_wait3A_48] : memref<2x16x250x80xi32, #tpu.memory_space<hbm>> -> memref<1x1x250x80xi32, #tpu.memory_space<hbm>>
      %dma_wait3A_50 = tpu.memref_squeeze %dma_wait3A_49 : memref<1x1x250x80xi32, #tpu.memory_space<hbm>> -> memref<250x80xi32, #tpu.memory_space<hbm>>
      %dma_wait3A_51 = arith.constant 0 : i32
      %dma_wait3A_52 = arith.constant 0 : i32
      %dma_wait3A_53 = tpu.memref_slice %arg2[%arg0, %arg1, %dma_wait3A_51, %dma_wait3A_52] : memref<2x16x250x80xi32, #tpu.memory_space<hbm>> -> memref<1x1x250x80xi32, #tpu.memory_space<hbm>>
      %dma_wait3A_54 = tpu.memref_squeeze %dma_wait3A_53 : memref<1x1x250x80xi32, #tpu.memory_space<hbm>> -> memref<250x80xi32, #tpu.memory_space<hbm>>
      tpu.wait_dma2 semaphore(%run_scoped3A : memref<!tpu.dma_semaphore, #tpu.memory_space<semaphore_mem>>) src(%dma_wait3A_54 : memref<250x80xi32, #tpu.memory_space<hbm>>) dst(%arg4 : memref<250x80xi32, #tpu.memory_space<vmem>>)
      tpu.yield
    }) : () -> ()
    %barrier3A = arith.constant 0 : index
    tpu.barrier barrier_id(%barrier3A)
    %scan3A_28 = arith.constant 0 : i32
    %scan3A_29 = arith.constant 0 : i32
    %scan3A_30 = arith.constant 250 : i32
    %scan3A_31 = arith.addi %scan3A_29, %scan3A_30 : i32
    %scan3A_32 = arith.constant 1 : i32
    scf.for %scan3A_41 = %scan3A_29 to %scan3A_31 step %scan3A_32  : i32 {
      %dma_start3A = arith.constant 0 : i32
      %dma_start3A_42 = tpu.memref_slice %arg4[%scan3A_41, %dma_start3A] : memref<250x80xi32, #tpu.memory_space<vmem>> -> memref<1x80xi32, #tpu.memory_space<vmem>>
      %dma_start3A_43 = tpu.memref_squeeze %dma_start3A_42 : memref<1x80xi32, #tpu.memory_space<vmem>> -> memref<80xi32, #tpu.memory_space<vmem>>
      %dma_start3A_44 = arith.constant 0 : i32
      %dma_start3A_45 = tpu.memref_slice %arg7[%dma_start3A_44] : memref<10240xf32, #tpu.memory_space<vmem_shared>> -> memref<10240xf32, #tpu.memory_space<vmem_shared>>
      tpu.enqueue_indirect_dma source(%arg5 : memref<80xf32, #tpu.memory_space<vmem>>) target(%dma_start3A_45 : memref<10240xf32, #tpu.memory_space<vmem_shared>>) offsets(%dma_start3A_43 : memref<80xi32, #tpu.memory_space<vmem>>) semaphore(%arg8 : memref<!tpu.dma_semaphore, #tpu.memory_space<semaphore_mem>>) {add = true}
    }
    %scan3A_33 = arith.constant 250 : i32
    %scan3A_34 = arith.constant 0 : i32
    %scan3A_35 = arith.constant 0 : i32
    %scan3A_36 = arith.constant 250 : i32
    %scan3A_37 = arith.addi %scan3A_35, %scan3A_36 : i32
    %scan3A_38 = arith.constant 1 : i32
    scf.for %scan3A_41 = %scan3A_35 to %scan3A_37 step %scan3A_38  : i32 {
      %dma_wait3A = arith.constant 0 : i32
      %dma_wait3A_42 = tpu.memref_slice %arg4[%scan3A_41, %dma_wait3A] : memref<250x80xi32, #tpu.memory_space<vmem>> -> memref<1x80xi32, #tpu.memory_space<vmem>>
      %dma_wait3A_43 = tpu.memref_squeeze %dma_wait3A_42 : memref<1x80xi32, #tpu.memory_space<vmem>> -> memref<80xi32, #tpu.memory_space<vmem>>
      %dma_wait3A_44 = arith.constant 0 : i32
      %dma_wait3A_45 = tpu.memref_slice %arg7[%dma_wait3A_44] : memref<10240xf32, #tpu.memory_space<vmem_shared>> -> memref<10240xf32, #tpu.memory_space<vmem_shared>>
      tpu.wait_indirect_dma semaphore(%arg8 : memref<!tpu.dma_semaphore, #tpu.memory_space<semaphore_mem>>) src(%arg5 : memref<80xf32, #tpu.memory_space<vmem>>) dst(%dma_wait3A_45 : memref<10240xf32, #tpu.memory_space<vmem_shared>>)
    }
    %scan3A_39 = arith.constant 250 : i32
    %barrier3A_40 = arith.constant 0 : index
    tpu.barrier barrier_id(%barrier3A_40)
    "tpu.region"() ({
      %run_scoped3A = tpu.sem_alloc : memref<!tpu.dma_semaphore, #tpu.memory_space<semaphore_mem>>
      %dma_start3A = tpu.memref_slice %arg3[%arg0, %mul3A_0] : memref<2x10240xf32, #tpu.memory_space<hbm>> -> memref<1x640xf32, #tpu.memory_space<hbm>>
      %dma_start3A_41 = tpu.memref_squeeze %dma_start3A : memref<1x640xf32, #tpu.memory_space<hbm>> -> memref<640xf32, #tpu.memory_space<hbm>>
      %dma_start3A_42 = tpu.memref_slice %arg7[%mul3A_0] : memref<10240xf32, #tpu.memory_space<vmem_shared>> -> memref<640xf32, #tpu.memory_space<vmem_shared>>
      tpu.enqueue_dma source(%dma_start3A_42 : memref<640xf32, #tpu.memory_space<vmem_shared>>) target(%dma_start3A_41 : memref<640xf32, #tpu.memory_space<hbm>>) target_semaphore(%run_scoped3A : memref<!tpu.dma_semaphore, #tpu.memory_space<semaphore_mem>>)
      %dma_wait3A = tpu.memref_slice %arg3[%arg0, %mul3A_0] : memref<2x10240xf32, #tpu.memory_space<hbm>> -> memref<1x640xf32, #tpu.memory_space<hbm>>
      %dma_wait3A_43 = tpu.memref_squeeze %dma_wait3A : memref<1x640xf32, #tpu.memory_space<hbm>> -> memref<640xf32, #tpu.memory_space<hbm>>
      %dma_wait3A_44 = tpu.memref_slice %arg7[%mul3A_0] : memref<10240xf32, #tpu.memory_space<vmem_shared>> -> memref<640xf32, #tpu.memory_space<vmem_shared>>
      tpu.wait_dma2 semaphore(%run_scoped3A : memref<!tpu.dma_semaphore, #tpu.memory_space<semaphore_mem>>) src(%dma_wait3A_44 : memref<640xf32, #tpu.memory_space<vmem_shared>>) dst(%dma_wait3A_43 : memref<640xf32, #tpu.memory_space<hbm>>)
      tpu.yield
    }) : () -> ()
    return
  }
}

#map = affine_map<(d0, d1) -> (0, 0, 0)>
#map1 = affine_map<(d0, d1) -> (0)>
module attributes {stable_mosaic.version = 14 : i64} {
  func.func @_sc_final_body(%arg0: i32, %arg1: i32, %arg2: memref<16x250x80xi32, #tpu.memory_space<hbm>>, %arg3: memref<16x250x80xi32, #tpu.memory_space<hbm>>, %arg4: memref<10240xf32, #tpu.memory_space<hbm>>, %arg5: memref<10240xf32, #tpu.memory_space<hbm>>, %arg6: memref<128xf32, #tpu.memory_space<hbm>>, %arg7: memref<10240xf32, #tpu.memory_space<hbm>>, %arg8: memref<250x80xi32, #tpu.memory_space<vmem>>, %arg9: memref<250x80xi32, #tpu.memory_space<vmem>>, %arg10: memref<250x80xf32, #tpu.memory_space<vmem>>, %arg11: memref<10240xf32, #tpu.memory_space<vmem_shared>>, %arg12: memref<640xf32, #tpu.memory_space<vmem>>, %arg13: memref<640xf32, #tpu.memory_space<vmem>>, %arg14: memref<16xf32, #tpu.memory_space<vmem>>, %arg15: memref<10240xf32, #tpu.memory_space<vmem_shared>>, %arg16: memref<!tpu.dma_semaphore, #tpu.memory_space<semaphore_mem>>) attributes {dimension_semantics = [#tpu.dimension_semantics<core_parallel>, #tpu.dimension_semantics<subcore_parallel>], iteration_bounds = array<i64: 2, 16>, scalar_prefetch = 0 : i64, scratch_operands = 9 : i64, tpu.core_type = #tpu.core_type<sc_vector_subcore>, window_params = [{transform_indices = #map}, {transform_indices = #map}, {transform_indices = #map1}, {transform_indices = #map1}, {transform_indices = #map1}, {transform_indices = #map1}]} {
    %mul3A = arith.constant 640 : i32
    %mul3A_0 = arith.muli %arg1, %mul3A : i32
    %eq3A = arith.constant 0 : i32
    %eq3A_1 = arith.cmpi eq, %arg0, %eq3A : i32
    %convert_element_type3A = arith.extui %eq3A_1 : i1 to i32
    %cond3A = arith.constant 0 : i32
    %cond3A_2 = arith.cmpi ne, %convert_element_type3A, %cond3A : i32
    scf.if %cond3A_2 {
      %broadcast_in_dim3A = arith.constant 0.000000e+00 : f32
      %broadcast_in_dim3A_3 = vector.broadcast %broadcast_in_dim3A : f32 to vector<16xf32>
      %scan3A = arith.constant 0 : i32
      %scan3A_4 = arith.constant 0 : i32
      %scan3A_5 = arith.constant 40 : i32
      %scan3A_6 = arith.addi %scan3A_4, %scan3A_5 : i32
      %scan3A_7 = arith.constant 1 : i32
      scf.for %scan3A_42 = %scan3A_4 to %scan3A_6 step %scan3A_7  : i32 {
        %mul3A_43 = arith.constant 16 : i32
        %mul3A_44 = arith.muli %scan3A_42, %mul3A_43 : i32
        %swap3A = arith.index_cast %mul3A_44 : i32 to index
        %swap3A_45 = tpu.vector_load %arg12[%swap3A] {strides = array<i32>} : memref<640xf32, #tpu.memory_space<vmem>>, vector<16xf32>,
        %swap3A_46 = vector.shape_cast %swap3A_45 : vector<16xf32> to vector<16xf32>
        %swap3A_47 = vector.shape_cast %broadcast_in_dim3A_3 : vector<16xf32> to vector<16xf32>
        tpu.vector_store %arg12[%swap3A], %swap3A_47 {strides = array<i32>} : memref<640xf32, #tpu.memory_space<vmem>>, vector<16xf32>,
      }
      %scan3A_8 = arith.constant 40 : i32
      "tpu.region"() ({
        %run_scoped3A = tpu.sem_alloc : memref<!tpu.dma_semaphore, #tpu.memory_space<semaphore_mem>>
        %dma_start3A = tpu.memref_slice %arg15[%mul3A_0] : memref<10240xf32, #tpu.memory_space<vmem_shared>> -> memref<640xf32, #tpu.memory_space<vmem_shared>>
        %dma_start3A_42 = tpu.memref_slice %arg15[%mul3A_0] : memref<10240xf32, #tpu.memory_space<vmem_shared>> -> memref<640xf32, #tpu.memory_space<vmem_shared>>
        tpu.enqueue_dma source(%arg12 : memref<640xf32, #tpu.memory_space<vmem>>) target(%dma_start3A_42 : memref<640xf32, #tpu.memory_space<vmem_shared>>) target_semaphore(%run_scoped3A : memref<!tpu.dma_semaphore, #tpu.memory_space<semaphore_mem>>)
        %dma_wait3A = tpu.memref_slice %arg15[%mul3A_0] : memref<10240xf32, #tpu.memory_space<vmem_shared>> -> memref<640xf32, #tpu.memory_space<vmem_shared>>
        %dma_wait3A_43 = tpu.memref_slice %arg15[%mul3A_0] : memref<10240xf32, #tpu.memory_space<vmem_shared>> -> memref<640xf32, #tpu.memory_space<vmem_shared>>
        tpu.wait_dma2 semaphore(%run_scoped3A : memref<!tpu.dma_semaphore, #tpu.memory_space<semaphore_mem>>) src(%arg12 : memref<640xf32, #tpu.memory_space<vmem>>) dst(%dma_wait3A_43 : memref<640xf32, #tpu.memory_space<vmem_shared>>)
        tpu.yield
      }) : () -> ()
      "tpu.region"() ({
        %run_scoped3A = tpu.sem_alloc : memref<!tpu.dma_semaphore, #tpu.memory_space<semaphore_mem>>
        %dma_start3A = arith.constant 0 : i32
        %dma_start3A_42 = arith.constant 0 : i32
        %dma_start3A_43 = tpu.memref_slice %arg2[%arg1, %dma_start3A, %dma_start3A_42] : memref<16x250x80xi32, #tpu.memory_space<hbm>> -> memref<1x250x80xi32, #tpu.memory_space<hbm>>
        %dma_start3A_44 = tpu.memref_squeeze %dma_start3A_43 : memref<1x250x80xi32, #tpu.memory_space<hbm>> -> memref<250x80xi32, #tpu.memory_space<hbm>>
        %dma_start3A_45 = arith.constant 0 : i32
        %dma_start3A_46 = arith.constant 0 : i32
        %dma_start3A_47 = tpu.memref_slice %arg2[%arg1, %dma_start3A_45, %dma_start3A_46] : memref<16x250x80xi32, #tpu.memory_space<hbm>> -> memref<1x250x80xi32, #tpu.memory_space<hbm>>
        %dma_start3A_48 = tpu.memref_squeeze %dma_start3A_47 : memref<1x250x80xi32, #tpu.memory_space<hbm>> -> memref<250x80xi32, #tpu.memory_space<hbm>>
        tpu.enqueue_dma source(%dma_start3A_48 : memref<250x80xi32, #tpu.memory_space<hbm>>) target(%arg8 : memref<250x80xi32, #tpu.memory_space<vmem>>) target_semaphore(%run_scoped3A : memref<!tpu.dma_semaphore, #tpu.memory_space<semaphore_mem>>)
        %dma_wait3A = arith.constant 0 : i32
        %dma_wait3A_49 = arith.constant 0 : i32
        %dma_wait3A_50 = tpu.memref_slice %arg2[%arg1, %dma_wait3A, %dma_wait3A_49] : memref<16x250x80xi32, #tpu.memory_space<hbm>> -> memref<1x250x80xi32, #tpu.memory_space<hbm>>
        %dma_wait3A_51 = tpu.memref_squeeze %dma_wait3A_50 : memref<1x250x80xi32, #tpu.memory_space<hbm>> -> memref<250x80xi32, #tpu.memory_space<hbm>>
        %dma_wait3A_52 = arith.constant 0 : i32
        %dma_wait3A_53 = arith.constant 0 : i32
        %dma_wait3A_54 = tpu.memref_slice %arg2[%arg1, %dma_wait3A_52, %dma_wait3A_53] : memref<16x250x80xi32, #tpu.memory_space<hbm>> -> memref<1x250x80xi32, #tpu.memory_space<hbm>>
        %dma_wait3A_55 = tpu.memref_squeeze %dma_wait3A_54 : memref<1x250x80xi32, #tpu.memory_space<hbm>> -> memref<250x80xi32, #tpu.memory_space<hbm>>
        tpu.wait_dma2 semaphore(%run_scoped3A : memref<!tpu.dma_semaphore, #tpu.memory_space<semaphore_mem>>) src(%dma_wait3A_55 : memref<250x80xi32, #tpu.memory_space<hbm>>) dst(%arg8 : memref<250x80xi32, #tpu.memory_space<vmem>>)
        tpu.yield
      }) : () -> ()
      "tpu.region"() ({
        %run_scoped3A = tpu.sem_alloc : memref<!tpu.dma_semaphore, #tpu.memory_space<semaphore_mem>>
        %dma_start3A = arith.constant 0 : i32
        %dma_start3A_42 = arith.constant 0 : i32
        %dma_start3A_43 = tpu.memref_slice %arg3[%arg1, %dma_start3A, %dma_start3A_42] : memref<16x250x80xi32, #tpu.memory_space<hbm>> -> memref<1x250x80xi32, #tpu.memory_space<hbm>>
        %dma_start3A_44 = tpu.memref_squeeze %dma_start3A_43 : memref<1x250x80xi32, #tpu.memory_space<hbm>> -> memref<250x80xi32, #tpu.memory_space<hbm>>
        %dma_start3A_45 = arith.constant 0 : i32
        %dma_start3A_46 = arith.constant 0 : i32
        %dma_start3A_47 = tpu.memref_slice %arg3[%arg1, %dma_start3A_45, %dma_start3A_46] : memref<16x250x80xi32, #tpu.memory_space<hbm>> -> memref<1x250x80xi32, #tpu.memory_space<hbm>>
        %dma_start3A_48 = tpu.memref_squeeze %dma_start3A_47 : memref<1x250x80xi32, #tpu.memory_space<hbm>> -> memref<250x80xi32, #tpu.memory_space<hbm>>
        tpu.enqueue_dma source(%dma_start3A_48 : memref<250x80xi32, #tpu.memory_space<hbm>>) target(%arg9 : memref<250x80xi32, #tpu.memory_space<vmem>>) target_semaphore(%run_scoped3A : memref<!tpu.dma_semaphore, #tpu.memory_space<semaphore_mem>>)
        %dma_wait3A = arith.constant 0 : i32
        %dma_wait3A_49 = arith.constant 0 : i32
        %dma_wait3A_50 = tpu.memref_slice %arg3[%arg1, %dma_wait3A, %dma_wait3A_49] : memref<16x250x80xi32, #tpu.memory_space<hbm>> -> memref<1x250x80xi32, #tpu.memory_space<hbm>>
        %dma_wait3A_51 = tpu.memref_squeeze %dma_wait3A_50 : memref<1x250x80xi32, #tpu.memory_space<hbm>> -> memref<250x80xi32, #tpu.memory_space<hbm>>
        %dma_wait3A_52 = arith.constant 0 : i32
        %dma_wait3A_53 = arith.constant 0 : i32
        %dma_wait3A_54 = tpu.memref_slice %arg3[%arg1, %dma_wait3A_52, %dma_wait3A_53] : memref<16x250x80xi32, #tpu.memory_space<hbm>> -> memref<1x250x80xi32, #tpu.memory_space<hbm>>
        %dma_wait3A_55 = tpu.memref_squeeze %dma_wait3A_54 : memref<1x250x80xi32, #tpu.memory_space<hbm>> -> memref<250x80xi32, #tpu.memory_space<hbm>>
        tpu.wait_dma2 semaphore(%run_scoped3A : memref<!tpu.dma_semaphore, #tpu.memory_space<semaphore_mem>>) src(%dma_wait3A_55 : memref<250x80xi32, #tpu.memory_space<hbm>>) dst(%arg9 : memref<250x80xi32, #tpu.memory_space<vmem>>)
        tpu.yield
      }) : () -> ()
      "tpu.region"() ({
        %run_scoped3A = tpu.sem_alloc : memref<!tpu.dma_semaphore, #tpu.memory_space<semaphore_mem>>
        %dma_start3A = tpu.memref_slice %arg11[%mul3A_0] : memref<10240xf32, #tpu.memory_space<vmem_shared>> -> memref<640xf32, #tpu.memory_space<vmem_shared>>
        %dma_start3A_42 = tpu.memref_slice %arg4[%mul3A_0] : memref<10240xf32, #tpu.memory_space<hbm>> -> memref<640xf32, #tpu.memory_space<hbm>>
        tpu.enqueue_dma source(%dma_start3A_42 : memref<640xf32, #tpu.memory_space<hbm>>) target(%dma_start3A : memref<640xf32, #tpu.memory_space<vmem_shared>>) target_semaphore(%run_scoped3A : memref<!tpu.dma_semaphore, #tpu.memory_space<semaphore_mem>>)
        %dma_wait3A = tpu.memref_slice %arg11[%mul3A_0] : memref<10240xf32, #tpu.memory_space<vmem_shared>> -> memref<640xf32, #tpu.memory_space<vmem_shared>>
        %dma_wait3A_43 = tpu.memref_slice %arg4[%mul3A_0] : memref<10240xf32, #tpu.memory_space<hbm>> -> memref<640xf32, #tpu.memory_space<hbm>>
        tpu.wait_dma2 semaphore(%run_scoped3A : memref<!tpu.dma_semaphore, #tpu.memory_space<semaphore_mem>>) src(%dma_wait3A_43 : memref<640xf32, #tpu.memory_space<hbm>>) dst(%dma_wait3A : memref<640xf32, #tpu.memory_space<vmem_shared>>)
        tpu.yield
      }) : () -> ()
      %barrier3A = arith.constant 0 : index
      tpu.barrier barrier_id(%barrier3A)
      %scan3A_9 = arith.constant 0 : i32
      %scan3A_10 = arith.constant 0 : i32
      %scan3A_11 = arith.constant 250 : i32
      %scan3A_12 = arith.addi %scan3A_10, %scan3A_11 : i32
      %scan3A_13 = arith.constant 1 : i32
      scf.for %scan3A_42 = %scan3A_10 to %scan3A_12 step %scan3A_13  : i32 {
        %dma_start3A = arith.constant 0 : i32
        %dma_start3A_43 = tpu.memref_slice %arg10[%scan3A_42, %dma_start3A] : memref<250x80xf32, #tpu.memory_space<vmem>> -> memref<1x80xf32, #tpu.memory_space<vmem>>
        %dma_start3A_44 = tpu.memref_squeeze %dma_start3A_43 : memref<1x80xf32, #tpu.memory_space<vmem>> -> memref<80xf32, #tpu.memory_space<vmem>>
        %dma_start3A_45 = arith.constant 0 : i32
        %dma_start3A_46 = tpu.memref_slice %arg8[%scan3A_42, %dma_start3A_45] : memref<250x80xi32, #tpu.memory_space<vmem>> -> memref<1x80xi32, #tpu.memory_space<vmem>>
        %dma_start3A_47 = tpu.memref_squeeze %dma_start3A_46 : memref<1x80xi32, #tpu.memory_space<vmem>> -> memref<80xi32, #tpu.memory_space<vmem>>
        %dma_start3A_48 = arith.constant 0 : i32
        %dma_start3A_49 = tpu.memref_slice %arg11[%dma_start3A_48] : memref<10240xf32, #tpu.memory_space<vmem_shared>> -> memref<10240xf32, #tpu.memory_space<vmem_shared>>
        tpu.enqueue_indirect_dma source(%dma_start3A_49 : memref<10240xf32, #tpu.memory_space<vmem_shared>>) target(%dma_start3A_44 : memref<80xf32, #tpu.memory_space<vmem>>) offsets(%dma_start3A_47 : memref<80xi32, #tpu.memory_space<vmem>>) semaphore(%arg16 : memref<!tpu.dma_semaphore, #tpu.memory_space<semaphore_mem>>)
      }
      %scan3A_14 = arith.constant 250 : i32
      %scan3A_15 = arith.constant 0 : i32
      %scan3A_16 = arith.constant 0 : i32
      %scan3A_17 = arith.constant 250 : i32
      %scan3A_18 = arith.addi %scan3A_16, %scan3A_17 : i32
      %scan3A_19 = arith.constant 1 : i32
      scf.for %scan3A_42 = %scan3A_16 to %scan3A_18 step %scan3A_19  : i32 {
        %dma_wait3A = arith.constant 0 : i32
        %dma_wait3A_43 = tpu.memref_slice %arg10[%scan3A_42, %dma_wait3A] : memref<250x80xf32, #tpu.memory_space<vmem>> -> memref<1x80xf32, #tpu.memory_space<vmem>>
        %dma_wait3A_44 = tpu.memref_squeeze %dma_wait3A_43 : memref<1x80xf32, #tpu.memory_space<vmem>> -> memref<80xf32, #tpu.memory_space<vmem>>
        %dma_wait3A_45 = arith.constant 0 : i32
        %dma_wait3A_46 = tpu.memref_slice %arg8[%scan3A_42, %dma_wait3A_45] : memref<250x80xi32, #tpu.memory_space<vmem>> -> memref<1x80xi32, #tpu.memory_space<vmem>>
        %dma_wait3A_47 = tpu.memref_squeeze %dma_wait3A_46 : memref<1x80xi32, #tpu.memory_space<vmem>> -> memref<80xi32, #tpu.memory_space<vmem>>
        %dma_wait3A_48 = arith.constant 0 : i32
        %dma_wait3A_49 = tpu.memref_slice %arg11[%dma_wait3A_48] : memref<10240xf32, #tpu.memory_space<vmem_shared>> -> memref<10240xf32, #tpu.memory_space<vmem_shared>>
        tpu.wait_indirect_dma semaphore(%arg16 : memref<!tpu.dma_semaphore, #tpu.memory_space<semaphore_mem>>) src(%dma_wait3A_49 : memref<10240xf32, #tpu.memory_space<vmem_shared>>) dst(%dma_wait3A_44 : memref<80xf32, #tpu.memory_space<vmem>>)
      }
      %scan3A_20 = arith.constant 250 : i32
      %scan3A_21 = arith.constant 0 : i32
      %scan3A_22 = arith.constant 0 : i32
      %scan3A_23 = arith.constant 250 : i32
      %scan3A_24 = arith.addi %scan3A_22, %scan3A_23 : i32
      %scan3A_25 = arith.constant 1 : i32
      scf.for %scan3A_42 = %scan3A_22 to %scan3A_24 step %scan3A_25  : i32 {
        %dma_start3A = arith.constant 0 : i32
        %dma_start3A_43 = tpu.memref_slice %arg10[%scan3A_42, %dma_start3A] : memref<250x80xf32, #tpu.memory_space<vmem>> -> memref<1x80xf32, #tpu.memory_space<vmem>>
        %dma_start3A_44 = tpu.memref_squeeze %dma_start3A_43 : memref<1x80xf32, #tpu.memory_space<vmem>> -> memref<80xf32, #tpu.memory_space<vmem>>
        %dma_start3A_45 = arith.constant 0 : i32
        %dma_start3A_46 = tpu.memref_slice %arg9[%scan3A_42, %dma_start3A_45] : memref<250x80xi32, #tpu.memory_space<vmem>> -> memref<1x80xi32, #tpu.memory_space<vmem>>
        %dma_start3A_47 = tpu.memref_squeeze %dma_start3A_46 : memref<1x80xi32, #tpu.memory_space<vmem>> -> memref<80xi32, #tpu.memory_space<vmem>>
        %dma_start3A_48 = arith.constant 0 : i32
        %dma_start3A_49 = tpu.memref_slice %arg15[%dma_start3A_48] : memref<10240xf32, #tpu.memory_space<vmem_shared>> -> memref<10240xf32, #tpu.memory_space<vmem_shared>>
        tpu.enqueue_indirect_dma source(%dma_start3A_44 : memref<80xf32, #tpu.memory_space<vmem>>) target(%dma_start3A_49 : memref<10240xf32, #tpu.memory_space<vmem_shared>>) offsets(%dma_start3A_47 : memref<80xi32, #tpu.memory_space<vmem>>) semaphore(%arg16 : memref<!tpu.dma_semaphore, #tpu.memory_space<semaphore_mem>>) {add = true}
      }
      %scan3A_26 = arith.constant 250 : i32
      %scan3A_27 = arith.constant 0 : i32
      %scan3A_28 = arith.constant 0 : i32
      %scan3A_29 = arith.constant 250 : i32
      %scan3A_30 = arith.addi %scan3A_28, %scan3A_29 : i32
      %scan3A_31 = arith.constant 1 : i32
      scf.for %scan3A_42 = %scan3A_28 to %scan3A_30 step %scan3A_31  : i32 {
        %dma_wait3A = arith.constant 0 : i32
        %dma_wait3A_43 = tpu.memref_slice %arg10[%scan3A_42, %dma_wait3A] : memref<250x80xf32, #tpu.memory_space<vmem>> -> memref<1x80xf32, #tpu.memory_space<vmem>>
        %dma_wait3A_44 = tpu.memref_squeeze %dma_wait3A_43 : memref<1x80xf32, #tpu.memory_space<vmem>> -> memref<80xf32, #tpu.memory_space<vmem>>
        %dma_wait3A_45 = arith.constant 0 : i32
        %dma_wait3A_46 = tpu.memref_slice %arg9[%scan3A_42, %dma_wait3A_45] : memref<250x80xi32, #tpu.memory_space<vmem>> -> memref<1x80xi32, #tpu.memory_space<vmem>>
        %dma_wait3A_47 = tpu.memref_squeeze %dma_wait3A_46 : memref<1x80xi32, #tpu.memory_space<vmem>> -> memref<80xi32, #tpu.memory_space<vmem>>
        %dma_wait3A_48 = arith.constant 0 : i32
        %dma_wait3A_49 = tpu.memref_slice %arg15[%dma_wait3A_48] : memref<10240xf32, #tpu.memory_space<vmem_shared>> -> memref<10240xf32, #tpu.memory_space<vmem_shared>>
        tpu.wait_indirect_dma semaphore(%arg16 : memref<!tpu.dma_semaphore, #tpu.memory_space<semaphore_mem>>) src(%dma_wait3A_44 : memref<80xf32, #tpu.memory_space<vmem>>) dst(%dma_wait3A_49 : memref<10240xf32, #tpu.memory_space<vmem_shared>>)
      }
      %scan3A_32 = arith.constant 250 : i32
      %barrier3A_33 = arith.constant 0 : index
      tpu.barrier barrier_id(%barrier3A_33)
      "tpu.region"() ({
        %run_scoped3A = tpu.sem_alloc : memref<!tpu.dma_semaphore, #tpu.memory_space<semaphore_mem>>
        %dma_start3A = tpu.memref_slice %arg15[%mul3A_0] : memref<10240xf32, #tpu.memory_space<vmem_shared>> -> memref<640xf32, #tpu.memory_space<vmem_shared>>
        %dma_start3A_42 = tpu.memref_slice %arg15[%mul3A_0] : memref<10240xf32, #tpu.memory_space<vmem_shared>> -> memref<640xf32, #tpu.memory_space<vmem_shared>>
        tpu.enqueue_dma source(%dma_start3A_42 : memref<640xf32, #tpu.memory_space<vmem_shared>>) target(%arg12 : memref<640xf32, #tpu.memory_space<vmem>>) target_semaphore(%run_scoped3A : memref<!tpu.dma_semaphore, #tpu.memory_space<semaphore_mem>>)
        %dma_wait3A = tpu.memref_slice %arg15[%mul3A_0] : memref<10240xf32, #tpu.memory_space<vmem_shared>> -> memref<640xf32, #tpu.memory_space<vmem_shared>>
        %dma_wait3A_43 = tpu.memref_slice %arg15[%mul3A_0] : memref<10240xf32, #tpu.memory_space<vmem_shared>> -> memref<640xf32, #tpu.memory_space<vmem_shared>>
        tpu.wait_dma2 semaphore(%run_scoped3A : memref<!tpu.dma_semaphore, #tpu.memory_space<semaphore_mem>>) src(%dma_wait3A_43 : memref<640xf32, #tpu.memory_space<vmem_shared>>) dst(%arg12 : memref<640xf32, #tpu.memory_space<vmem>>)
        tpu.yield
      }) : () -> ()
      "tpu.region"() ({
        %run_scoped3A = tpu.sem_alloc : memref<!tpu.dma_semaphore, #tpu.memory_space<semaphore_mem>>
        %dma_start3A = tpu.memref_slice %arg5[%mul3A_0] : memref<10240xf32, #tpu.memory_space<hbm>> -> memref<640xf32, #tpu.memory_space<hbm>>
        %dma_start3A_42 = tpu.memref_slice %arg5[%mul3A_0] : memref<10240xf32, #tpu.memory_space<hbm>> -> memref<640xf32, #tpu.memory_space<hbm>>
        tpu.enqueue_dma source(%dma_start3A_42 : memref<640xf32, #tpu.memory_space<hbm>>) target(%arg13 : memref<640xf32, #tpu.memory_space<vmem>>) target_semaphore(%run_scoped3A : memref<!tpu.dma_semaphore, #tpu.memory_space<semaphore_mem>>)
        %dma_wait3A = tpu.memref_slice %arg5[%mul3A_0] : memref<10240xf32, #tpu.memory_space<hbm>> -> memref<640xf32, #tpu.memory_space<hbm>>
        %dma_wait3A_43 = tpu.memref_slice %arg5[%mul3A_0] : memref<10240xf32, #tpu.memory_space<hbm>> -> memref<640xf32, #tpu.memory_space<hbm>>
        tpu.wait_dma2 semaphore(%run_scoped3A : memref<!tpu.dma_semaphore, #tpu.memory_space<semaphore_mem>>) src(%dma_wait3A_43 : memref<640xf32, #tpu.memory_space<hbm>>) dst(%arg13 : memref<640xf32, #tpu.memory_space<vmem>>)
        tpu.yield
      }) : () -> ()
      "tpu.region"() ({
        %run_scoped3A = tpu.sem_alloc : memref<!tpu.dma_semaphore, #tpu.memory_space<semaphore_mem>>
        %dma_start3A = arith.constant 0 : i32
        %dma_start3A_42 = tpu.memref_slice %arg6[%dma_start3A] : memref<128xf32, #tpu.memory_space<hbm>> -> memref<16xf32, #tpu.memory_space<hbm>>
        %dma_start3A_43 = arith.constant 0 : i32
        %dma_start3A_44 = tpu.memref_slice %arg6[%dma_start3A_43] : memref<128xf32, #tpu.memory_space<hbm>> -> memref<16xf32, #tpu.memory_space<hbm>>
        tpu.enqueue_dma source(%dma_start3A_44 : memref<16xf32, #tpu.memory_space<hbm>>) target(%arg14 : memref<16xf32, #tpu.memory_space<vmem>>) target_semaphore(%run_scoped3A : memref<!tpu.dma_semaphore, #tpu.memory_space<semaphore_mem>>)
        %dma_wait3A = arith.constant 0 : i32
        %dma_wait3A_45 = tpu.memref_slice %arg6[%dma_wait3A] : memref<128xf32, #tpu.memory_space<hbm>> -> memref<16xf32, #tpu.memory_space<hbm>>
        %dma_wait3A_46 = arith.constant 0 : i32
        %dma_wait3A_47 = tpu.memref_slice %arg6[%dma_wait3A_46] : memref<128xf32, #tpu.memory_space<hbm>> -> memref<16xf32, #tpu.memory_space<hbm>>
        tpu.wait_dma2 semaphore(%run_scoped3A : memref<!tpu.dma_semaphore, #tpu.memory_space<semaphore_mem>>) src(%dma_wait3A_47 : memref<16xf32, #tpu.memory_space<hbm>>) dst(%arg14 : memref<16xf32, #tpu.memory_space<vmem>>)
        tpu.yield
      }) : () -> ()
      %get3A = arith.constant 0 : index
      %get3A_34 = tpu.vector_load %arg14[%get3A] {strides = array<i32>} : memref<16xf32, #tpu.memory_space<vmem>>, vector<16xf32>,
      %get3A_35 = vector.shape_cast %get3A_34 : vector<16xf32> to vector<16xf32>
      %scan3A_36 = arith.constant 0 : i32
      %scan3A_37 = arith.constant 0 : i32
      %scan3A_38 = arith.constant 40 : i32
      %scan3A_39 = arith.addi %scan3A_37, %scan3A_38 : i32
      %scan3A_40 = arith.constant 1 : i32
      scf.for %scan3A_42 = %scan3A_37 to %scan3A_39 step %scan3A_40  : i32 {
        %mul3A_43 = arith.constant 16 : i32
        %mul3A_44 = arith.muli %scan3A_42, %mul3A_43 : i32
        %get3A_45 = arith.index_cast %mul3A_44 : i32 to index
        %get3A_46 = tpu.vector_load %arg12[%get3A_45] {strides = array<i32>} : memref<640xf32, #tpu.memory_space<vmem>>, vector<16xf32>,
        %get3A_47 = vector.shape_cast %get3A_46 : vector<16xf32> to vector<16xf32>
        %mul3A_48 = arith.constant 16 : i32
        %mul3A_49 = arith.muli %scan3A_42, %mul3A_48 : i32
        %get3A_50 = arith.index_cast %mul3A_49 : i32 to index
        %get3A_51 = tpu.vector_load %arg13[%get3A_50] {strides = array<i32>} : memref<640xf32, #tpu.memory_space<vmem>>, vector<16xf32>,
        %get3A_52 = vector.shape_cast %get3A_51 : vector<16xf32> to vector<16xf32>
        %mul3A_53 = arith.mulf %get3A_47, %get3A_52 : vector<16xf32>
        %add3A = arith.addf %mul3A_53, %get3A_35 : vector<16xf32>
        %mul3A_54 = arith.constant 16 : i32
        %mul3A_55 = arith.muli %scan3A_42, %mul3A_54 : i32
        %swap3A = arith.index_cast %mul3A_55 : i32 to index
        %swap3A_56 = tpu.vector_load %arg12[%swap3A] {strides = array<i32>} : memref<640xf32, #tpu.memory_space<vmem>>, vector<16xf32>,
        %swap3A_57 = vector.shape_cast %swap3A_56 : vector<16xf32> to vector<16xf32>
        %swap3A_58 = vector.shape_cast %add3A : vector<16xf32> to vector<16xf32>
        tpu.vector_store %arg12[%swap3A], %swap3A_58 {strides = array<i32>} : memref<640xf32, #tpu.memory_space<vmem>>, vector<16xf32>,
      }
      %scan3A_41 = arith.constant 40 : i32
      "tpu.region"() ({
        %run_scoped3A = tpu.sem_alloc : memref<!tpu.dma_semaphore, #tpu.memory_space<semaphore_mem>>
        %dma_start3A = tpu.memref_slice %arg7[%mul3A_0] : memref<10240xf32, #tpu.memory_space<hbm>> -> memref<640xf32, #tpu.memory_space<hbm>>
        %dma_start3A_42 = tpu.memref_slice %arg7[%mul3A_0] : memref<10240xf32, #tpu.memory_space<hbm>> -> memref<640xf32, #tpu.memory_space<hbm>>
        tpu.enqueue_dma source(%arg12 : memref<640xf32, #tpu.memory_space<vmem>>) target(%dma_start3A_42 : memref<640xf32, #tpu.memory_space<hbm>>) target_semaphore(%run_scoped3A : memref<!tpu.dma_semaphore, #tpu.memory_space<semaphore_mem>>)
        %dma_wait3A = tpu.memref_slice %arg7[%mul3A_0] : memref<10240xf32, #tpu.memory_space<hbm>> -> memref<640xf32, #tpu.memory_space<hbm>>
        %dma_wait3A_43 = tpu.memref_slice %arg7[%mul3A_0] : memref<10240xf32, #tpu.memory_space<hbm>> -> memref<640xf32, #tpu.memory_space<hbm>>
        tpu.wait_dma2 semaphore(%run_scoped3A : memref<!tpu.dma_semaphore, #tpu.memory_space<semaphore_mem>>) src(%arg12 : memref<640xf32, #tpu.memory_space<vmem>>) dst(%dma_wait3A_43 : memref<640xf32, #tpu.memory_space<hbm>>)
        tpu.yield
      }) : () -> ()
    } else {
    }
    return
  }
}

#map = affine_map<(d0, d1) -> (0, 0, 0)>
#map1 = affine_map<(d0, d1) -> (0, 0)>
module attributes {stable_mosaic.version = 14 : i64} {
  func.func @_sc_agg_body(%arg0: i32, %arg1: i32, %arg2: memref<16x250x80xi32, #tpu.memory_space<hbm>>, %arg3: memref<16x250x80xi32, #tpu.memory_space<hbm>>, %arg4: memref<20480x64xf32, #tpu.memory_space<hbm>>, %arg5: memref<2x10240x64xf32, #tpu.memory_space<hbm>>, %arg6: memref<250x80xi32, #tpu.memory_space<vmem>>, %arg7: memref<250x80xi32, #tpu.memory_space<vmem>>, %arg8: memref<80x64xf32, #tpu.memory_space<vmem>>, %arg9: memref<80x64xf32, #tpu.memory_space<vmem>>, %arg10: memref<80x64xf32, #tpu.memory_space<vmem>>, %arg11: memref<80x64xf32, #tpu.memory_space<vmem>>, %arg12: memref<80x64xf32, #tpu.memory_space<vmem>>, %arg13: memref<80x64xf32, #tpu.memory_space<vmem>>, %arg14: memref<80x64xf32, #tpu.memory_space<vmem>>, %arg15: memref<80x64xf32, #tpu.memory_space<vmem>>, %arg16: memref<10240x64xf32, #tpu.memory_space<vmem_shared>>, %arg17: memref<!tpu.dma_semaphore, #tpu.memory_space<semaphore_mem>>, %arg18: memref<!tpu.dma_semaphore, #tpu.memory_space<semaphore_mem>>, %arg19: memref<!tpu.dma_semaphore, #tpu.memory_space<semaphore_mem>>, %arg20: memref<!tpu.dma_semaphore, #tpu.memory_space<semaphore_mem>>, %arg21: memref<!tpu.dma_semaphore, #tpu.memory_space<semaphore_mem>>, %arg22: memref<!tpu.dma_semaphore, #tpu.memory_space<semaphore_mem>>, %arg23: memref<!tpu.dma_semaphore, #tpu.memory_space<semaphore_mem>>, %arg24: memref<!tpu.dma_semaphore, #tpu.memory_space<semaphore_mem>>, %arg25: memref<!tpu.dma_semaphore, #tpu.memory_space<semaphore_mem>>, %arg26: memref<!tpu.dma_semaphore, #tpu.memory_space<semaphore_mem>>, %arg27: memref<!tpu.dma_semaphore, #tpu.memory_space<semaphore_mem>>, %arg28: memref<!tpu.dma_semaphore, #tpu.memory_space<semaphore_mem>>, %arg29: memref<!tpu.dma_semaphore, #tpu.memory_space<semaphore_mem>>, %arg30: memref<!tpu.dma_semaphore, #tpu.memory_space<semaphore_mem>>, %arg31: memref<!tpu.dma_semaphore, #tpu.memory_space<semaphore_mem>>, %arg32: memref<!tpu.dma_semaphore, #tpu.memory_space<semaphore_mem>>) attributes {dimension_semantics = [#tpu.dimension_semantics<core_parallel>, #tpu.dimension_semantics<subcore_parallel>], iteration_bounds = array<i64: 2, 16>, scalar_prefetch = 0 : i64, scratch_operands = 27 : i64, tpu.core_type = #tpu.core_type<sc_vector_subcore>, window_params = [{transform_indices = #map}, {transform_indices = #map}, {transform_indices = #map1}, {transform_indices = #map}]} {
    %mul3A = arith.constant 640 : i32
    %mul3A_0 = arith.muli %arg1, %mul3A : i32
    %broadcast_in_dim3A = arith.constant 0.000000e+00 : f32
    %broadcast_in_dim3A_1 = vector.broadcast %broadcast_in_dim3A : f32 to vector<16xf32>
    %scan3A = arith.constant 0 : i32
    %scan3A_2 = arith.constant 0 : i32
    %scan3A_3 = arith.constant 80 : i32
    %scan3A_4 = arith.addi %scan3A_2, %scan3A_3 : i32
    %scan3A_5 = arith.constant 1 : i32
    scf.for %scan3A_335 = %scan3A_2 to %scan3A_4 step %scan3A_5  : i32 {
      %swap3A = arith.index_cast %scan3A_335 : i32 to index
      %swap3A_336 = arith.constant 0 : index
      %swap3A_337 = tpu.vector_load %arg8[%swap3A, %swap3A_336] {strides = array<i32>} : memref<80x64xf32, #tpu.memory_space<vmem>>, vector<1x16xf32>,
      %swap3A_338 = vector.shape_cast %swap3A_337 : vector<1x16xf32> to vector<16xf32>
      %swap3A_339 = vector.shape_cast %broadcast_in_dim3A_1 : vector<16xf32> to vector<1x16xf32>
      tpu.vector_store %arg8[%swap3A, %swap3A_336], %swap3A_339 {strides = array<i32>} : memref<80x64xf32, #tpu.memory_space<vmem>>, vector<1x16xf32>,
      %swap3A_340 = arith.index_cast %scan3A_335 : i32 to index
      %swap3A_341 = arith.constant 16 : index
      %swap3A_342 = tpu.vector_load %arg8[%swap3A_340, %swap3A_341] {strides = array<i32>} : memref<80x64xf32, #tpu.memory_space<vmem>>, vector<1x16xf32>,
      %swap3A_343 = vector.shape_cast %swap3A_342 : vector<1x16xf32> to vector<16xf32>
      %swap3A_344 = vector.shape_cast %broadcast_in_dim3A_1 : vector<16xf32> to vector<1x16xf32>
      tpu.vector_store %arg8[%swap3A_340, %swap3A_341], %swap3A_344 {strides = array<i32>} : memref<80x64xf32, #tpu.memory_space<vmem>>, vector<1x16xf32>,
      %swap3A_345 = arith.index_cast %scan3A_335 : i32 to index
      %swap3A_346 = arith.constant 32 : index
      %swap3A_347 = tpu.vector_load %arg8[%swap3A_345, %swap3A_346] {strides = array<i32>} : memref<80x64xf32, #tpu.memory_space<vmem>>, vector<1x16xf32>,
      %swap3A_348 = vector.shape_cast %swap3A_347 : vector<1x16xf32> to vector<16xf32>
      %swap3A_349 = vector.shape_cast %broadcast_in_dim3A_1 : vector<16xf32> to vector<1x16xf32>
      tpu.vector_store %arg8[%swap3A_345, %swap3A_346], %swap3A_349 {strides = array<i32>} : memref<80x64xf32, #tpu.memory_space<vmem>>, vector<1x16xf32>,
      %swap3A_350 = arith.index_cast %scan3A_335 : i32 to index
      %swap3A_351 = arith.constant 48 : index
      %swap3A_352 = tpu.vector_load %arg8[%swap3A_350, %swap3A_351] {strides = array<i32>} : memref<80x64xf32, #tpu.memory_space<vmem>>, vector<1x16xf32>,
      %swap3A_353 = vector.shape_cast %swap3A_352 : vector<1x16xf32> to vector<16xf32>
      %swap3A_354 = vector.shape_cast %broadcast_in_dim3A_1 : vector<16xf32> to vector<1x16xf32>
      tpu.vector_store %arg8[%swap3A_350, %swap3A_351], %swap3A_354 {strides = array<i32>} : memref<80x64xf32, #tpu.memory_space<vmem>>, vector<1x16xf32>,
    }
    %scan3A_6 = arith.constant 80 : i32
    %scan3A_7 = arith.constant 0 : i32
    %scan3A_8 = arith.constant 0 : i32
    %scan3A_9 = arith.constant 8 : i32
    %scan3A_10 = arith.addi %scan3A_8, %scan3A_9 : i32
    %scan3A_11 = arith.constant 1 : i32
    scf.for %scan3A_335 = %scan3A_8 to %scan3A_10 step %scan3A_11  : i32 {
      %mul3A_336 = arith.constant 80 : i32
      %mul3A_337 = arith.muli %scan3A_335, %mul3A_336 : i32
      %add3A = arith.addi %mul3A_0, %mul3A_337 : i32
      "tpu.region"() ({
        %run_scoped3A = tpu.sem_alloc : memref<!tpu.dma_semaphore, #tpu.memory_space<semaphore_mem>>
        %dma_start3A_338 = arith.constant 0 : i32
        %dma_start3A_339 = tpu.memref_slice %arg16[%add3A, %dma_start3A_338] : memref<10240x64xf32, #tpu.memory_space<vmem_shared>> -> memref<80x64xf32, #tpu.memory_space<vmem_shared>>
        %dma_start3A_340 = arith.constant 0 : i32
        %dma_start3A_341 = tpu.memref_slice %arg16[%add3A, %dma_start3A_340] : memref<10240x64xf32, #tpu.memory_space<vmem_shared>> -> memref<80x64xf32, #tpu.memory_space<vmem_shared>>
        tpu.enqueue_dma source(%arg8 : memref<80x64xf32, #tpu.memory_space<vmem>>) target(%dma_start3A_341 : memref<80x64xf32, #tpu.memory_space<vmem_shared>>) target_semaphore(%run_scoped3A : memref<!tpu.dma_semaphore, #tpu.memory_space<semaphore_mem>>)
        %dma_wait3A_342 = arith.constant 0 : i32
        %dma_wait3A_343 = tpu.memref_slice %arg16[%add3A, %dma_wait3A_342] : memref<10240x64xf32, #tpu.memory_space<vmem_shared>> -> memref<80x64xf32, #tpu.memory_space<vmem_shared>>
        %dma_wait3A_344 = arith.constant 0 : i32
        %dma_wait3A_345 = tpu.memref_slice %arg16[%add3A, %dma_wait3A_344] : memref<10240x64xf32, #tpu.memory_space<vmem_shared>> -> memref<80x64xf32, #tpu.memory_space<vmem_shared>>
        tpu.wait_dma2 semaphore(%run_scoped3A : memref<!tpu.dma_semaphore, #tpu.memory_space<semaphore_mem>>) src(%arg8 : memref<80x64xf32, #tpu.memory_space<vmem>>) dst(%dma_wait3A_345 : memref<80x64xf32, #tpu.memory_space<vmem_shared>>)
        tpu.yield
      }) : () -> ()
    }
    %scan3A_12 = arith.constant 8 : i32
    "tpu.region"() ({
      %run_scoped3A = tpu.sem_alloc : memref<!tpu.dma_semaphore, #tpu.memory_space<semaphore_mem>>
      %dma_start3A_335 = arith.constant 0 : i32
      %dma_start3A_336 = arith.constant 0 : i32
      %dma_start3A_337 = tpu.memref_slice %arg2[%arg1, %dma_start3A_335, %dma_start3A_336] : memref<16x250x80xi32, #tpu.memory_space<hbm>> -> memref<1x250x80xi32, #tpu.memory_space<hbm>>
      %dma_start3A_338 = tpu.memref_squeeze %dma_start3A_337 : memref<1x250x80xi32, #tpu.memory_space<hbm>> -> memref<250x80xi32, #tpu.memory_space<hbm>>
      %dma_start3A_339 = arith.constant 0 : i32
      %dma_start3A_340 = arith.constant 0 : i32
      %dma_start3A_341 = tpu.memref_slice %arg2[%arg1, %dma_start3A_339, %dma_start3A_340] : memref<16x250x80xi32, #tpu.memory_space<hbm>> -> memref<1x250x80xi32, #tpu.memory_space<hbm>>
      %dma_start3A_342 = tpu.memref_squeeze %dma_start3A_341 : memref<1x250x80xi32, #tpu.memory_space<hbm>> -> memref<250x80xi32, #tpu.memory_space<hbm>>
      tpu.enqueue_dma source(%dma_start3A_342 : memref<250x80xi32, #tpu.memory_space<hbm>>) target(%arg6 : memref<250x80xi32, #tpu.memory_space<vmem>>) target_semaphore(%run_scoped3A : memref<!tpu.dma_semaphore, #tpu.memory_space<semaphore_mem>>)
      %dma_wait3A_343 = arith.constant 0 : i32
      %dma_wait3A_344 = arith.constant 0 : i32
      %dma_wait3A_345 = tpu.memref_slice %arg2[%arg1, %dma_wait3A_343, %dma_wait3A_344] : memref<16x250x80xi32, #tpu.memory_space<hbm>> -> memref<1x250x80xi32, #tpu.memory_space<hbm>>
      %dma_wait3A_346 = tpu.memref_squeeze %dma_wait3A_345 : memref<1x250x80xi32, #tpu.memory_space<hbm>> -> memref<250x80xi32, #tpu.memory_space<hbm>>
      %dma_wait3A_347 = arith.constant 0 : i32
      %dma_wait3A_348 = arith.constant 0 : i32
      %dma_wait3A_349 = tpu.memref_slice %arg2[%arg1, %dma_wait3A_347, %dma_wait3A_348] : memref<16x250x80xi32, #tpu.memory_space<hbm>> -> memref<1x250x80xi32, #tpu.memory_space<hbm>>
      %dma_wait3A_350 = tpu.memref_squeeze %dma_wait3A_349 : memref<1x250x80xi32, #tpu.memory_space<hbm>> -> memref<250x80xi32, #tpu.memory_space<hbm>>
      tpu.wait_dma2 semaphore(%run_scoped3A : memref<!tpu.dma_semaphore, #tpu.memory_space<semaphore_mem>>) src(%dma_wait3A_350 : memref<250x80xi32, #tpu.memory_space<hbm>>) dst(%arg6 : memref<250x80xi32, #tpu.memory_space<vmem>>)
      tpu.yield
    }) : () -> ()
    "tpu.region"() ({
      %run_scoped3A = tpu.sem_alloc : memref<!tpu.dma_semaphore, #tpu.memory_space<semaphore_mem>>
      %dma_start3A_335 = arith.constant 0 : i32
      %dma_start3A_336 = arith.constant 0 : i32
      %dma_start3A_337 = tpu.memref_slice %arg3[%arg1, %dma_start3A_335, %dma_start3A_336] : memref<16x250x80xi32, #tpu.memory_space<hbm>> -> memref<1x250x80xi32, #tpu.memory_space<hbm>>
      %dma_start3A_338 = tpu.memref_squeeze %dma_start3A_337 : memref<1x250x80xi32, #tpu.memory_space<hbm>> -> memref<250x80xi32, #tpu.memory_space<hbm>>
      %dma_start3A_339 = arith.constant 0 : i32
      %dma_start3A_340 = arith.constant 0 : i32
      %dma_start3A_341 = tpu.memref_slice %arg3[%arg1, %dma_start3A_339, %dma_start3A_340] : memref<16x250x80xi32, #tpu.memory_space<hbm>> -> memref<1x250x80xi32, #tpu.memory_space<hbm>>
      %dma_start3A_342 = tpu.memref_squeeze %dma_start3A_341 : memref<1x250x80xi32, #tpu.memory_space<hbm>> -> memref<250x80xi32, #tpu.memory_space<hbm>>
      tpu.enqueue_dma source(%dma_start3A_342 : memref<250x80xi32, #tpu.memory_space<hbm>>) target(%arg7 : memref<250x80xi32, #tpu.memory_space<vmem>>) target_semaphore(%run_scoped3A : memref<!tpu.dma_semaphore, #tpu.memory_space<semaphore_mem>>)
      %dma_wait3A_343 = arith.constant 0 : i32
      %dma_wait3A_344 = arith.constant 0 : i32
      %dma_wait3A_345 = tpu.memref_slice %arg3[%arg1, %dma_wait3A_343, %dma_wait3A_344] : memref<16x250x80xi32, #tpu.memory_space<hbm>> -> memref<1x250x80xi32, #tpu.memory_space<hbm>>
      %dma_wait3A_346 = tpu.memref_squeeze %dma_wait3A_345 : memref<1x250x80xi32, #tpu.memory_space<hbm>> -> memref<250x80xi32, #tpu.memory_space<hbm>>
      %dma_wait3A_347 = arith.constant 0 : i32
      %dma_wait3A_348 = arith.constant 0 : i32
      %dma_wait3A_349 = tpu.memref_slice %arg3[%arg1, %dma_wait3A_347, %dma_wait3A_348] : memref<16x250x80xi32, #tpu.memory_space<hbm>> -> memref<1x250x80xi32, #tpu.memory_space<hbm>>
      %dma_wait3A_350 = tpu.memref_squeeze %dma_wait3A_349 : memref<1x250x80xi32, #tpu.memory_space<hbm>> -> memref<250x80xi32, #tpu.memory_space<hbm>>
      tpu.wait_dma2 semaphore(%run_scoped3A : memref<!tpu.dma_semaphore, #tpu.memory_space<semaphore_mem>>) src(%dma_wait3A_350 : memref<250x80xi32, #tpu.memory_space<hbm>>) dst(%arg7 : memref<250x80xi32, #tpu.memory_space<vmem>>)
      tpu.yield
    }) : () -> ()
    %mul3A_13 = arith.constant 10240 : i32
    %mul3A_14 = arith.muli %arg0, %mul3A_13 : i32
    %broadcast_in_dim3A_15 = vector.broadcast %mul3A_14 : i32 to vector<16xi32>
    %scan3A_16 = arith.constant 0 : i32
    %scan3A_17 = arith.constant 0 : i32
    %scan3A_18 = arith.constant 250 : i32
    %scan3A_19 = arith.addi %scan3A_17, %scan3A_18 : i32
    %scan3A_20 = arith.constant 1 : i32
    scf.for %scan3A_335 = %scan3A_17 to %scan3A_19 step %scan3A_20  : i32 {
      %get3A = arith.index_cast %scan3A_335 : i32 to index
      %get3A_336 = arith.constant 0 : index
      %get3A_337 = tpu.vector_load %arg6[%get3A, %get3A_336] {strides = array<i32>} : memref<250x80xi32, #tpu.memory_space<vmem>>, vector<1x16xi32>,
      %get3A_338 = vector.shape_cast %get3A_337 : vector<1x16xi32> to vector<16xi32>
      %add3A = arith.addi %get3A_338, %broadcast_in_dim3A_15 : vector<16xi32>
      %swap3A = arith.index_cast %scan3A_335 : i32 to index
      %swap3A_339 = arith.constant 0 : index
      %swap3A_340 = tpu.vector_load %arg6[%swap3A, %swap3A_339] {strides = array<i32>} : memref<250x80xi32, #tpu.memory_space<vmem>>, vector<1x16xi32>,
      %swap3A_341 = vector.shape_cast %swap3A_340 : vector<1x16xi32> to vector<16xi32>
      %swap3A_342 = vector.shape_cast %add3A : vector<16xi32> to vector<1x16xi32>
      tpu.vector_store %arg6[%swap3A, %swap3A_339], %swap3A_342 {strides = array<i32>} : memref<250x80xi32, #tpu.memory_space<vmem>>, vector<1x16xi32>,
      %get3A_343 = arith.index_cast %scan3A_335 : i32 to index
      %get3A_344 = arith.constant 16 : index
      %get3A_345 = tpu.vector_load %arg6[%get3A_343, %get3A_344] {strides = array<i32>} : memref<250x80xi32, #tpu.memory_space<vmem>>, vector<1x16xi32>,
      %get3A_346 = vector.shape_cast %get3A_345 : vector<1x16xi32> to vector<16xi32>
      %add3A_347 = arith.addi %get3A_346, %broadcast_in_dim3A_15 : vector<16xi32>
      %swap3A_348 = arith.index_cast %scan3A_335 : i32 to index
      %swap3A_349 = arith.constant 16 : index
      %swap3A_350 = tpu.vector_load %arg6[%swap3A_348, %swap3A_349] {strides = array<i32>} : memref<250x80xi32, #tpu.memory_space<vmem>>, vector<1x16xi32>,
      %swap3A_351 = vector.shape_cast %swap3A_350 : vector<1x16xi32> to vector<16xi32>
      %swap3A_352 = vector.shape_cast %add3A_347 : vector<16xi32> to vector<1x16xi32>
      tpu.vector_store %arg6[%swap3A_348, %swap3A_349], %swap3A_352 {strides = array<i32>} : memref<250x80xi32, #tpu.memory_space<vmem>>, vector<1x16xi32>,
      %get3A_353 = arith.index_cast %scan3A_335 : i32 to index
      %get3A_354 = arith.constant 32 : index
      %get3A_355 = tpu.vector_load %arg6[%get3A_353, %get3A_354] {strides = array<i32>} : memref<250x80xi32, #tpu.memory_space<vmem>>, vector<1x16xi32>,
      %get3A_356 = vector.shape_cast %get3A_355 : vector<1x16xi32> to vector<16xi32>
      %add3A_357 = arith.addi %get3A_356, %broadcast_in_dim3A_15 : vector<16xi32>
      %swap3A_358 = arith.index_cast %scan3A_335 : i32 to index
      %swap3A_359 = arith.constant 32 : index
      %swap3A_360 = tpu.vector_load %arg6[%swap3A_358, %swap3A_359] {strides = array<i32>} : memref<250x80xi32, #tpu.memory_space<vmem>>, vector<1x16xi32>,
      %swap3A_361 = vector.shape_cast %swap3A_360 : vector<1x16xi32> to vector<16xi32>
      %swap3A_362 = vector.shape_cast %add3A_357 : vector<16xi32> to vector<1x16xi32>
      tpu.vector_store %arg6[%swap3A_358, %swap3A_359], %swap3A_362 {strides = array<i32>} : memref<250x80xi32, #tpu.memory_space<vmem>>, vector<1x16xi32>,
      %get3A_363 = arith.index_cast %scan3A_335 : i32 to index
      %get3A_364 = arith.constant 48 : index
      %get3A_365 = tpu.vector_load %arg6[%get3A_363, %get3A_364] {strides = array<i32>} : memref<250x80xi32, #tpu.memory_space<vmem>>, vector<1x16xi32>,
      %get3A_366 = vector.shape_cast %get3A_365 : vector<1x16xi32> to vector<16xi32>
      %add3A_367 = arith.addi %get3A_366, %broadcast_in_dim3A_15 : vector<16xi32>
      %swap3A_368 = arith.index_cast %scan3A_335 : i32 to index
      %swap3A_369 = arith.constant 48 : index
      %swap3A_370 = tpu.vector_load %arg6[%swap3A_368, %swap3A_369] {strides = array<i32>} : memref<250x80xi32, #tpu.memory_space<vmem>>, vector<1x16xi32>,
      %swap3A_371 = vector.shape_cast %swap3A_370 : vector<1x16xi32> to vector<16xi32>
      %swap3A_372 = vector.shape_cast %add3A_367 : vector<16xi32> to vector<1x16xi32>
      tpu.vector_store %arg6[%swap3A_368, %swap3A_369], %swap3A_372 {strides = array<i32>} : memref<250x80xi32, #tpu.memory_space<vmem>>, vector<1x16xi32>,
      %get3A_373 = arith.index_cast %scan3A_335 : i32 to index
      %get3A_374 = arith.constant 64 : index
      %get3A_375 = tpu.vector_load %arg6[%get3A_373, %get3A_374] {strides = array<i32>} : memref<250x80xi32, #tpu.memory_space<vmem>>, vector<1x16xi32>,
      %get3A_376 = vector.shape_cast %get3A_375 : vector<1x16xi32> to vector<16xi32>
      %add3A_377 = arith.addi %get3A_376, %broadcast_in_dim3A_15 : vector<16xi32>
      %swap3A_378 = arith.index_cast %scan3A_335 : i32 to index
      %swap3A_379 = arith.constant 64 : index
      %swap3A_380 = tpu.vector_load %arg6[%swap3A_378, %swap3A_379] {strides = array<i32>} : memref<250x80xi32, #tpu.memory_space<vmem>>, vector<1x16xi32>,
      %swap3A_381 = vector.shape_cast %swap3A_380 : vector<1x16xi32> to vector<16xi32>
      %swap3A_382 = vector.shape_cast %add3A_377 : vector<16xi32> to vector<1x16xi32>
      tpu.vector_store %arg6[%swap3A_378, %swap3A_379], %swap3A_382 {strides = array<i32>} : memref<250x80xi32, #tpu.memory_space<vmem>>, vector<1x16xi32>,
    }
    %scan3A_21 = arith.constant 250 : i32
    %barrier3A = arith.constant 0 : index
    tpu.barrier barrier_id(%barrier3A)
    %dma_start3A = arith.constant 0 : i32
    %dma_start3A_22 = arith.constant 0 : i32
    %dma_start3A_23 = tpu.memref_slice %arg6[%dma_start3A, %dma_start3A_22] : memref<250x80xi32, #tpu.memory_space<vmem>> -> memref<1x80xi32, #tpu.memory_space<vmem>>
    %dma_start3A_24 = tpu.memref_squeeze %dma_start3A_23 : memref<1x80xi32, #tpu.memory_space<vmem>> -> memref<80xi32, #tpu.memory_space<vmem>>
    %dma_start3A_25 = arith.constant 0 : i32
    %dma_start3A_26 = arith.constant 0 : i32
    %dma_start3A_27 = tpu.memref_slice %arg4[%dma_start3A_25, %dma_start3A_26] : memref<20480x64xf32, #tpu.memory_space<hbm>> -> memref<20480x64xf32, #tpu.memory_space<hbm>>
    tpu.enqueue_indirect_dma source(%dma_start3A_27 : memref<20480x64xf32, #tpu.memory_space<hbm>>) target(%arg8 : memref<80x64xf32, #tpu.memory_space<vmem>>) offsets(%dma_start3A_24 : memref<80xi32, #tpu.memory_space<vmem>>) semaphore(%arg17 : memref<!tpu.dma_semaphore, #tpu.memory_space<semaphore_mem>>)
    %dma_start3A_28 = arith.constant 1 : i32
    %dma_start3A_29 = arith.constant 0 : i32
    %dma_start3A_30 = tpu.memref_slice %arg6[%dma_start3A_28, %dma_start3A_29] : memref<250x80xi32, #tpu.memory_space<vmem>> -> memref<1x80xi32, #tpu.memory_space<vmem>>
    %dma_start3A_31 = tpu.memref_squeeze %dma_start3A_30 : memref<1x80xi32, #tpu.memory_space<vmem>> -> memref<80xi32, #tpu.memory_space<vmem>>
    %dma_start3A_32 = arith.constant 0 : i32
    %dma_start3A_33 = arith.constant 0 : i32
    %dma_start3A_34 = tpu.memref_slice %arg4[%dma_start3A_32, %dma_start3A_33] : memref<20480x64xf32, #tpu.memory_space<hbm>> -> memref<20480x64xf32, #tpu.memory_space<hbm>>
    tpu.enqueue_indirect_dma source(%dma_start3A_34 : memref<20480x64xf32, #tpu.memory_space<hbm>>) target(%arg9 : memref<80x64xf32, #tpu.memory_space<vmem>>) offsets(%dma_start3A_31 : memref<80xi32, #tpu.memory_space<vmem>>) semaphore(%arg18 : memref<!tpu.dma_semaphore, #tpu.memory_space<semaphore_mem>>)
    %dma_start3A_35 = arith.constant 2 : i32
    %dma_start3A_36 = arith.constant 0 : i32
    %dma_start3A_37 = tpu.memref_slice %arg6[%dma_start3A_35, %dma_start3A_36] : memref<250x80xi32, #tpu.memory_space<vmem>> -> memref<1x80xi32, #tpu.memory_space<vmem>>
    %dma_start3A_38 = tpu.memref_squeeze %dma_start3A_37 : memref<1x80xi32, #tpu.memory_space<vmem>> -> memref<80xi32, #tpu.memory_space<vmem>>
    %dma_start3A_39 = arith.constant 0 : i32
    %dma_start3A_40 = arith.constant 0 : i32
    %dma_start3A_41 = tpu.memref_slice %arg4[%dma_start3A_39, %dma_start3A_40] : memref<20480x64xf32, #tpu.memory_space<hbm>> -> memref<20480x64xf32, #tpu.memory_space<hbm>>
    tpu.enqueue_indirect_dma source(%dma_start3A_41 : memref<20480x64xf32, #tpu.memory_space<hbm>>) target(%arg10 : memref<80x64xf32, #tpu.memory_space<vmem>>) offsets(%dma_start3A_38 : memref<80xi32, #tpu.memory_space<vmem>>) semaphore(%arg19 : memref<!tpu.dma_semaphore, #tpu.memory_space<semaphore_mem>>)
    %dma_start3A_42 = arith.constant 3 : i32
    %dma_start3A_43 = arith.constant 0 : i32
    %dma_start3A_44 = tpu.memref_slice %arg6[%dma_start3A_42, %dma_start3A_43] : memref<250x80xi32, #tpu.memory_space<vmem>> -> memref<1x80xi32, #tpu.memory_space<vmem>>
    %dma_start3A_45 = tpu.memref_squeeze %dma_start3A_44 : memref<1x80xi32, #tpu.memory_space<vmem>> -> memref<80xi32, #tpu.memory_space<vmem>>
    %dma_start3A_46 = arith.constant 0 : i32
    %dma_start3A_47 = arith.constant 0 : i32
    %dma_start3A_48 = tpu.memref_slice %arg4[%dma_start3A_46, %dma_start3A_47] : memref<20480x64xf32, #tpu.memory_space<hbm>> -> memref<20480x64xf32, #tpu.memory_space<hbm>>
    tpu.enqueue_indirect_dma source(%dma_start3A_48 : memref<20480x64xf32, #tpu.memory_space<hbm>>) target(%arg11 : memref<80x64xf32, #tpu.memory_space<vmem>>) offsets(%dma_start3A_45 : memref<80xi32, #tpu.memory_space<vmem>>) semaphore(%arg20 : memref<!tpu.dma_semaphore, #tpu.memory_space<semaphore_mem>>)
    %scan3A_49 = arith.constant 0 : i32
    %scan3A_50 = arith.constant 0 : i32
    %scan3A_51 = arith.constant 30 : i32
    %scan3A_52 = arith.addi %scan3A_50, %scan3A_51 : i32
    %scan3A_53 = arith.constant 1 : i32
    scf.for %scan3A_335 = %scan3A_50 to %scan3A_52 step %scan3A_53  : i32 {
      %mul3A_336 = arith.constant 8 : i32
      %mul3A_337 = arith.muli %mul3A_336, %scan3A_335 : i32
      %add3A = arith.constant 0 : i32
      %add3A_338 = arith.addi %mul3A_337, %add3A : i32
      %ge3A = arith.constant 4 : i32
      %ge3A_339 = arith.cmpi sge, %add3A_338, %ge3A : i32
      %convert_element_type3A = arith.extui %ge3A_339 : i1 to i32
      %cond3A = arith.constant 0 : i32
      %cond3A_340 = arith.cmpi ne, %convert_element_type3A, %cond3A : i32
      scf.if %cond3A_340 {
        %sub3A = arith.constant 4 : i32
        %sub3A_564 = arith.subi %add3A_338, %sub3A : i32
        %dma_wait3A_565 = arith.constant 0 : i32
        %dma_wait3A_566 = tpu.memref_slice %arg7[%sub3A_564, %dma_wait3A_565] : memref<250x80xi32, #tpu.memory_space<vmem>> -> memref<1x80xi32, #tpu.memory_space<vmem>>
        %dma_wait3A_567 = tpu.memref_squeeze %dma_wait3A_566 : memref<1x80xi32, #tpu.memory_space<vmem>> -> memref<80xi32, #tpu.memory_space<vmem>>
        %dma_wait3A_568 = arith.constant 0 : i32
        %dma_wait3A_569 = arith.constant 0 : i32
        %dma_wait3A_570 = tpu.memref_slice %arg16[%dma_wait3A_568, %dma_wait3A_569] : memref<10240x64xf32, #tpu.memory_space<vmem_shared>> -> memref<10240x64xf32, #tpu.memory_space<vmem_shared>>
        tpu.wait_indirect_dma semaphore(%arg29 : memref<!tpu.dma_semaphore, #tpu.memory_space<semaphore_mem>>) src(%arg12 : memref<80x64xf32, #tpu.memory_space<vmem>>) dst(%dma_wait3A_570 : memref<10240x64xf32, #tpu.memory_space<vmem_shared>>)
      } else {
      }
      %add3A_341 = arith.constant 4 : i32
      %add3A_342 = arith.addi %add3A_338, %add3A_341 : i32
      %dma_start3A_343 = arith.constant 0 : i32
      %dma_start3A_344 = tpu.memref_slice %arg6[%add3A_342, %dma_start3A_343] : memref<250x80xi32, #tpu.memory_space<vmem>> -> memref<1x80xi32, #tpu.memory_space<vmem>>
      %dma_start3A_345 = tpu.memref_squeeze %dma_start3A_344 : memref<1x80xi32, #tpu.memory_space<vmem>> -> memref<80xi32, #tpu.memory_space<vmem>>
      %dma_start3A_346 = arith.constant 0 : i32
      %dma_start3A_347 = arith.constant 0 : i32
      %dma_start3A_348 = tpu.memref_slice %arg4[%dma_start3A_346, %dma_start3A_347] : memref<20480x64xf32, #tpu.memory_space<hbm>> -> memref<20480x64xf32, #tpu.memory_space<hbm>>
      tpu.enqueue_indirect_dma source(%dma_start3A_348 : memref<20480x64xf32, #tpu.memory_space<hbm>>) target(%arg12 : memref<80x64xf32, #tpu.memory_space<vmem>>) offsets(%dma_start3A_345 : memref<80xi32, #tpu.memory_space<vmem>>) semaphore(%arg21 : memref<!tpu.dma_semaphore, #tpu.memory_space<semaphore_mem>>)
      %dma_wait3A_349 = arith.constant 0 : i32
      %dma_wait3A_350 = tpu.memref_slice %arg6[%add3A_338, %dma_wait3A_349] : memref<250x80xi32, #tpu.memory_space<vmem>> -> memref<1x80xi32, #tpu.memory_space<vmem>>
      %dma_wait3A_351 = tpu.memref_squeeze %dma_wait3A_350 : memref<1x80xi32, #tpu.memory_space<vmem>> -> memref<80xi32, #tpu.memory_space<vmem>>
      %dma_wait3A_352 = arith.constant 0 : i32
      %dma_wait3A_353 = arith.constant 0 : i32
      %dma_wait3A_354 = tpu.memref_slice %arg4[%dma_wait3A_352, %dma_wait3A_353] : memref<20480x64xf32, #tpu.memory_space<hbm>> -> memref<20480x64xf32, #tpu.memory_space<hbm>>
      tpu.wait_indirect_dma semaphore(%arg17 : memref<!tpu.dma_semaphore, #tpu.memory_space<semaphore_mem>>) src(%dma_wait3A_354 : memref<20480x64xf32, #tpu.memory_space<hbm>>) dst(%arg8 : memref<80x64xf32, #tpu.memory_space<vmem>>)
      %dma_start3A_355 = arith.constant 0 : i32
      %dma_start3A_356 = tpu.memref_slice %arg7[%add3A_338, %dma_start3A_355] : memref<250x80xi32, #tpu.memory_space<vmem>> -> memref<1x80xi32, #tpu.memory_space<vmem>>
      %dma_start3A_357 = tpu.memref_squeeze %dma_start3A_356 : memref<1x80xi32, #tpu.memory_space<vmem>> -> memref<80xi32, #tpu.memory_space<vmem>>
      %dma_start3A_358 = arith.constant 0 : i32
      %dma_start3A_359 = arith.constant 0 : i32
      %dma_start3A_360 = tpu.memref_slice %arg16[%dma_start3A_358, %dma_start3A_359] : memref<10240x64xf32, #tpu.memory_space<vmem_shared>> -> memref<10240x64xf32, #tpu.memory_space<vmem_shared>>
      tpu.enqueue_indirect_dma source(%arg8 : memref<80x64xf32, #tpu.memory_space<vmem>>) target(%dma_start3A_360 : memref<10240x64xf32, #tpu.memory_space<vmem_shared>>) offsets(%dma_start3A_357 : memref<80xi32, #tpu.memory_space<vmem>>) semaphore(%arg25 : memref<!tpu.dma_semaphore, #tpu.memory_space<semaphore_mem>>) {add = true}
      %mul3A_361 = arith.constant 8 : i32
      %mul3A_362 = arith.muli %mul3A_361, %scan3A_335 : i32
      %add3A_363 = arith.constant 1 : i32
      %add3A_364 = arith.addi %mul3A_362, %add3A_363 : i32
      %ge3A_365 = arith.constant 4 : i32
      %ge3A_366 = arith.cmpi sge, %add3A_364, %ge3A_365 : i32
      %convert_element_type3A_367 = arith.extui %ge3A_366 : i1 to i32
      %cond3A_368 = arith.constant 0 : i32
      %cond3A_369 = arith.cmpi ne, %convert_element_type3A_367, %cond3A_368 : i32
      scf.if %cond3A_369 {
        %sub3A = arith.constant 4 : i32
        %sub3A_564 = arith.subi %add3A_364, %sub3A : i32
        %dma_wait3A_565 = arith.constant 0 : i32
        %dma_wait3A_566 = tpu.memref_slice %arg7[%sub3A_564, %dma_wait3A_565] : memref<250x80xi32, #tpu.memory_space<vmem>> -> memref<1x80xi32, #tpu.memory_space<vmem>>
        %dma_wait3A_567 = tpu.memref_squeeze %dma_wait3A_566 : memref<1x80xi32, #tpu.memory_space<vmem>> -> memref<80xi32, #tpu.memory_space<vmem>>
        %dma_wait3A_568 = arith.constant 0 : i32
        %dma_wait3A_569 = arith.constant 0 : i32
        %dma_wait3A_570 = tpu.memref_slice %arg16[%dma_wait3A_568, %dma_wait3A_569] : memref<10240x64xf32, #tpu.memory_space<vmem_shared>> -> memref<10240x64xf32, #tpu.memory_space<vmem_shared>>
        tpu.wait_indirect_dma semaphore(%arg30 : memref<!tpu.dma_semaphore, #tpu.memory_space<semaphore_mem>>) src(%arg13 : memref<80x64xf32, #tpu.memory_space<vmem>>) dst(%dma_wait3A_570 : memref<10240x64xf32, #tpu.memory_space<vmem_shared>>)
      } else {
      }
      %add3A_370 = arith.constant 4 : i32
      %add3A_371 = arith.addi %add3A_364, %add3A_370 : i32
      %dma_start3A_372 = arith.constant 0 : i32
      %dma_start3A_373 = tpu.memref_slice %arg6[%add3A_371, %dma_start3A_372] : memref<250x80xi32, #tpu.memory_space<vmem>> -> memref<1x80xi32, #tpu.memory_space<vmem>>
      %dma_start3A_374 = tpu.memref_squeeze %dma_start3A_373 : memref<1x80xi32, #tpu.memory_space<vmem>> -> memref<80xi32, #tpu.memory_space<vmem>>
      %dma_start3A_375 = arith.constant 0 : i32
      %dma_start3A_376 = arith.constant 0 : i32
      %dma_start3A_377 = tpu.memref_slice %arg4[%dma_start3A_375, %dma_start3A_376] : memref<20480x64xf32, #tpu.memory_space<hbm>> -> memref<20480x64xf32, #tpu.memory_space<hbm>>
      tpu.enqueue_indirect_dma source(%dma_start3A_377 : memref<20480x64xf32, #tpu.memory_space<hbm>>) target(%arg13 : memref<80x64xf32, #tpu.memory_space<vmem>>) offsets(%dma_start3A_374 : memref<80xi32, #tpu.memory_space<vmem>>) semaphore(%arg22 : memref<!tpu.dma_semaphore, #tpu.memory_space<semaphore_mem>>)
      %dma_wait3A_378 = arith.constant 0 : i32
      %dma_wait3A_379 = tpu.memref_slice %arg6[%add3A_364, %dma_wait3A_378] : memref<250x80xi32, #tpu.memory_space<vmem>> -> memref<1x80xi32, #tpu.memory_space<vmem>>
      %dma_wait3A_380 = tpu.memref_squeeze %dma_wait3A_379 : memref<1x80xi32, #tpu.memory_space<vmem>> -> memref<80xi32, #tpu.memory_space<vmem>>
      %dma_wait3A_381 = arith.constant 0 : i32
      %dma_wait3A_382 = arith.constant 0 : i32
      %dma_wait3A_383 = tpu.memref_slice %arg4[%dma_wait3A_381, %dma_wait3A_382] : memref<20480x64xf32, #tpu.memory_space<hbm>> -> memref<20480x64xf32, #tpu.memory_space<hbm>>
      tpu.wait_indirect_dma semaphore(%arg18 : memref<!tpu.dma_semaphore, #tpu.memory_space<semaphore_mem>>) src(%dma_wait3A_383 : memref<20480x64xf32, #tpu.memory_space<hbm>>) dst(%arg9 : memref<80x64xf32, #tpu.memory_space<vmem>>)
      %dma_start3A_384 = arith.constant 0 : i32
      %dma_start3A_385 = tpu.memref_slice %arg7[%add3A_364, %dma_start3A_384] : memref<250x80xi32, #tpu.memory_space<vmem>> -> memref<1x80xi32, #tpu.memory_space<vmem>>
      %dma_start3A_386 = tpu.memref_squeeze %dma_start3A_385 : memref<1x80xi32, #tpu.memory_space<vmem>> -> memref<80xi32, #tpu.memory_space<vmem>>
      %dma_start3A_387 = arith.constant 0 : i32
      %dma_start3A_388 = arith.constant 0 : i32
      %dma_start3A_389 = tpu.memref_slice %arg16[%dma_start3A_387, %dma_start3A_388] : memref<10240x64xf32, #tpu.memory_space<vmem_shared>> -> memref<10240x64xf32, #tpu.memory_space<vmem_shared>>
      tpu.enqueue_indirect_dma source(%arg9 : memref<80x64xf32, #tpu.memory_space<vmem>>) target(%dma_start3A_389 : memref<10240x64xf32, #tpu.memory_space<vmem_shared>>) offsets(%dma_start3A_386 : memref<80xi32, #tpu.memory_space<vmem>>) semaphore(%arg26 : memref<!tpu.dma_semaphore, #tpu.memory_space<semaphore_mem>>) {add = true}
      %mul3A_390 = arith.constant 8 : i32
      %mul3A_391 = arith.muli %mul3A_390, %scan3A_335 : i32
      %add3A_392 = arith.constant 2 : i32
      %add3A_393 = arith.addi %mul3A_391, %add3A_392 : i32
      %ge3A_394 = arith.constant 4 : i32
      %ge3A_395 = arith.cmpi sge, %add3A_393, %ge3A_394 : i32
      %convert_element_type3A_396 = arith.extui %ge3A_395 : i1 to i32
      %cond3A_397 = arith.constant 0 : i32
      %cond3A_398 = arith.cmpi ne, %convert_element_type3A_396, %cond3A_397 : i32
      scf.if %cond3A_398 {
        %sub3A = arith.constant 4 : i32
        %sub3A_564 = arith.subi %add3A_393, %sub3A : i32
        %dma_wait3A_565 = arith.constant 0 : i32
        %dma_wait3A_566 = tpu.memref_slice %arg7[%sub3A_564, %dma_wait3A_565] : memref<250x80xi32, #tpu.memory_space<vmem>> -> memref<1x80xi32, #tpu.memory_space<vmem>>
        %dma_wait3A_567 = tpu.memref_squeeze %dma_wait3A_566 : memref<1x80xi32, #tpu.memory_space<vmem>> -> memref<80xi32, #tpu.memory_space<vmem>>
        %dma_wait3A_568 = arith.constant 0 : i32
        %dma_wait3A_569 = arith.constant 0 : i32
        %dma_wait3A_570 = tpu.memref_slice %arg16[%dma_wait3A_568, %dma_wait3A_569] : memref<10240x64xf32, #tpu.memory_space<vmem_shared>> -> memref<10240x64xf32, #tpu.memory_space<vmem_shared>>
        tpu.wait_indirect_dma semaphore(%arg31 : memref<!tpu.dma_semaphore, #tpu.memory_space<semaphore_mem>>) src(%arg14 : memref<80x64xf32, #tpu.memory_space<vmem>>) dst(%dma_wait3A_570 : memref<10240x64xf32, #tpu.memory_space<vmem_shared>>)
      } else {
      }
      %add3A_399 = arith.constant 4 : i32
      %add3A_400 = arith.addi %add3A_393, %add3A_399 : i32
      %dma_start3A_401 = arith.constant 0 : i32
      %dma_start3A_402 = tpu.memref_slice %arg6[%add3A_400, %dma_start3A_401] : memref<250x80xi32, #tpu.memory_space<vmem>> -> memref<1x80xi32, #tpu.memory_space<vmem>>
      %dma_start3A_403 = tpu.memref_squeeze %dma_start3A_402 : memref<1x80xi32, #tpu.memory_space<vmem>> -> memref<80xi32, #tpu.memory_space<vmem>>
      %dma_start3A_404 = arith.constant 0 : i32
      %dma_start3A_405 = arith.constant 0 : i32
      %dma_start3A_406 = tpu.memref_slice %arg4[%dma_start3A_404, %dma_start3A_405] : memref<20480x64xf32, #tpu.memory_space<hbm>> -> memref<20480x64xf32, #tpu.memory_space<hbm>>
      tpu.enqueue_indirect_dma source(%dma_start3A_406 : memref<20480x64xf32, #tpu.memory_space<hbm>>) target(%arg14 : memref<80x64xf32, #tpu.memory_space<vmem>>) offsets(%dma_start3A_403 : memref<80xi32, #tpu.memory_space<vmem>>) semaphore(%arg23 : memref<!tpu.dma_semaphore, #tpu.memory_space<semaphore_mem>>)
      %dma_wait3A_407 = arith.constant 0 : i32
      %dma_wait3A_408 = tpu.memref_slice %arg6[%add3A_393, %dma_wait3A_407] : memref<250x80xi32, #tpu.memory_space<vmem>> -> memref<1x80xi32, #tpu.memory_space<vmem>>
      %dma_wait3A_409 = tpu.memref_squeeze %dma_wait3A_408 : memref<1x80xi32, #tpu.memory_space<vmem>> -> memref<80xi32, #tpu.memory_space<vmem>>
      %dma_wait3A_410 = arith.constant 0 : i32
      %dma_wait3A_411 = arith.constant 0 : i32
      %dma_wait3A_412 = tpu.memref_slice %arg4[%dma_wait3A_410, %dma_wait3A_411] : memref<20480x64xf32, #tpu.memory_space<hbm>> -> memref<20480x64xf32, #tpu.memory_space<hbm>>
      tpu.wait_indirect_dma semaphore(%arg19 : memref<!tpu.dma_semaphore, #tpu.memory_space<semaphore_mem>>) src(%dma_wait3A_412 : memref<20480x64xf32, #tpu.memory_space<hbm>>) dst(%arg10 : memref<80x64xf32, #tpu.memory_space<vmem>>)
      %dma_start3A_413 = arith.constant 0 : i32
      %dma_start3A_414 = tpu.memref_slice %arg7[%add3A_393, %dma_start3A_413] : memref<250x80xi32, #tpu.memory_space<vmem>> -> memref<1x80xi32, #tpu.memory_space<vmem>>
      %dma_start3A_415 = tpu.memref_squeeze %dma_start3A_414 : memref<1x80xi32, #tpu.memory_space<vmem>> -> memref<80xi32, #tpu.memory_space<vmem>>
      %dma_start3A_416 = arith.constant 0 : i32
      %dma_start3A_417 = arith.constant 0 : i32
      %dma_start3A_418 = tpu.memref_slice %arg16[%dma_start3A_416, %dma_start3A_417] : memref<10240x64xf32, #tpu.memory_space<vmem_shared>> -> memref<10240x64xf32, #tpu.memory_space<vmem_shared>>
      tpu.enqueue_indirect_dma source(%arg10 : memref<80x64xf32, #tpu.memory_space<vmem>>) target(%dma_start3A_418 : memref<10240x64xf32, #tpu.memory_space<vmem_shared>>) offsets(%dma_start3A_415 : memref<80xi32, #tpu.memory_space<vmem>>) semaphore(%arg27 : memref<!tpu.dma_semaphore, #tpu.memory_space<semaphore_mem>>) {add = true}
      %mul3A_419 = arith.constant 8 : i32
      %mul3A_420 = arith.muli %mul3A_419, %scan3A_335 : i32
      %add3A_421 = arith.constant 3 : i32
      %add3A_422 = arith.addi %mul3A_420, %add3A_421 : i32
      %ge3A_423 = arith.constant 4 : i32
      %ge3A_424 = arith.cmpi sge, %add3A_422, %ge3A_423 : i32
      %convert_element_type3A_425 = arith.extui %ge3A_424 : i1 to i32
      %cond3A_426 = arith.constant 0 : i32
      %cond3A_427 = arith.cmpi ne, %convert_element_type3A_425, %cond3A_426 : i32
      scf.if %cond3A_427 {
        %sub3A = arith.constant 4 : i32
        %sub3A_564 = arith.subi %add3A_422, %sub3A : i32
        %dma_wait3A_565 = arith.constant 0 : i32
        %dma_wait3A_566 = tpu.memref_slice %arg7[%sub3A_564, %dma_wait3A_565] : memref<250x80xi32, #tpu.memory_space<vmem>> -> memref<1x80xi32, #tpu.memory_space<vmem>>
        %dma_wait3A_567 = tpu.memref_squeeze %dma_wait3A_566 : memref<1x80xi32, #tpu.memory_space<vmem>> -> memref<80xi32, #tpu.memory_space<vmem>>
        %dma_wait3A_568 = arith.constant 0 : i32
        %dma_wait3A_569 = arith.constant 0 : i32
        %dma_wait3A_570 = tpu.memref_slice %arg16[%dma_wait3A_568, %dma_wait3A_569] : memref<10240x64xf32, #tpu.memory_space<vmem_shared>> -> memref<10240x64xf32, #tpu.memory_space<vmem_shared>>
        tpu.wait_indirect_dma semaphore(%arg32 : memref<!tpu.dma_semaphore, #tpu.memory_space<semaphore_mem>>) src(%arg15 : memref<80x64xf32, #tpu.memory_space<vmem>>) dst(%dma_wait3A_570 : memref<10240x64xf32, #tpu.memory_space<vmem_shared>>)
      } else {
      }
      %add3A_428 = arith.constant 4 : i32
      %add3A_429 = arith.addi %add3A_422, %add3A_428 : i32
      %dma_start3A_430 = arith.constant 0 : i32
      %dma_start3A_431 = tpu.memref_slice %arg6[%add3A_429, %dma_start3A_430] : memref<250x80xi32, #tpu.memory_space<vmem>> -> memref<1x80xi32, #tpu.memory_space<vmem>>
      %dma_start3A_432 = tpu.memref_squeeze %dma_start3A_431 : memref<1x80xi32, #tpu.memory_space<vmem>> -> memref<80xi32, #tpu.memory_space<vmem>>
      %dma_start3A_433 = arith.constant 0 : i32
      %dma_start3A_434 = arith.constant 0 : i32
      %dma_start3A_435 = tpu.memref_slice %arg4[%dma_start3A_433, %dma_start3A_434] : memref<20480x64xf32, #tpu.memory_space<hbm>> -> memref<20480x64xf32, #tpu.memory_space<hbm>>
      tpu.enqueue_indirect_dma source(%dma_start3A_435 : memref<20480x64xf32, #tpu.memory_space<hbm>>) target(%arg15 : memref<80x64xf32, #tpu.memory_space<vmem>>) offsets(%dma_start3A_432 : memref<80xi32, #tpu.memory_space<vmem>>) semaphore(%arg24 : memref<!tpu.dma_semaphore, #tpu.memory_space<semaphore_mem>>)
      %dma_wait3A_436 = arith.constant 0 : i32
      %dma_wait3A_437 = tpu.memref_slice %arg6[%add3A_422, %dma_wait3A_436] : memref<250x80xi32, #tpu.memory_space<vmem>> -> memref<1x80xi32, #tpu.memory_space<vmem>>
      %dma_wait3A_438 = tpu.memref_squeeze %dma_wait3A_437 : memref<1x80xi32, #tpu.memory_space<vmem>> -> memref<80xi32, #tpu.memory_space<vmem>>
      %dma_wait3A_439 = arith.constant 0 : i32
      %dma_wait3A_440 = arith.constant 0 : i32
      %dma_wait3A_441 = tpu.memref_slice %arg4[%dma_wait3A_439, %dma_wait3A_440] : memref<20480x64xf32, #tpu.memory_space<hbm>> -> memref<20480x64xf32, #tpu.memory_space<hbm>>
      tpu.wait_indirect_dma semaphore(%arg20 : memref<!tpu.dma_semaphore, #tpu.memory_space<semaphore_mem>>) src(%dma_wait3A_441 : memref<20480x64xf32, #tpu.memory_space<hbm>>) dst(%arg11 : memref<80x64xf32, #tpu.memory_space<vmem>>)
      %dma_start3A_442 = arith.constant 0 : i32
      %dma_start3A_443 = tpu.memref_slice %arg7[%add3A_422, %dma_start3A_442] : memref<250x80xi32, #tpu.memory_space<vmem>> -> memref<1x80xi32, #tpu.memory_space<vmem>>
      %dma_start3A_444 = tpu.memref_squeeze %dma_start3A_443 : memref<1x80xi32, #tpu.memory_space<vmem>> -> memref<80xi32, #tpu.memory_space<vmem>>
      %dma_start3A_445 = arith.constant 0 : i32
      %dma_start3A_446 = arith.constant 0 : i32
      %dma_start3A_447 = tpu.memref_slice %arg16[%dma_start3A_445, %dma_start3A_446] : memref<10240x64xf32, #tpu.memory_space<vmem_shared>> -> memref<10240x64xf32, #tpu.memory_space<vmem_shared>>
      tpu.enqueue_indirect_dma source(%arg11 : memref<80x64xf32, #tpu.memory_space<vmem>>) target(%dma_start3A_447 : memref<10240x64xf32, #tpu.memory_space<vmem_shared>>) offsets(%dma_start3A_444 : memref<80xi32, #tpu.memory_space<vmem>>) semaphore(%arg28 : memref<!tpu.dma_semaphore, #tpu.memory_space<semaphore_mem>>) {add = true}
      %mul3A_448 = arith.constant 8 : i32
      %mul3A_449 = arith.muli %mul3A_448, %scan3A_335 : i32
      %add3A_450 = arith.constant 4 : i32
      %add3A_451 = arith.addi %mul3A_449, %add3A_450 : i32
      %ge3A_452 = arith.constant 4 : i32
      %ge3A_453 = arith.cmpi sge, %add3A_451, %ge3A_452 : i32
      %convert_element_type3A_454 = arith.extui %ge3A_453 : i1 to i32
      %cond3A_455 = arith.constant 0 : i32
      %cond3A_456 = arith.cmpi ne, %convert_element_type3A_454, %cond3A_455 : i32
      scf.if %cond3A_456 {
        %sub3A = arith.constant 4 : i32
        %sub3A_564 = arith.subi %add3A_451, %sub3A : i32
        %dma_wait3A_565 = arith.constant 0 : i32
        %dma_wait3A_566 = tpu.memref_slice %arg7[%sub3A_564, %dma_wait3A_565] : memref<250x80xi32, #tpu.memory_space<vmem>> -> memref<1x80xi32, #tpu.memory_space<vmem>>
        %dma_wait3A_567 = tpu.memref_squeeze %dma_wait3A_566 : memref<1x80xi32, #tpu.memory_space<vmem>> -> memref<80xi32, #tpu.memory_space<vmem>>
        %dma_wait3A_568 = arith.constant 0 : i32
        %dma_wait3A_569 = arith.constant 0 : i32
        %dma_wait3A_570 = tpu.memref_slice %arg16[%dma_wait3A_568, %dma_wait3A_569] : memref<10240x64xf32, #tpu.memory_space<vmem_shared>> -> memref<10240x64xf32, #tpu.memory_space<vmem_shared>>
        tpu.wait_indirect_dma semaphore(%arg25 : memref<!tpu.dma_semaphore, #tpu.memory_space<semaphore_mem>>) src(%arg8 : memref<80x64xf32, #tpu.memory_space<vmem>>) dst(%dma_wait3A_570 : memref<10240x64xf32, #tpu.memory_space<vmem_shared>>)
      } else {
      }
      %add3A_457 = arith.constant 4 : i32
      %add3A_458 = arith.addi %add3A_451, %add3A_457 : i32
      %dma_start3A_459 = arith.constant 0 : i32
      %dma_start3A_460 = tpu.memref_slice %arg6[%add3A_458, %dma_start3A_459] : memref<250x80xi32, #tpu.memory_space<vmem>> -> memref<1x80xi32, #tpu.memory_space<vmem>>
      %dma_start3A_461 = tpu.memref_squeeze %dma_start3A_460 : memref<1x80xi32, #tpu.memory_space<vmem>> -> memref<80xi32, #tpu.memory_space<vmem>>
      %dma_start3A_462 = arith.constant 0 : i32
      %dma_start3A_463 = arith.constant 0 : i32
      %dma_start3A_464 = tpu.memref_slice %arg4[%dma_start3A_462, %dma_start3A_463] : memref<20480x64xf32, #tpu.memory_space<hbm>> -> memref<20480x64xf32, #tpu.memory_space<hbm>>
      tpu.enqueue_indirect_dma source(%dma_start3A_464 : memref<20480x64xf32, #tpu.memory_space<hbm>>) target(%arg8 : memref<80x64xf32, #tpu.memory_space<vmem>>) offsets(%dma_start3A_461 : memref<80xi32, #tpu.memory_space<vmem>>) semaphore(%arg17 : memref<!tpu.dma_semaphore, #tpu.memory_space<semaphore_mem>>)
      %dma_wait3A_465 = arith.constant 0 : i32
      %dma_wait3A_466 = tpu.memref_slice %arg6[%add3A_451, %dma_wait3A_465] : memref<250x80xi32, #tpu.memory_space<vmem>> -> memref<1x80xi32, #tpu.memory_space<vmem>>
      %dma_wait3A_467 = tpu.memref_squeeze %dma_wait3A_466 : memref<1x80xi32, #tpu.memory_space<vmem>> -> memref<80xi32, #tpu.memory_space<vmem>>
      %dma_wait3A_468 = arith.constant 0 : i32
      %dma_wait3A_469 = arith.constant 0 : i32
      %dma_wait3A_470 = tpu.memref_slice %arg4[%dma_wait3A_468, %dma_wait3A_469] : memref<20480x64xf32, #tpu.memory_space<hbm>> -> memref<20480x64xf32, #tpu.memory_space<hbm>>
      tpu.wait_indirect_dma semaphore(%arg21 : memref<!tpu.dma_semaphore, #tpu.memory_space<semaphore_mem>>) src(%dma_wait3A_470 : memref<20480x64xf32, #tpu.memory_space<hbm>>) dst(%arg12 : memref<80x64xf32, #tpu.memory_space<vmem>>)
      %dma_start3A_471 = arith.constant 0 : i32
      %dma_start3A_472 = tpu.memref_slice %arg7[%add3A_451, %dma_start3A_471] : memref<250x80xi32, #tpu.memory_space<vmem>> -> memref<1x80xi32, #tpu.memory_space<vmem>>
      %dma_start3A_473 = tpu.memref_squeeze %dma_start3A_472 : memref<1x80xi32, #tpu.memory_space<vmem>> -> memref<80xi32, #tpu.memory_space<vmem>>
      %dma_start3A_474 = arith.constant 0 : i32
      %dma_start3A_475 = arith.constant 0 : i32
      %dma_start3A_476 = tpu.memref_slice %arg16[%dma_start3A_474, %dma_start3A_475] : memref<10240x64xf32, #tpu.memory_space<vmem_shared>> -> memref<10240x64xf32, #tpu.memory_space<vmem_shared>>
      tpu.enqueue_indirect_dma source(%arg12 : memref<80x64xf32, #tpu.memory_space<vmem>>) target(%dma_start3A_476 : memref<10240x64xf32, #tpu.memory_space<vmem_shared>>) offsets(%dma_start3A_473 : memref<80xi32, #tpu.memory_space<vmem>>) semaphore(%arg29 : memref<!tpu.dma_semaphore, #tpu.memory_space<semaphore_mem>>) {add = true}
      %mul3A_477 = arith.constant 8 : i32
      %mul3A_478 = arith.muli %mul3A_477, %scan3A_335 : i32
      %add3A_479 = arith.constant 5 : i32
      %add3A_480 = arith.addi %mul3A_478, %add3A_479 : i32
      %ge3A_481 = arith.constant 4 : i32
      %ge3A_482 = arith.cmpi sge, %add3A_480, %ge3A_481 : i32
      %convert_element_type3A_483 = arith.extui %ge3A_482 : i1 to i32
      %cond3A_484 = arith.constant 0 : i32
      %cond3A_485 = arith.cmpi ne, %convert_element_type3A_483, %cond3A_484 : i32
      scf.if %cond3A_485 {
        %sub3A = arith.constant 4 : i32
        %sub3A_564 = arith.subi %add3A_480, %sub3A : i32
        %dma_wait3A_565 = arith.constant 0 : i32
        %dma_wait3A_566 = tpu.memref_slice %arg7[%sub3A_564, %dma_wait3A_565] : memref<250x80xi32, #tpu.memory_space<vmem>> -> memref<1x80xi32, #tpu.memory_space<vmem>>
        %dma_wait3A_567 = tpu.memref_squeeze %dma_wait3A_566 : memref<1x80xi32, #tpu.memory_space<vmem>> -> memref<80xi32, #tpu.memory_space<vmem>>
        %dma_wait3A_568 = arith.constant 0 : i32
        %dma_wait3A_569 = arith.constant 0 : i32
        %dma_wait3A_570 = tpu.memref_slice %arg16[%dma_wait3A_568, %dma_wait3A_569] : memref<10240x64xf32, #tpu.memory_space<vmem_shared>> -> memref<10240x64xf32, #tpu.memory_space<vmem_shared>>
        tpu.wait_indirect_dma semaphore(%arg26 : memref<!tpu.dma_semaphore, #tpu.memory_space<semaphore_mem>>) src(%arg9 : memref<80x64xf32, #tpu.memory_space<vmem>>) dst(%dma_wait3A_570 : memref<10240x64xf32, #tpu.memory_space<vmem_shared>>)
      } else {
      }
      %add3A_486 = arith.constant 4 : i32
      %add3A_487 = arith.addi %add3A_480, %add3A_486 : i32
      %dma_start3A_488 = arith.constant 0 : i32
      %dma_start3A_489 = tpu.memref_slice %arg6[%add3A_487, %dma_start3A_488] : memref<250x80xi32, #tpu.memory_space<vmem>> -> memref<1x80xi32, #tpu.memory_space<vmem>>
      %dma_start3A_490 = tpu.memref_squeeze %dma_start3A_489 : memref<1x80xi32, #tpu.memory_space<vmem>> -> memref<80xi32, #tpu.memory_space<vmem>>
      %dma_start3A_491 = arith.constant 0 : i32
      %dma_start3A_492 = arith.constant 0 : i32
      %dma_start3A_493 = tpu.memref_slice %arg4[%dma_start3A_491, %dma_start3A_492] : memref<20480x64xf32, #tpu.memory_space<hbm>> -> memref<20480x64xf32, #tpu.memory_space<hbm>>
      tpu.enqueue_indirect_dma source(%dma_start3A_493 : memref<20480x64xf32, #tpu.memory_space<hbm>>) target(%arg9 : memref<80x64xf32, #tpu.memory_space<vmem>>) offsets(%dma_start3A_490 : memref<80xi32, #tpu.memory_space<vmem>>) semaphore(%arg18 : memref<!tpu.dma_semaphore, #tpu.memory_space<semaphore_mem>>)
      %dma_wait3A_494 = arith.constant 0 : i32
      %dma_wait3A_495 = tpu.memref_slice %arg6[%add3A_480, %dma_wait3A_494] : memref<250x80xi32, #tpu.memory_space<vmem>> -> memref<1x80xi32, #tpu.memory_space<vmem>>
      %dma_wait3A_496 = tpu.memref_squeeze %dma_wait3A_495 : memref<1x80xi32, #tpu.memory_space<vmem>> -> memref<80xi32, #tpu.memory_space<vmem>>
      %dma_wait3A_497 = arith.constant 0 : i32
      %dma_wait3A_498 = arith.constant 0 : i32
      %dma_wait3A_499 = tpu.memref_slice %arg4[%dma_wait3A_497, %dma_wait3A_498] : memref<20480x64xf32, #tpu.memory_space<hbm>> -> memref<20480x64xf32, #tpu.memory_space<hbm>>
      tpu.wait_indirect_dma semaphore(%arg22 : memref<!tpu.dma_semaphore, #tpu.memory_space<semaphore_mem>>) src(%dma_wait3A_499 : memref<20480x64xf32, #tpu.memory_space<hbm>>) dst(%arg13 : memref<80x64xf32, #tpu.memory_space<vmem>>)
      %dma_start3A_500 = arith.constant 0 : i32
      %dma_start3A_501 = tpu.memref_slice %arg7[%add3A_480, %dma_start3A_500] : memref<250x80xi32, #tpu.memory_space<vmem>> -> memref<1x80xi32, #tpu.memory_space<vmem>>
      %dma_start3A_502 = tpu.memref_squeeze %dma_start3A_501 : memref<1x80xi32, #tpu.memory_space<vmem>> -> memref<80xi32, #tpu.memory_space<vmem>>
      %dma_start3A_503 = arith.constant 0 : i32
      %dma_start3A_504 = arith.constant 0 : i32
      %dma_start3A_505 = tpu.memref_slice %arg16[%dma_start3A_503, %dma_start3A_504] : memref<10240x64xf32, #tpu.memory_space<vmem_shared>> -> memref<10240x64xf32, #tpu.memory_space<vmem_shared>>
      tpu.enqueue_indirect_dma source(%arg13 : memref<80x64xf32, #tpu.memory_space<vmem>>) target(%dma_start3A_505 : memref<10240x64xf32, #tpu.memory_space<vmem_shared>>) offsets(%dma_start3A_502 : memref<80xi32, #tpu.memory_space<vmem>>) semaphore(%arg30 : memref<!tpu.dma_semaphore, #tpu.memory_space<semaphore_mem>>) {add = true}
      %mul3A_506 = arith.constant 8 : i32
      %mul3A_507 = arith.muli %mul3A_506, %scan3A_335 : i32
      %add3A_508 = arith.constant 6 : i32
      %add3A_509 = arith.addi %mul3A_507, %add3A_508 : i32
      %ge3A_510 = arith.constant 4 : i32
      %ge3A_511 = arith.cmpi sge, %add3A_509, %ge3A_510 : i32
      %convert_element_type3A_512 = arith.extui %ge3A_511 : i1 to i32
      %cond3A_513 = arith.constant 0 : i32
      %cond3A_514 = arith.cmpi ne, %convert_element_type3A_512, %cond3A_513 : i32
      scf.if %cond3A_514 {
        %sub3A = arith.constant 4 : i32
        %sub3A_564 = arith.subi %add3A_509, %sub3A : i32
        %dma_wait3A_565 = arith.constant 0 : i32
        %dma_wait3A_566 = tpu.memref_slice %arg7[%sub3A_564, %dma_wait3A_565] : memref<250x80xi32, #tpu.memory_space<vmem>> -> memref<1x80xi32, #tpu.memory_space<vmem>>
        %dma_wait3A_567 = tpu.memref_squeeze %dma_wait3A_566 : memref<1x80xi32, #tpu.memory_space<vmem>> -> memref<80xi32, #tpu.memory_space<vmem>>
        %dma_wait3A_568 = arith.constant 0 : i32
        %dma_wait3A_569 = arith.constant 0 : i32
        %dma_wait3A_570 = tpu.memref_slice %arg16[%dma_wait3A_568, %dma_wait3A_569] : memref<10240x64xf32, #tpu.memory_space<vmem_shared>> -> memref<10240x64xf32, #tpu.memory_space<vmem_shared>>
        tpu.wait_indirect_dma semaphore(%arg27 : memref<!tpu.dma_semaphore, #tpu.memory_space<semaphore_mem>>) src(%arg10 : memref<80x64xf32, #tpu.memory_space<vmem>>) dst(%dma_wait3A_570 : memref<10240x64xf32, #tpu.memory_space<vmem_shared>>)
      } else {
      }
      %add3A_515 = arith.constant 4 : i32
      %add3A_516 = arith.addi %add3A_509, %add3A_515 : i32
      %dma_start3A_517 = arith.constant 0 : i32
      %dma_start3A_518 = tpu.memref_slice %arg6[%add3A_516, %dma_start3A_517] : memref<250x80xi32, #tpu.memory_space<vmem>> -> memref<1x80xi32, #tpu.memory_space<vmem>>
      %dma_start3A_519 = tpu.memref_squeeze %dma_start3A_518 : memref<1x80xi32, #tpu.memory_space<vmem>> -> memref<80xi32, #tpu.memory_space<vmem>>
      %dma_start3A_520 = arith.constant 0 : i32
      %dma_start3A_521 = arith.constant 0 : i32
      %dma_start3A_522 = tpu.memref_slice %arg4[%dma_start3A_520, %dma_start3A_521] : memref<20480x64xf32, #tpu.memory_space<hbm>> -> memref<20480x64xf32, #tpu.memory_space<hbm>>
      tpu.enqueue_indirect_dma source(%dma_start3A_522 : memref<20480x64xf32, #tpu.memory_space<hbm>>) target(%arg10 : memref<80x64xf32, #tpu.memory_space<vmem>>) offsets(%dma_start3A_519 : memref<80xi32, #tpu.memory_space<vmem>>) semaphore(%arg19 : memref<!tpu.dma_semaphore, #tpu.memory_space<semaphore_mem>>)
      %dma_wait3A_523 = arith.constant 0 : i32
      %dma_wait3A_524 = tpu.memref_slice %arg6[%add3A_509, %dma_wait3A_523] : memref<250x80xi32, #tpu.memory_space<vmem>> -> memref<1x80xi32, #tpu.memory_space<vmem>>
      %dma_wait3A_525 = tpu.memref_squeeze %dma_wait3A_524 : memref<1x80xi32, #tpu.memory_space<vmem>> -> memref<80xi32, #tpu.memory_space<vmem>>
      %dma_wait3A_526 = arith.constant 0 : i32
      %dma_wait3A_527 = arith.constant 0 : i32
      %dma_wait3A_528 = tpu.memref_slice %arg4[%dma_wait3A_526, %dma_wait3A_527] : memref<20480x64xf32, #tpu.memory_space<hbm>> -> memref<20480x64xf32, #tpu.memory_space<hbm>>
      tpu.wait_indirect_dma semaphore(%arg23 : memref<!tpu.dma_semaphore, #tpu.memory_space<semaphore_mem>>) src(%dma_wait3A_528 : memref<20480x64xf32, #tpu.memory_space<hbm>>) dst(%arg14 : memref<80x64xf32, #tpu.memory_space<vmem>>)
      %dma_start3A_529 = arith.constant 0 : i32
      %dma_start3A_530 = tpu.memref_slice %arg7[%add3A_509, %dma_start3A_529] : memref<250x80xi32, #tpu.memory_space<vmem>> -> memref<1x80xi32, #tpu.memory_space<vmem>>
      %dma_start3A_531 = tpu.memref_squeeze %dma_start3A_530 : memref<1x80xi32, #tpu.memory_space<vmem>> -> memref<80xi32, #tpu.memory_space<vmem>>
      %dma_start3A_532 = arith.constant 0 : i32
      %dma_start3A_533 = arith.constant 0 : i32
      %dma_start3A_534 = tpu.memref_slice %arg16[%dma_start3A_532, %dma_start3A_533] : memref<10240x64xf32, #tpu.memory_space<vmem_shared>> -> memref<10240x64xf32, #tpu.memory_space<vmem_shared>>
      tpu.enqueue_indirect_dma source(%arg14 : memref<80x64xf32, #tpu.memory_space<vmem>>) target(%dma_start3A_534 : memref<10240x64xf32, #tpu.memory_space<vmem_shared>>) offsets(%dma_start3A_531 : memref<80xi32, #tpu.memory_space<vmem>>) semaphore(%arg31 : memref<!tpu.dma_semaphore, #tpu.memory_space<semaphore_mem>>) {add = true}
      %mul3A_535 = arith.constant 8 : i32
      %mul3A_536 = arith.muli %mul3A_535, %scan3A_335 : i32
      %add3A_537 = arith.constant 7 : i32
      %add3A_538 = arith.addi %mul3A_536, %add3A_537 : i32
      %ge3A_539 = arith.constant 4 : i32
      %ge3A_540 = arith.cmpi sge, %add3A_538, %ge3A_539 : i32
      %convert_element_type3A_541 = arith.extui %ge3A_540 : i1 to i32
      %cond3A_542 = arith.constant 0 : i32
      %cond3A_543 = arith.cmpi ne, %convert_element_type3A_541, %cond3A_542 : i32
      scf.if %cond3A_543 {
        %sub3A = arith.constant 4 : i32
        %sub3A_564 = arith.subi %add3A_538, %sub3A : i32
        %dma_wait3A_565 = arith.constant 0 : i32
        %dma_wait3A_566 = tpu.memref_slice %arg7[%sub3A_564, %dma_wait3A_565] : memref<250x80xi32, #tpu.memory_space<vmem>> -> memref<1x80xi32, #tpu.memory_space<vmem>>
        %dma_wait3A_567 = tpu.memref_squeeze %dma_wait3A_566 : memref<1x80xi32, #tpu.memory_space<vmem>> -> memref<80xi32, #tpu.memory_space<vmem>>
        %dma_wait3A_568 = arith.constant 0 : i32
        %dma_wait3A_569 = arith.constant 0 : i32
        %dma_wait3A_570 = tpu.memref_slice %arg16[%dma_wait3A_568, %dma_wait3A_569] : memref<10240x64xf32, #tpu.memory_space<vmem_shared>> -> memref<10240x64xf32, #tpu.memory_space<vmem_shared>>
        tpu.wait_indirect_dma semaphore(%arg28 : memref<!tpu.dma_semaphore, #tpu.memory_space<semaphore_mem>>) src(%arg11 : memref<80x64xf32, #tpu.memory_space<vmem>>) dst(%dma_wait3A_570 : memref<10240x64xf32, #tpu.memory_space<vmem_shared>>)
      } else {
      }
      %add3A_544 = arith.constant 4 : i32
      %add3A_545 = arith.addi %add3A_538, %add3A_544 : i32
      %dma_start3A_546 = arith.constant 0 : i32
      %dma_start3A_547 = tpu.memref_slice %arg6[%add3A_545, %dma_start3A_546] : memref<250x80xi32, #tpu.memory_space<vmem>> -> memref<1x80xi32, #tpu.memory_space<vmem>>
      %dma_start3A_548 = tpu.memref_squeeze %dma_start3A_547 : memref<1x80xi32, #tpu.memory_space<vmem>> -> memref<80xi32, #tpu.memory_space<vmem>>
      %dma_start3A_549 = arith.constant 0 : i32
      %dma_start3A_550 = arith.constant 0 : i32
      %dma_start3A_551 = tpu.memref_slice %arg4[%dma_start3A_549, %dma_start3A_550] : memref<20480x64xf32, #tpu.memory_space<hbm>> -> memref<20480x64xf32, #tpu.memory_space<hbm>>
      tpu.enqueue_indirect_dma source(%dma_start3A_551 : memref<20480x64xf32, #tpu.memory_space<hbm>>) target(%arg11 : memref<80x64xf32, #tpu.memory_space<vmem>>) offsets(%dma_start3A_548 : memref<80xi32, #tpu.memory_space<vmem>>) semaphore(%arg20 : memref<!tpu.dma_semaphore, #tpu.memory_space<semaphore_mem>>)
      %dma_wait3A_552 = arith.constant 0 : i32
      %dma_wait3A_553 = tpu.memref_slice %arg6[%add3A_538, %dma_wait3A_552] : memref<250x80xi32, #tpu.memory_space<vmem>> -> memref<1x80xi32, #tpu.memory_space<vmem>>
      %dma_wait3A_554 = tpu.memref_squeeze %dma_wait3A_553 : memref<1x80xi32, #tpu.memory_space<vmem>> -> memref<80xi32, #tpu.memory_space<vmem>>
      %dma_wait3A_555 = arith.constant 0 : i32
      %dma_wait3A_556 = arith.constant 0 : i32
      %dma_wait3A_557 = tpu.memref_slice %arg4[%dma_wait3A_555, %dma_wait3A_556] : memref<20480x64xf32, #tpu.memory_space<hbm>> -> memref<20480x64xf32, #tpu.memory_space<hbm>>
      tpu.wait_indirect_dma semaphore(%arg24 : memref<!tpu.dma_semaphore, #tpu.memory_space<semaphore_mem>>) src(%dma_wait3A_557 : memref<20480x64xf32, #tpu.memory_space<hbm>>) dst(%arg15 : memref<80x64xf32, #tpu.memory_space<vmem>>)
      %dma_start3A_558 = arith.constant 0 : i32
      %dma_start3A_559 = tpu.memref_slice %arg7[%add3A_538, %dma_start3A_558] : memref<250x80xi32, #tpu.memory_space<vmem>> -> memref<1x80xi32, #tpu.memory_space<vmem>>
      %dma_start3A_560 = tpu.memref_squeeze %dma_start3A_559 : memref<1x80xi32, #tpu.memory_space<vmem>> -> memref<80xi32, #tpu.memory_space<vmem>>
      %dma_start3A_561 = arith.constant 0 : i32
      %dma_start3A_562 = arith.constant 0 : i32
      %dma_start3A_563 = tpu.memref_slice %arg16[%dma_start3A_561, %dma_start3A_562] : memref<10240x64xf32, #tpu.memory_space<vmem_shared>> -> memref<10240x64xf32, #tpu.memory_space<vmem_shared>>
      tpu.enqueue_indirect_dma source(%arg15 : memref<80x64xf32, #tpu.memory_space<vmem>>) target(%dma_start3A_563 : memref<10240x64xf32, #tpu.memory_space<vmem_shared>>) offsets(%dma_start3A_560 : memref<80xi32, #tpu.memory_space<vmem>>) semaphore(%arg32 : memref<!tpu.dma_semaphore, #tpu.memory_space<semaphore_mem>>) {add = true}
    }
    %scan3A_54 = arith.constant 30 : i32
    %dma_wait3A = arith.constant 236 : i32
    %dma_wait3A_55 = arith.constant 0 : i32
    %dma_wait3A_56 = tpu.memref_slice %arg7[%dma_wait3A, %dma_wait3A_55] : memref<250x80xi32, #tpu.memory_space<vmem>> -> memref<1x80xi32, #tpu.memory_space<vmem>>
    %dma_wait3A_57 = tpu.memref_squeeze %dma_wait3A_56 : memref<1x80xi32, #tpu.memory_space<vmem>> -> memref<80xi32, #tpu.memory_space<vmem>>
    %dma_wait3A_58 = arith.constant 0 : i32
    %dma_wait3A_59 = arith.constant 0 : i32
    %dma_wait3A_60 = tpu.memref_slice %arg16[%dma_wait3A_58, %dma_wait3A_59] : memref<10240x64xf32, #tpu.memory_space<vmem_shared>> -> memref<10240x64xf32, #tpu.memory_space<vmem_shared>>
    tpu.wait_indirect_dma semaphore(%arg29 : memref<!tpu.dma_semaphore, #tpu.memory_space<semaphore_mem>>) src(%arg12 : memref<80x64xf32, #tpu.memory_space<vmem>>) dst(%dma_wait3A_60 : memref<10240x64xf32, #tpu.memory_space<vmem_shared>>)
    %dma_start3A_61 = arith.constant 244 : i32
    %dma_start3A_62 = arith.constant 0 : i32
    %dma_start3A_63 = tpu.memref_slice %arg6[%dma_start3A_61, %dma_start3A_62] : memref<250x80xi32, #tpu.memory_space<vmem>> -> memref<1x80xi32, #tpu.memory_space<vmem>>
    %dma_start3A_64 = tpu.memref_squeeze %dma_start3A_63 : memref<1x80xi32, #tpu.memory_space<vmem>> -> memref<80xi32, #tpu.memory_space<vmem>>
    %dma_start3A_65 = arith.constant 0 : i32
    %dma_start3A_66 = arith.constant 0 : i32
    %dma_start3A_67 = tpu.memref_slice %arg4[%dma_start3A_65, %dma_start3A_66] : memref<20480x64xf32, #tpu.memory_space<hbm>> -> memref<20480x64xf32, #tpu.memory_space<hbm>>
    tpu.enqueue_indirect_dma source(%dma_start3A_67 : memref<20480x64xf32, #tpu.memory_space<hbm>>) target(%arg12 : memref<80x64xf32, #tpu.memory_space<vmem>>) offsets(%dma_start3A_64 : memref<80xi32, #tpu.memory_space<vmem>>) semaphore(%arg21 : memref<!tpu.dma_semaphore, #tpu.memory_space<semaphore_mem>>)
    %dma_wait3A_68 = arith.constant 240 : i32
    %dma_wait3A_69 = arith.constant 0 : i32
    %dma_wait3A_70 = tpu.memref_slice %arg6[%dma_wait3A_68, %dma_wait3A_69] : memref<250x80xi32, #tpu.memory_space<vmem>> -> memref<1x80xi32, #tpu.memory_space<vmem>>
    %dma_wait3A_71 = tpu.memref_squeeze %dma_wait3A_70 : memref<1x80xi32, #tpu.memory_space<vmem>> -> memref<80xi32, #tpu.memory_space<vmem>>
    %dma_wait3A_72 = arith.constant 0 : i32
    %dma_wait3A_73 = arith.constant 0 : i32
    %dma_wait3A_74 = tpu.memref_slice %arg4[%dma_wait3A_72, %dma_wait3A_73] : memref<20480x64xf32, #tpu.memory_space<hbm>> -> memref<20480x64xf32, #tpu.memory_space<hbm>>
    tpu.wait_indirect_dma semaphore(%arg17 : memref<!tpu.dma_semaphore, #tpu.memory_space<semaphore_mem>>) src(%dma_wait3A_74 : memref<20480x64xf32, #tpu.memory_space<hbm>>) dst(%arg8 : memref<80x64xf32, #tpu.memory_space<vmem>>)
    %dma_start3A_75 = arith.constant 240 : i32
    %dma_start3A_76 = arith.constant 0 : i32
    %dma_start3A_77 = tpu.memref_slice %arg7[%dma_start3A_75, %dma_start3A_76] : memref<250x80xi32, #tpu.memory_space<vmem>> -> memref<1x80xi32, #tpu.memory_space<vmem>>
    %dma_start3A_78 = tpu.memref_squeeze %dma_start3A_77 : memref<1x80xi32, #tpu.memory_space<vmem>> -> memref<80xi32, #tpu.memory_space<vmem>>
    %dma_start3A_79 = arith.constant 0 : i32
    %dma_start3A_80 = arith.constant 0 : i32
    %dma_start3A_81 = tpu.memref_slice %arg16[%dma_start3A_79, %dma_start3A_80] : memref<10240x64xf32, #tpu.memory_space<vmem_shared>> -> memref<10240x64xf32, #tpu.memory_space<vmem_shared>>
    tpu.enqueue_indirect_dma source(%arg8 : memref<80x64xf32, #tpu.memory_space<vmem>>) target(%dma_start3A_81 : memref<10240x64xf32, #tpu.memory_space<vmem_shared>>) offsets(%dma_start3A_78 : memref<80xi32, #tpu.memory_space<vmem>>) semaphore(%arg25 : memref<!tpu.dma_semaphore, #tpu.memory_space<semaphore_mem>>) {add = true}
    %dma_wait3A_82 = arith.constant 237 : i32
    %dma_wait3A_83 = arith.constant 0 : i32
    %dma_wait3A_84 = tpu.memref_slice %arg7[%dma_wait3A_82, %dma_wait3A_83] : memref<250x80xi32, #tpu.memory_space<vmem>> -> memref<1x80xi32, #tpu.memory_space<vmem>>
    %dma_wait3A_85 = tpu.memref_squeeze %dma_wait3A_84 : memref<1x80xi32, #tpu.memory_space<vmem>> -> memref<80xi32, #tpu.memory_space<vmem>>
    %dma_wait3A_86 = arith.constant 0 : i32
    %dma_wait3A_87 = arith.constant 0 : i32
    %dma_wait3A_88 = tpu.memref_slice %arg16[%dma_wait3A_86, %dma_wait3A_87] : memref<10240x64xf32, #tpu.memory_space<vmem_shared>> -> memref<10240x64xf32, #tpu.memory_space<vmem_shared>>
    tpu.wait_indirect_dma semaphore(%arg30 : memref<!tpu.dma_semaphore, #tpu.memory_space<semaphore_mem>>) src(%arg13 : memref<80x64xf32, #tpu.memory_space<vmem>>) dst(%dma_wait3A_88 : memref<10240x64xf32, #tpu.memory_space<vmem_shared>>)
    %dma_start3A_89 = arith.constant 245 : i32
    %dma_start3A_90 = arith.constant 0 : i32
    %dma_start3A_91 = tpu.memref_slice %arg6[%dma_start3A_89, %dma_start3A_90] : memref<250x80xi32, #tpu.memory_space<vmem>> -> memref<1x80xi32, #tpu.memory_space<vmem>>
    %dma_start3A_92 = tpu.memref_squeeze %dma_start3A_91 : memref<1x80xi32, #tpu.memory_space<vmem>> -> memref<80xi32, #tpu.memory_space<vmem>>
    %dma_start3A_93 = arith.constant 0 : i32
    %dma_start3A_94 = arith.constant 0 : i32
    %dma_start3A_95 = tpu.memref_slice %arg4[%dma_start3A_93, %dma_start3A_94] : memref<20480x64xf32, #tpu.memory_space<hbm>> -> memref<20480x64xf32, #tpu.memory_space<hbm>>
    tpu.enqueue_indirect_dma source(%dma_start3A_95 : memref<20480x64xf32, #tpu.memory_space<hbm>>) target(%arg13 : memref<80x64xf32, #tpu.memory_space<vmem>>) offsets(%dma_start3A_92 : memref<80xi32, #tpu.memory_space<vmem>>) semaphore(%arg22 : memref<!tpu.dma_semaphore, #tpu.memory_space<semaphore_mem>>)
    %dma_wait3A_96 = arith.constant 241 : i32
    %dma_wait3A_97 = arith.constant 0 : i32
    %dma_wait3A_98 = tpu.memref_slice %arg6[%dma_wait3A_96, %dma_wait3A_97] : memref<250x80xi32, #tpu.memory_space<vmem>> -> memref<1x80xi32, #tpu.memory_space<vmem>>
    %dma_wait3A_99 = tpu.memref_squeeze %dma_wait3A_98 : memref<1x80xi32, #tpu.memory_space<vmem>> -> memref<80xi32, #tpu.memory_space<vmem>>
    %dma_wait3A_100 = arith.constant 0 : i32
    %dma_wait3A_101 = arith.constant 0 : i32
    %dma_wait3A_102 = tpu.memref_slice %arg4[%dma_wait3A_100, %dma_wait3A_101] : memref<20480x64xf32, #tpu.memory_space<hbm>> -> memref<20480x64xf32, #tpu.memory_space<hbm>>
    tpu.wait_indirect_dma semaphore(%arg18 : memref<!tpu.dma_semaphore, #tpu.memory_space<semaphore_mem>>) src(%dma_wait3A_102 : memref<20480x64xf32, #tpu.memory_space<hbm>>) dst(%arg9 : memref<80x64xf32, #tpu.memory_space<vmem>>)
    %dma_start3A_103 = arith.constant 241 : i32
    %dma_start3A_104 = arith.constant 0 : i32
    %dma_start3A_105 = tpu.memref_slice %arg7[%dma_start3A_103, %dma_start3A_104] : memref<250x80xi32, #tpu.memory_space<vmem>> -> memref<1x80xi32, #tpu.memory_space<vmem>>
    %dma_start3A_106 = tpu.memref_squeeze %dma_start3A_105 : memref<1x80xi32, #tpu.memory_space<vmem>> -> memref<80xi32, #tpu.memory_space<vmem>>
    %dma_start3A_107 = arith.constant 0 : i32
    %dma_start3A_108 = arith.constant 0 : i32
    %dma_start3A_109 = tpu.memref_slice %arg16[%dma_start3A_107, %dma_start3A_108] : memref<10240x64xf32, #tpu.memory_space<vmem_shared>> -> memref<10240x64xf32, #tpu.memory_space<vmem_shared>>
    tpu.enqueue_indirect_dma source(%arg9 : memref<80x64xf32, #tpu.memory_space<vmem>>) target(%dma_start3A_109 : memref<10240x64xf32, #tpu.memory_space<vmem_shared>>) offsets(%dma_start3A_106 : memref<80xi32, #tpu.memory_space<vmem>>) semaphore(%arg26 : memref<!tpu.dma_semaphore, #tpu.memory_space<semaphore_mem>>) {add = true}
    %dma_wait3A_110 = arith.constant 238 : i32
    %dma_wait3A_111 = arith.constant 0 : i32
    %dma_wait3A_112 = tpu.memref_slice %arg7[%dma_wait3A_110, %dma_wait3A_111] : memref<250x80xi32, #tpu.memory_space<vmem>> -> memref<1x80xi32, #tpu.memory_space<vmem>>
    %dma_wait3A_113 = tpu.memref_squeeze %dma_wait3A_112 : memref<1x80xi32, #tpu.memory_space<vmem>> -> memref<80xi32, #tpu.memory_space<vmem>>
    %dma_wait3A_114 = arith.constant 0 : i32
    %dma_wait3A_115 = arith.constant 0 : i32
    %dma_wait3A_116 = tpu.memref_slice %arg16[%dma_wait3A_114, %dma_wait3A_115] : memref<10240x64xf32, #tpu.memory_space<vmem_shared>> -> memref<10240x64xf32, #tpu.memory_space<vmem_shared>>
    tpu.wait_indirect_dma semaphore(%arg31 : memref<!tpu.dma_semaphore, #tpu.memory_space<semaphore_mem>>) src(%arg14 : memref<80x64xf32, #tpu.memory_space<vmem>>) dst(%dma_wait3A_116 : memref<10240x64xf32, #tpu.memory_space<vmem_shared>>)
    %dma_start3A_117 = arith.constant 246 : i32
    %dma_start3A_118 = arith.constant 0 : i32
    %dma_start3A_119 = tpu.memref_slice %arg6[%dma_start3A_117, %dma_start3A_118] : memref<250x80xi32, #tpu.memory_space<vmem>> -> memref<1x80xi32, #tpu.memory_space<vmem>>
    %dma_start3A_120 = tpu.memref_squeeze %dma_start3A_119 : memref<1x80xi32, #tpu.memory_space<vmem>> -> memref<80xi32, #tpu.memory_space<vmem>>
    %dma_start3A_121 = arith.constant 0 : i32
    %dma_start3A_122 = arith.constant 0 : i32
    %dma_start3A_123 = tpu.memref_slice %arg4[%dma_start3A_121, %dma_start3A_122] : memref<20480x64xf32, #tpu.memory_space<hbm>> -> memref<20480x64xf32, #tpu.memory_space<hbm>>
    tpu.enqueue_indirect_dma source(%dma_start3A_123 : memref<20480x64xf32, #tpu.memory_space<hbm>>) target(%arg14 : memref<80x64xf32, #tpu.memory_space<vmem>>) offsets(%dma_start3A_120 : memref<80xi32, #tpu.memory_space<vmem>>) semaphore(%arg23 : memref<!tpu.dma_semaphore, #tpu.memory_space<semaphore_mem>>)
    %dma_wait3A_124 = arith.constant 242 : i32
    %dma_wait3A_125 = arith.constant 0 : i32
    %dma_wait3A_126 = tpu.memref_slice %arg6[%dma_wait3A_124, %dma_wait3A_125] : memref<250x80xi32, #tpu.memory_space<vmem>> -> memref<1x80xi32, #tpu.memory_space<vmem>>
    %dma_wait3A_127 = tpu.memref_squeeze %dma_wait3A_126 : memref<1x80xi32, #tpu.memory_space<vmem>> -> memref<80xi32, #tpu.memory_space<vmem>>
    %dma_wait3A_128 = arith.constant 0 : i32
    %dma_wait3A_129 = arith.constant 0 : i32
    %dma_wait3A_130 = tpu.memref_slice %arg4[%dma_wait3A_128, %dma_wait3A_129] : memref<20480x64xf32, #tpu.memory_space<hbm>> -> memref<20480x64xf32, #tpu.memory_space<hbm>>
    tpu.wait_indirect_dma semaphore(%arg19 : memref<!tpu.dma_semaphore, #tpu.memory_space<semaphore_mem>>) src(%dma_wait3A_130 : memref<20480x64xf32, #tpu.memory_space<hbm>>) dst(%arg10 : memref<80x64xf32, #tpu.memory_space<vmem>>)
    %dma_start3A_131 = arith.constant 242 : i32
    %dma_start3A_132 = arith.constant 0 : i32
    %dma_start3A_133 = tpu.memref_slice %arg7[%dma_start3A_131, %dma_start3A_132] : memref<250x80xi32, #tpu.memory_space<vmem>> -> memref<1x80xi32, #tpu.memory_space<vmem>>
    %dma_start3A_134 = tpu.memref_squeeze %dma_start3A_133 : memref<1x80xi32, #tpu.memory_space<vmem>> -> memref<80xi32, #tpu.memory_space<vmem>>
    %dma_start3A_135 = arith.constant 0 : i32
    %dma_start3A_136 = arith.constant 0 : i32
    %dma_start3A_137 = tpu.memref_slice %arg16[%dma_start3A_135, %dma_start3A_136] : memref<10240x64xf32, #tpu.memory_space<vmem_shared>> -> memref<10240x64xf32, #tpu.memory_space<vmem_shared>>
    tpu.enqueue_indirect_dma source(%arg10 : memref<80x64xf32, #tpu.memory_space<vmem>>) target(%dma_start3A_137 : memref<10240x64xf32, #tpu.memory_space<vmem_shared>>) offsets(%dma_start3A_134 : memref<80xi32, #tpu.memory_space<vmem>>) semaphore(%arg27 : memref<!tpu.dma_semaphore, #tpu.memory_space<semaphore_mem>>) {add = true}
    %dma_wait3A_138 = arith.constant 239 : i32
    %dma_wait3A_139 = arith.constant 0 : i32
    %dma_wait3A_140 = tpu.memref_slice %arg7[%dma_wait3A_138, %dma_wait3A_139] : memref<250x80xi32, #tpu.memory_space<vmem>> -> memref<1x80xi32, #tpu.memory_space<vmem>>
    %dma_wait3A_141 = tpu.memref_squeeze %dma_wait3A_140 : memref<1x80xi32, #tpu.memory_space<vmem>> -> memref<80xi32, #tpu.memory_space<vmem>>
    %dma_wait3A_142 = arith.constant 0 : i32
    %dma_wait3A_143 = arith.constant 0 : i32
    %dma_wait3A_144 = tpu.memref_slice %arg16[%dma_wait3A_142, %dma_wait3A_143] : memref<10240x64xf32, #tpu.memory_space<vmem_shared>> -> memref<10240x64xf32, #tpu.memory_space<vmem_shared>>
    tpu.wait_indirect_dma semaphore(%arg32 : memref<!tpu.dma_semaphore, #tpu.memory_space<semaphore_mem>>) src(%arg15 : memref<80x64xf32, #tpu.memory_space<vmem>>) dst(%dma_wait3A_144 : memref<10240x64xf32, #tpu.memory_space<vmem_shared>>)
    %dma_start3A_145 = arith.constant 247 : i32
    %dma_start3A_146 = arith.constant 0 : i32
    %dma_start3A_147 = tpu.memref_slice %arg6[%dma_start3A_145, %dma_start3A_146] : memref<250x80xi32, #tpu.memory_space<vmem>> -> memref<1x80xi32, #tpu.memory_space<vmem>>
    %dma_start3A_148 = tpu.memref_squeeze %dma_start3A_147 : memref<1x80xi32, #tpu.memory_space<vmem>> -> memref<80xi32, #tpu.memory_space<vmem>>
    %dma_start3A_149 = arith.constant 0 : i32
    %dma_start3A_150 = arith.constant 0 : i32
    %dma_start3A_151 = tpu.memref_slice %arg4[%dma_start3A_149, %dma_start3A_150] : memref<20480x64xf32, #tpu.memory_space<hbm>> -> memref<20480x64xf32, #tpu.memory_space<hbm>>
    tpu.enqueue_indirect_dma source(%dma_start3A_151 : memref<20480x64xf32, #tpu.memory_space<hbm>>) target(%arg15 : memref<80x64xf32, #tpu.memory_space<vmem>>) offsets(%dma_start3A_148 : memref<80xi32, #tpu.memory_space<vmem>>) semaphore(%arg24 : memref<!tpu.dma_semaphore, #tpu.memory_space<semaphore_mem>>)
    %dma_wait3A_152 = arith.constant 243 : i32
    %dma_wait3A_153 = arith.constant 0 : i32
    %dma_wait3A_154 = tpu.memref_slice %arg6[%dma_wait3A_152, %dma_wait3A_153] : memref<250x80xi32, #tpu.memory_space<vmem>> -> memref<1x80xi32, #tpu.memory_space<vmem>>
    %dma_wait3A_155 = tpu.memref_squeeze %dma_wait3A_154 : memref<1x80xi32, #tpu.memory_space<vmem>> -> memref<80xi32, #tpu.memory_space<vmem>>
    %dma_wait3A_156 = arith.constant 0 : i32
    %dma_wait3A_157 = arith.constant 0 : i32
    %dma_wait3A_158 = tpu.memref_slice %arg4[%dma_wait3A_156, %dma_wait3A_157] : memref<20480x64xf32, #tpu.memory_space<hbm>> -> memref<20480x64xf32, #tpu.memory_space<hbm>>
    tpu.wait_indirect_dma semaphore(%arg20 : memref<!tpu.dma_semaphore, #tpu.memory_space<semaphore_mem>>) src(%dma_wait3A_158 : memref<20480x64xf32, #tpu.memory_space<hbm>>) dst(%arg11 : memref<80x64xf32, #tpu.memory_space<vmem>>)
    %dma_start3A_159 = arith.constant 243 : i32
    %dma_start3A_160 = arith.constant 0 : i32
    %dma_start3A_161 = tpu.memref_slice %arg7[%dma_start3A_159, %dma_start3A_160] : memref<250x80xi32, #tpu.memory_space<vmem>> -> memref<1x80xi32, #tpu.memory_space<vmem>>
    %dma_start3A_162 = tpu.memref_squeeze %dma_start3A_161 : memref<1x80xi32, #tpu.memory_space<vmem>> -> memref<80xi32, #tpu.memory_space<vmem>>
    %dma_start3A_163 = arith.constant 0 : i32
    %dma_start3A_164 = arith.constant 0 : i32
    %dma_start3A_165 = tpu.memref_slice %arg16[%dma_start3A_163, %dma_start3A_164] : memref<10240x64xf32, #tpu.memory_space<vmem_shared>> -> memref<10240x64xf32, #tpu.memory_space<vmem_shared>>
    tpu.enqueue_indirect_dma source(%arg11 : memref<80x64xf32, #tpu.memory_space<vmem>>) target(%dma_start3A_165 : memref<10240x64xf32, #tpu.memory_space<vmem_shared>>) offsets(%dma_start3A_162 : memref<80xi32, #tpu.memory_space<vmem>>) semaphore(%arg28 : memref<!tpu.dma_semaphore, #tpu.memory_space<semaphore_mem>>) {add = true}
    %dma_wait3A_166 = arith.constant 240 : i32
    %dma_wait3A_167 = arith.constant 0 : i32
    %dma_wait3A_168 = tpu.memref_slice %arg7[%dma_wait3A_166, %dma_wait3A_167] : memref<250x80xi32, #tpu.memory_space<vmem>> -> memref<1x80xi32, #tpu.memory_space<vmem>>
    %dma_wait3A_169 = tpu.memref_squeeze %dma_wait3A_168 : memref<1x80xi32, #tpu.memory_space<vmem>> -> memref<80xi32, #tpu.memory_space<vmem>>
    %dma_wait3A_170 = arith.constant 0 : i32
    %dma_wait3A_171 = arith.constant 0 : i32
    %dma_wait3A_172 = tpu.memref_slice %arg16[%dma_wait3A_170, %dma_wait3A_171] : memref<10240x64xf32, #tpu.memory_space<vmem_shared>> -> memref<10240x64xf32, #tpu.memory_space<vmem_shared>>
    tpu.wait_indirect_dma semaphore(%arg25 : memref<!tpu.dma_semaphore, #tpu.memory_space<semaphore_mem>>) src(%arg8 : memref<80x64xf32, #tpu.memory_space<vmem>>) dst(%dma_wait3A_172 : memref<10240x64xf32, #tpu.memory_space<vmem_shared>>)
    %dma_start3A_173 = arith.constant 248 : i32
    %dma_start3A_174 = arith.constant 0 : i32
    %dma_start3A_175 = tpu.memref_slice %arg6[%dma_start3A_173, %dma_start3A_174] : memref<250x80xi32, #tpu.memory_space<vmem>> -> memref<1x80xi32, #tpu.memory_space<vmem>>
    %dma_start3A_176 = tpu.memref_squeeze %dma_start3A_175 : memref<1x80xi32, #tpu.memory_space<vmem>> -> memref<80xi32, #tpu.memory_space<vmem>>
    %dma_start3A_177 = arith.constant 0 : i32
    %dma_start3A_178 = arith.constant 0 : i32
    %dma_start3A_179 = tpu.memref_slice %arg4[%dma_start3A_177, %dma_start3A_178] : memref<20480x64xf32, #tpu.memory_space<hbm>> -> memref<20480x64xf32, #tpu.memory_space<hbm>>
    tpu.enqueue_indirect_dma source(%dma_start3A_179 : memref<20480x64xf32, #tpu.memory_space<hbm>>) target(%arg8 : memref<80x64xf32, #tpu.memory_space<vmem>>) offsets(%dma_start3A_176 : memref<80xi32, #tpu.memory_space<vmem>>) semaphore(%arg17 : memref<!tpu.dma_semaphore, #tpu.memory_space<semaphore_mem>>)
    %dma_wait3A_180 = arith.constant 244 : i32
    %dma_wait3A_181 = arith.constant 0 : i32
    %dma_wait3A_182 = tpu.memref_slice %arg6[%dma_wait3A_180, %dma_wait3A_181] : memref<250x80xi32, #tpu.memory_space<vmem>> -> memref<1x80xi32, #tpu.memory_space<vmem>>
    %dma_wait3A_183 = tpu.memref_squeeze %dma_wait3A_182 : memref<1x80xi32, #tpu.memory_space<vmem>> -> memref<80xi32, #tpu.memory_space<vmem>>
    %dma_wait3A_184 = arith.constant 0 : i32
    %dma_wait3A_185 = arith.constant 0 : i32
    %dma_wait3A_186 = tpu.memref_slice %arg4[%dma_wait3A_184, %dma_wait3A_185] : memref<20480x64xf32, #tpu.memory_space<hbm>> -> memref<20480x64xf32, #tpu.memory_space<hbm>>
    tpu.wait_indirect_dma semaphore(%arg21 : memref<!tpu.dma_semaphore, #tpu.memory_space<semaphore_mem>>) src(%dma_wait3A_186 : memref<20480x64xf32, #tpu.memory_space<hbm>>) dst(%arg12 : memref<80x64xf32, #tpu.memory_space<vmem>>)
    %dma_start3A_187 = arith.constant 244 : i32
    %dma_start3A_188 = arith.constant 0 : i32
    %dma_start3A_189 = tpu.memref_slice %arg7[%dma_start3A_187, %dma_start3A_188] : memref<250x80xi32, #tpu.memory_space<vmem>> -> memref<1x80xi32, #tpu.memory_space<vmem>>
    %dma_start3A_190 = tpu.memref_squeeze %dma_start3A_189 : memref<1x80xi32, #tpu.memory_space<vmem>> -> memref<80xi32, #tpu.memory_space<vmem>>
    %dma_start3A_191 = arith.constant 0 : i32
    %dma_start3A_192 = arith.constant 0 : i32
    %dma_start3A_193 = tpu.memref_slice %arg16[%dma_start3A_191, %dma_start3A_192] : memref<10240x64xf32, #tpu.memory_space<vmem_shared>> -> memref<10240x64xf32, #tpu.memory_space<vmem_shared>>
    tpu.enqueue_indirect_dma source(%arg12 : memref<80x64xf32, #tpu.memory_space<vmem>>) target(%dma_start3A_193 : memref<10240x64xf32, #tpu.memory_space<vmem_shared>>) offsets(%dma_start3A_190 : memref<80xi32, #tpu.memory_space<vmem>>) semaphore(%arg29 : memref<!tpu.dma_semaphore, #tpu.memory_space<semaphore_mem>>) {add = true}
    %dma_wait3A_194 = arith.constant 241 : i32
    %dma_wait3A_195 = arith.constant 0 : i32
    %dma_wait3A_196 = tpu.memref_slice %arg7[%dma_wait3A_194, %dma_wait3A_195] : memref<250x80xi32, #tpu.memory_space<vmem>> -> memref<1x80xi32, #tpu.memory_space<vmem>>
    %dma_wait3A_197 = tpu.memref_squeeze %dma_wait3A_196 : memref<1x80xi32, #tpu.memory_space<vmem>> -> memref<80xi32, #tpu.memory_space<vmem>>
    %dma_wait3A_198 = arith.constant 0 : i32
    %dma_wait3A_199 = arith.constant 0 : i32
    %dma_wait3A_200 = tpu.memref_slice %arg16[%dma_wait3A_198, %dma_wait3A_199] : memref<10240x64xf32, #tpu.memory_space<vmem_shared>> -> memref<10240x64xf32, #tpu.memory_space<vmem_shared>>
    tpu.wait_indirect_dma semaphore(%arg26 : memref<!tpu.dma_semaphore, #tpu.memory_space<semaphore_mem>>) src(%arg9 : memref<80x64xf32, #tpu.memory_space<vmem>>) dst(%dma_wait3A_200 : memref<10240x64xf32, #tpu.memory_space<vmem_shared>>)
    %dma_start3A_201 = arith.constant 249 : i32
    %dma_start3A_202 = arith.constant 0 : i32
    %dma_start3A_203 = tpu.memref_slice %arg6[%dma_start3A_201, %dma_start3A_202] : memref<250x80xi32, #tpu.memory_space<vmem>> -> memref<1x80xi32, #tpu.memory_space<vmem>>
    %dma_start3A_204 = tpu.memref_squeeze %dma_start3A_203 : memref<1x80xi32, #tpu.memory_space<vmem>> -> memref<80xi32, #tpu.memory_space<vmem>>
    %dma_start3A_205 = arith.constant 0 : i32
    %dma_start3A_206 = arith.constant 0 : i32
    %dma_start3A_207 = tpu.memref_slice %arg4[%dma_start3A_205, %dma_start3A_206] : memref<20480x64xf32, #tpu.memory_space<hbm>> -> memref<20480x64xf32, #tpu.memory_space<hbm>>
    tpu.enqueue_indirect_dma source(%dma_start3A_207 : memref<20480x64xf32, #tpu.memory_space<hbm>>) target(%arg9 : memref<80x64xf32, #tpu.memory_space<vmem>>) offsets(%dma_start3A_204 : memref<80xi32, #tpu.memory_space<vmem>>) semaphore(%arg18 : memref<!tpu.dma_semaphore, #tpu.memory_space<semaphore_mem>>)
    %dma_wait3A_208 = arith.constant 245 : i32
    %dma_wait3A_209 = arith.constant 0 : i32
    %dma_wait3A_210 = tpu.memref_slice %arg6[%dma_wait3A_208, %dma_wait3A_209] : memref<250x80xi32, #tpu.memory_space<vmem>> -> memref<1x80xi32, #tpu.memory_space<vmem>>
    %dma_wait3A_211 = tpu.memref_squeeze %dma_wait3A_210 : memref<1x80xi32, #tpu.memory_space<vmem>> -> memref<80xi32, #tpu.memory_space<vmem>>
    %dma_wait3A_212 = arith.constant 0 : i32
    %dma_wait3A_213 = arith.constant 0 : i32
    %dma_wait3A_214 = tpu.memref_slice %arg4[%dma_wait3A_212, %dma_wait3A_213] : memref<20480x64xf32, #tpu.memory_space<hbm>> -> memref<20480x64xf32, #tpu.memory_space<hbm>>
    tpu.wait_indirect_dma semaphore(%arg22 : memref<!tpu.dma_semaphore, #tpu.memory_space<semaphore_mem>>) src(%dma_wait3A_214 : memref<20480x64xf32, #tpu.memory_space<hbm>>) dst(%arg13 : memref<80x64xf32, #tpu.memory_space<vmem>>)
    %dma_start3A_215 = arith.constant 245 : i32
    %dma_start3A_216 = arith.constant 0 : i32
    %dma_start3A_217 = tpu.memref_slice %arg7[%dma_start3A_215, %dma_start3A_216] : memref<250x80xi32, #tpu.memory_space<vmem>> -> memref<1x80xi32, #tpu.memory_space<vmem>>
    %dma_start3A_218 = tpu.memref_squeeze %dma_start3A_217 : memref<1x80xi32, #tpu.memory_space<vmem>> -> memref<80xi32, #tpu.memory_space<vmem>>
    %dma_start3A_219 = arith.constant 0 : i32
    %dma_start3A_220 = arith.constant 0 : i32
    %dma_start3A_221 = tpu.memref_slice %arg16[%dma_start3A_219, %dma_start3A_220] : memref<10240x64xf32, #tpu.memory_space<vmem_shared>> -> memref<10240x64xf32, #tpu.memory_space<vmem_shared>>
    tpu.enqueue_indirect_dma source(%arg13 : memref<80x64xf32, #tpu.memory_space<vmem>>) target(%dma_start3A_221 : memref<10240x64xf32, #tpu.memory_space<vmem_shared>>) offsets(%dma_start3A_218 : memref<80xi32, #tpu.memory_space<vmem>>) semaphore(%arg30 : memref<!tpu.dma_semaphore, #tpu.memory_space<semaphore_mem>>) {add = true}
    %dma_wait3A_222 = arith.constant 242 : i32
    %dma_wait3A_223 = arith.constant 0 : i32
    %dma_wait3A_224 = tpu.memref_slice %arg7[%dma_wait3A_222, %dma_wait3A_223] : memref<250x80xi32, #tpu.memory_space<vmem>> -> memref<1x80xi32, #tpu.memory_space<vmem>>
    %dma_wait3A_225 = tpu.memref_squeeze %dma_wait3A_224 : memref<1x80xi32, #tpu.memory_space<vmem>> -> memref<80xi32, #tpu.memory_space<vmem>>
    %dma_wait3A_226 = arith.constant 0 : i32
    %dma_wait3A_227 = arith.constant 0 : i32
    %dma_wait3A_228 = tpu.memref_slice %arg16[%dma_wait3A_226, %dma_wait3A_227] : memref<10240x64xf32, #tpu.memory_space<vmem_shared>> -> memref<10240x64xf32, #tpu.memory_space<vmem_shared>>
    tpu.wait_indirect_dma semaphore(%arg27 : memref<!tpu.dma_semaphore, #tpu.memory_space<semaphore_mem>>) src(%arg10 : memref<80x64xf32, #tpu.memory_space<vmem>>) dst(%dma_wait3A_228 : memref<10240x64xf32, #tpu.memory_space<vmem_shared>>)
    %dma_wait3A_229 = arith.constant 246 : i32
    %dma_wait3A_230 = arith.constant 0 : i32
    %dma_wait3A_231 = tpu.memref_slice %arg6[%dma_wait3A_229, %dma_wait3A_230] : memref<250x80xi32, #tpu.memory_space<vmem>> -> memref<1x80xi32, #tpu.memory_space<vmem>>
    %dma_wait3A_232 = tpu.memref_squeeze %dma_wait3A_231 : memref<1x80xi32, #tpu.memory_space<vmem>> -> memref<80xi32, #tpu.memory_space<vmem>>
    %dma_wait3A_233 = arith.constant 0 : i32
    %dma_wait3A_234 = arith.constant 0 : i32
    %dma_wait3A_235 = tpu.memref_slice %arg4[%dma_wait3A_233, %dma_wait3A_234] : memref<20480x64xf32, #tpu.memory_space<hbm>> -> memref<20480x64xf32, #tpu.memory_space<hbm>>
    tpu.wait_indirect_dma semaphore(%arg23 : memref<!tpu.dma_semaphore, #tpu.memory_space<semaphore_mem>>) src(%dma_wait3A_235 : memref<20480x64xf32, #tpu.memory_space<hbm>>) dst(%arg14 : memref<80x64xf32, #tpu.memory_space<vmem>>)
    %dma_start3A_236 = arith.constant 246 : i32
    %dma_start3A_237 = arith.constant 0 : i32
    %dma_start3A_238 = tpu.memref_slice %arg7[%dma_start3A_236, %dma_start3A_237] : memref<250x80xi32, #tpu.memory_space<vmem>> -> memref<1x80xi32, #tpu.memory_space<vmem>>
    %dma_start3A_239 = tpu.memref_squeeze %dma_start3A_238 : memref<1x80xi32, #tpu.memory_space<vmem>> -> memref<80xi32, #tpu.memory_space<vmem>>
    %dma_start3A_240 = arith.constant 0 : i32
    %dma_start3A_241 = arith.constant 0 : i32
    %dma_start3A_242 = tpu.memref_slice %arg16[%dma_start3A_240, %dma_start3A_241] : memref<10240x64xf32, #tpu.memory_space<vmem_shared>> -> memref<10240x64xf32, #tpu.memory_space<vmem_shared>>
    tpu.enqueue_indirect_dma source(%arg14 : memref<80x64xf32, #tpu.memory_space<vmem>>) target(%dma_start3A_242 : memref<10240x64xf32, #tpu.memory_space<vmem_shared>>) offsets(%dma_start3A_239 : memref<80xi32, #tpu.memory_space<vmem>>) semaphore(%arg31 : memref<!tpu.dma_semaphore, #tpu.memory_space<semaphore_mem>>) {add = true}
    %dma_wait3A_243 = arith.constant 243 : i32
    %dma_wait3A_244 = arith.constant 0 : i32
    %dma_wait3A_245 = tpu.memref_slice %arg7[%dma_wait3A_243, %dma_wait3A_244] : memref<250x80xi32, #tpu.memory_space<vmem>> -> memref<1x80xi32, #tpu.memory_space<vmem>>
    %dma_wait3A_246 = tpu.memref_squeeze %dma_wait3A_245 : memref<1x80xi32, #tpu.memory_space<vmem>> -> memref<80xi32, #tpu.memory_space<vmem>>
    %dma_wait3A_247 = arith.constant 0 : i32
    %dma_wait3A_248 = arith.constant 0 : i32
    %dma_wait3A_249 = tpu.memref_slice %arg16[%dma_wait3A_247, %dma_wait3A_248] : memref<10240x64xf32, #tpu.memory_space<vmem_shared>> -> memref<10240x64xf32, #tpu.memory_space<vmem_shared>>
    tpu.wait_indirect_dma semaphore(%arg28 : memref<!tpu.dma_semaphore, #tpu.memory_space<semaphore_mem>>) src(%arg11 : memref<80x64xf32, #tpu.memory_space<vmem>>) dst(%dma_wait3A_249 : memref<10240x64xf32, #tpu.memory_space<vmem_shared>>)
    %dma_wait3A_250 = arith.constant 247 : i32
    %dma_wait3A_251 = arith.constant 0 : i32
    %dma_wait3A_252 = tpu.memref_slice %arg6[%dma_wait3A_250, %dma_wait3A_251] : memref<250x80xi32, #tpu.memory_space<vmem>> -> memref<1x80xi32, #tpu.memory_space<vmem>>
    %dma_wait3A_253 = tpu.memref_squeeze %dma_wait3A_252 : memref<1x80xi32, #tpu.memory_space<vmem>> -> memref<80xi32, #tpu.memory_space<vmem>>
    %dma_wait3A_254 = arith.constant 0 : i32
    %dma_wait3A_255 = arith.constant 0 : i32
    %dma_wait3A_256 = tpu.memref_slice %arg4[%dma_wait3A_254, %dma_wait3A_255] : memref<20480x64xf32, #tpu.memory_space<hbm>> -> memref<20480x64xf32, #tpu.memory_space<hbm>>
    tpu.wait_indirect_dma semaphore(%arg24 : memref<!tpu.dma_semaphore, #tpu.memory_space<semaphore_mem>>) src(%dma_wait3A_256 : memref<20480x64xf32, #tpu.memory_space<hbm>>) dst(%arg15 : memref<80x64xf32, #tpu.memory_space<vmem>>)
    %dma_start3A_257 = arith.constant 247 : i32
    %dma_start3A_258 = arith.constant 0 : i32
    %dma_start3A_259 = tpu.memref_slice %arg7[%dma_start3A_257, %dma_start3A_258] : memref<250x80xi32, #tpu.memory_space<vmem>> -> memref<1x80xi32, #tpu.memory_space<vmem>>
    %dma_start3A_260 = tpu.memref_squeeze %dma_start3A_259 : memref<1x80xi32, #tpu.memory_space<vmem>> -> memref<80xi32, #tpu.memory_space<vmem>>
    %dma_start3A_261 = arith.constant 0 : i32
    %dma_start3A_262 = arith.constant 0 : i32
    %dma_start3A_263 = tpu.memref_slice %arg16[%dma_start3A_261, %dma_start3A_262] : memref<10240x64xf32, #tpu.memory_space<vmem_shared>> -> memref<10240x64xf32, #tpu.memory_space<vmem_shared>>
    tpu.enqueue_indirect_dma source(%arg15 : memref<80x64xf32, #tpu.memory_space<vmem>>) target(%dma_start3A_263 : memref<10240x64xf32, #tpu.memory_space<vmem_shared>>) offsets(%dma_start3A_260 : memref<80xi32, #tpu.memory_space<vmem>>) semaphore(%arg32 : memref<!tpu.dma_semaphore, #tpu.memory_space<semaphore_mem>>) {add = true}
    %dma_wait3A_264 = arith.constant 244 : i32
    %dma_wait3A_265 = arith.constant 0 : i32
    %dma_wait3A_266 = tpu.memref_slice %arg7[%dma_wait3A_264, %dma_wait3A_265] : memref<250x80xi32, #tpu.memory_space<vmem>> -> memref<1x80xi32, #tpu.memory_space<vmem>>
    %dma_wait3A_267 = tpu.memref_squeeze %dma_wait3A_266 : memref<1x80xi32, #tpu.memory_space<vmem>> -> memref<80xi32, #tpu.memory_space<vmem>>
    %dma_wait3A_268 = arith.constant 0 : i32
    %dma_wait3A_269 = arith.constant 0 : i32
    %dma_wait3A_270 = tpu.memref_slice %arg16[%dma_wait3A_268, %dma_wait3A_269] : memref<10240x64xf32, #tpu.memory_space<vmem_shared>> -> memref<10240x64xf32, #tpu.memory_space<vmem_shared>>
    tpu.wait_indirect_dma semaphore(%arg29 : memref<!tpu.dma_semaphore, #tpu.memory_space<semaphore_mem>>) src(%arg12 : memref<80x64xf32, #tpu.memory_space<vmem>>) dst(%dma_wait3A_270 : memref<10240x64xf32, #tpu.memory_space<vmem_shared>>)
    %dma_wait3A_271 = arith.constant 248 : i32
    %dma_wait3A_272 = arith.constant 0 : i32
    %dma_wait3A_273 = tpu.memref_slice %arg6[%dma_wait3A_271, %dma_wait3A_272] : memref<250x80xi32, #tpu.memory_space<vmem>> -> memref<1x80xi32, #tpu.memory_space<vmem>>
    %dma_wait3A_274 = tpu.memref_squeeze %dma_wait3A_273 : memref<1x80xi32, #tpu.memory_space<vmem>> -> memref<80xi32, #tpu.memory_space<vmem>>
    %dma_wait3A_275 = arith.constant 0 : i32
    %dma_wait3A_276 = arith.constant 0 : i32
    %dma_wait3A_277 = tpu.memref_slice %arg4[%dma_wait3A_275, %dma_wait3A_276] : memref<20480x64xf32, #tpu.memory_space<hbm>> -> memref<20480x64xf32, #tpu.memory_space<hbm>>
    tpu.wait_indirect_dma semaphore(%arg17 : memref<!tpu.dma_semaphore, #tpu.memory_space<semaphore_mem>>) src(%dma_wait3A_277 : memref<20480x64xf32, #tpu.memory_space<hbm>>) dst(%arg8 : memref<80x64xf32, #tpu.memory_space<vmem>>)
    %dma_start3A_278 = arith.constant 248 : i32
    %dma_start3A_279 = arith.constant 0 : i32
    %dma_start3A_280 = tpu.memref_slice %arg7[%dma_start3A_278, %dma_start3A_279] : memref<250x80xi32, #tpu.memory_space<vmem>> -> memref<1x80xi32, #tpu.memory_space<vmem>>
    %dma_start3A_281 = tpu.memref_squeeze %dma_start3A_280 : memref<1x80xi32, #tpu.memory_space<vmem>> -> memref<80xi32, #tpu.memory_space<vmem>>
    %dma_start3A_282 = arith.constant 0 : i32
    %dma_start3A_283 = arith.constant 0 : i32
    %dma_start3A_284 = tpu.memref_slice %arg16[%dma_start3A_282, %dma_start3A_283] : memref<10240x64xf32, #tpu.memory_space<vmem_shared>> -> memref<10240x64xf32, #tpu.memory_space<vmem_shared>>
    tpu.enqueue_indirect_dma source(%arg8 : memref<80x64xf32, #tpu.memory_space<vmem>>) target(%dma_start3A_284 : memref<10240x64xf32, #tpu.memory_space<vmem_shared>>) offsets(%dma_start3A_281 : memref<80xi32, #tpu.memory_space<vmem>>) semaphore(%arg25 : memref<!tpu.dma_semaphore, #tpu.memory_space<semaphore_mem>>) {add = true}
    %dma_wait3A_285 = arith.constant 245 : i32
    %dma_wait3A_286 = arith.constant 0 : i32
    %dma_wait3A_287 = tpu.memref_slice %arg7[%dma_wait3A_285, %dma_wait3A_286] : memref<250x80xi32, #tpu.memory_space<vmem>> -> memref<1x80xi32, #tpu.memory_space<vmem>>
    %dma_wait3A_288 = tpu.memref_squeeze %dma_wait3A_287 : memref<1x80xi32, #tpu.memory_space<vmem>> -> memref<80xi32, #tpu.memory_space<vmem>>
    %dma_wait3A_289 = arith.constant 0 : i32
    %dma_wait3A_290 = arith.constant 0 : i32
    %dma_wait3A_291 = tpu.memref_slice %arg16[%dma_wait3A_289, %dma_wait3A_290] : memref<10240x64xf32, #tpu.memory_space<vmem_shared>> -> memref<10240x64xf32, #tpu.memory_space<vmem_shared>>
    tpu.wait_indirect_dma semaphore(%arg30 : memref<!tpu.dma_semaphore, #tpu.memory_space<semaphore_mem>>) src(%arg13 : memref<80x64xf32, #tpu.memory_space<vmem>>) dst(%dma_wait3A_291 : memref<10240x64xf32, #tpu.memory_space<vmem_shared>>)
    %dma_wait3A_292 = arith.constant 249 : i32
    %dma_wait3A_293 = arith.constant 0 : i32
    %dma_wait3A_294 = tpu.memref_slice %arg6[%dma_wait3A_292, %dma_wait3A_293] : memref<250x80xi32, #tpu.memory_space<vmem>> -> memref<1x80xi32, #tpu.memory_space<vmem>>
    %dma_wait3A_295 = tpu.memref_squeeze %dma_wait3A_294 : memref<1x80xi32, #tpu.memory_space<vmem>> -> memref<80xi32, #tpu.memory_space<vmem>>
    %dma_wait3A_296 = arith.constant 0 : i32
    %dma_wait3A_297 = arith.constant 0 : i32
    %dma_wait3A_298 = tpu.memref_slice %arg4[%dma_wait3A_296, %dma_wait3A_297] : memref<20480x64xf32, #tpu.memory_space<hbm>> -> memref<20480x64xf32, #tpu.memory_space<hbm>>
    tpu.wait_indirect_dma semaphore(%arg18 : memref<!tpu.dma_semaphore, #tpu.memory_space<semaphore_mem>>) src(%dma_wait3A_298 : memref<20480x64xf32, #tpu.memory_space<hbm>>) dst(%arg9 : memref<80x64xf32, #tpu.memory_space<vmem>>)
    %dma_start3A_299 = arith.constant 249 : i32
    %dma_start3A_300 = arith.constant 0 : i32
    %dma_start3A_301 = tpu.memref_slice %arg7[%dma_start3A_299, %dma_start3A_300] : memref<250x80xi32, #tpu.memory_space<vmem>> -> memref<1x80xi32, #tpu.memory_space<vmem>>
    %dma_start3A_302 = tpu.memref_squeeze %dma_start3A_301 : memref<1x80xi32, #tpu.memory_space<vmem>> -> memref<80xi32, #tpu.memory_space<vmem>>
    %dma_start3A_303 = arith.constant 0 : i32
    %dma_start3A_304 = arith.constant 0 : i32
    %dma_start3A_305 = tpu.memref_slice %arg16[%dma_start3A_303, %dma_start3A_304] : memref<10240x64xf32, #tpu.memory_space<vmem_shared>> -> memref<10240x64xf32, #tpu.memory_space<vmem_shared>>
    tpu.enqueue_indirect_dma source(%arg9 : memref<80x64xf32, #tpu.memory_space<vmem>>) target(%dma_start3A_305 : memref<10240x64xf32, #tpu.memory_space<vmem_shared>>) offsets(%dma_start3A_302 : memref<80xi32, #tpu.memory_space<vmem>>) semaphore(%arg26 : memref<!tpu.dma_semaphore, #tpu.memory_space<semaphore_mem>>) {add = true}
    %dma_wait3A_306 = arith.constant 246 : i32
    %dma_wait3A_307 = arith.constant 0 : i32
    %dma_wait3A_308 = tpu.memref_slice %arg7[%dma_wait3A_306, %dma_wait3A_307] : memref<250x80xi32, #tpu.memory_space<vmem>> -> memref<1x80xi32, #tpu.memory_space<vmem>>
    %dma_wait3A_309 = tpu.memref_squeeze %dma_wait3A_308 : memref<1x80xi32, #tpu.memory_space<vmem>> -> memref<80xi32, #tpu.memory_space<vmem>>
    %dma_wait3A_310 = arith.constant 0 : i32
    %dma_wait3A_311 = arith.constant 0 : i32
    %dma_wait3A_312 = tpu.memref_slice %arg16[%dma_wait3A_310, %dma_wait3A_311] : memref<10240x64xf32, #tpu.memory_space<vmem_shared>> -> memref<10240x64xf32, #tpu.memory_space<vmem_shared>>
    tpu.wait_indirect_dma semaphore(%arg31 : memref<!tpu.dma_semaphore, #tpu.memory_space<semaphore_mem>>) src(%arg14 : memref<80x64xf32, #tpu.memory_space<vmem>>) dst(%dma_wait3A_312 : memref<10240x64xf32, #tpu.memory_space<vmem_shared>>)
    %dma_wait3A_313 = arith.constant 247 : i32
    %dma_wait3A_314 = arith.constant 0 : i32
    %dma_wait3A_315 = tpu.memref_slice %arg7[%dma_wait3A_313, %dma_wait3A_314] : memref<250x80xi32, #tpu.memory_space<vmem>> -> memref<1x80xi32, #tpu.memory_space<vmem>>
    %dma_wait3A_316 = tpu.memref_squeeze %dma_wait3A_315 : memref<1x80xi32, #tpu.memory_space<vmem>> -> memref<80xi32, #tpu.memory_space<vmem>>
    %dma_wait3A_317 = arith.constant 0 : i32
    %dma_wait3A_318 = arith.constant 0 : i32
    %dma_wait3A_319 = tpu.memref_slice %arg16[%dma_wait3A_317, %dma_wait3A_318] : memref<10240x64xf32, #tpu.memory_space<vmem_shared>> -> memref<10240x64xf32, #tpu.memory_space<vmem_shared>>
    tpu.wait_indirect_dma semaphore(%arg32 : memref<!tpu.dma_semaphore, #tpu.memory_space<semaphore_mem>>) src(%arg15 : memref<80x64xf32, #tpu.memory_space<vmem>>) dst(%dma_wait3A_319 : memref<10240x64xf32, #tpu.memory_space<vmem_shared>>)
    %dma_wait3A_320 = arith.constant 248 : i32
    %dma_wait3A_321 = arith.constant 0 : i32
    %dma_wait3A_322 = tpu.memref_slice %arg7[%dma_wait3A_320, %dma_wait3A_321] : memref<250x80xi32, #tpu.memory_space<vmem>> -> memref<1x80xi32, #tpu.memory_space<vmem>>
    %dma_wait3A_323 = tpu.memref_squeeze %dma_wait3A_322 : memref<1x80xi32, #tpu.memory_space<vmem>> -> memref<80xi32, #tpu.memory_space<vmem>>
    %dma_wait3A_324 = arith.constant 0 : i32
    %dma_wait3A_325 = arith.constant 0 : i32
    %dma_wait3A_326 = tpu.memref_slice %arg16[%dma_wait3A_324, %dma_wait3A_325] : memref<10240x64xf32, #tpu.memory_space<vmem_shared>> -> memref<10240x64xf32, #tpu.memory_space<vmem_shared>>
    tpu.wait_indirect_dma semaphore(%arg25 : memref<!tpu.dma_semaphore, #tpu.memory_space<semaphore_mem>>) src(%arg8 : memref<80x64xf32, #tpu.memory_space<vmem>>) dst(%dma_wait3A_326 : memref<10240x64xf32, #tpu.memory_space<vmem_shared>>)
    %dma_wait3A_327 = arith.constant 249 : i32
    %dma_wait3A_328 = arith.constant 0 : i32
    %dma_wait3A_329 = tpu.memref_slice %arg7[%dma_wait3A_327, %dma_wait3A_328] : memref<250x80xi32, #tpu.memory_space<vmem>> -> memref<1x80xi32, #tpu.memory_space<vmem>>
    %dma_wait3A_330 = tpu.memref_squeeze %dma_wait3A_329 : memref<1x80xi32, #tpu.memory_space<vmem>> -> memref<80xi32, #tpu.memory_space<vmem>>
    %dma_wait3A_331 = arith.constant 0 : i32
    %dma_wait3A_332 = arith.constant 0 : i32
    %dma_wait3A_333 = tpu.memref_slice %arg16[%dma_wait3A_331, %dma_wait3A_332] : memref<10240x64xf32, #tpu.memory_space<vmem_shared>> -> memref<10240x64xf32, #tpu.memory_space<vmem_shared>>
    tpu.wait_indirect_dma semaphore(%arg26 : memref<!tpu.dma_semaphore, #tpu.memory_space<semaphore_mem>>) src(%arg9 : memref<80x64xf32, #tpu.memory_space<vmem>>) dst(%dma_wait3A_333 : memref<10240x64xf32, #tpu.memory_space<vmem_shared>>)
    %barrier3A_334 = arith.constant 0 : index
    tpu.barrier barrier_id(%barrier3A_334)
    "tpu.region"() ({
      %run_scoped3A = tpu.sem_alloc : memref<!tpu.dma_semaphore, #tpu.memory_space<semaphore_mem>>
      %dma_start3A_335 = arith.constant 0 : i32
      %dma_start3A_336 = tpu.memref_slice %arg5[%arg0, %mul3A_0, %dma_start3A_335] : memref<2x10240x64xf32, #tpu.memory_space<hbm>> -> memref<1x640x64xf32, #tpu.memory_space<hbm>>
      %dma_start3A_337 = tpu.memref_squeeze %dma_start3A_336 : memref<1x640x64xf32, #tpu.memory_space<hbm>> -> memref<640x64xf32, #tpu.memory_space<hbm>>
      %dma_start3A_338 = arith.constant 0 : i32
      %dma_start3A_339 = tpu.memref_slice %arg16[%mul3A_0, %dma_start3A_338] : memref<10240x64xf32, #tpu.memory_space<vmem_shared>> -> memref<640x64xf32, #tpu.memory_space<vmem_shared>>
      tpu.enqueue_dma source(%dma_start3A_339 : memref<640x64xf32, #tpu.memory_space<vmem_shared>>) target(%dma_start3A_337 : memref<640x64xf32, #tpu.memory_space<hbm>>) target_semaphore(%run_scoped3A : memref<!tpu.dma_semaphore, #tpu.memory_space<semaphore_mem>>)
      %dma_wait3A_340 = arith.constant 0 : i32
      %dma_wait3A_341 = tpu.memref_slice %arg5[%arg0, %mul3A_0, %dma_wait3A_340] : memref<2x10240x64xf32, #tpu.memory_space<hbm>> -> memref<1x640x64xf32, #tpu.memory_space<hbm>>
      %dma_wait3A_342 = tpu.memref_squeeze %dma_wait3A_341 : memref<1x640x64xf32, #tpu.memory_space<hbm>> -> memref<640x64xf32, #tpu.memory_space<hbm>>
      %dma_wait3A_343 = arith.constant 0 : i32
      %dma_wait3A_344 = tpu.memref_slice %arg16[%mul3A_0, %dma_wait3A_343] : memref<10240x64xf32, #tpu.memory_space<vmem_shared>> -> memref<640x64xf32, #tpu.memory_space<vmem_shared>>
      tpu.wait_dma2 semaphore(%run_scoped3A : memref<!tpu.dma_semaphore, #tpu.memory_space<semaphore_mem>>) src(%dma_wait3A_344 : memref<640x64xf32, #tpu.memory_space<vmem_shared>>) dst(%dma_wait3A_342 : memref<640x64xf32, #tpu.memory_space<hbm>>)
      tpu.yield
    }) : () -> ()
    return
  }
}

module attributes {stable_mosaic.version = 14 : i64} {
  func.func @_tc1_body(%arg0: i32, %arg1: i32, %arg2: memref<1280x128xf32, #tpu.memory_space<vmem>>, %arg3: memref<1x128x64xf32, #tpu.memory_space<vmem>>, %arg4: memref<1280x1xf32, #tpu.memory_space<vmem>>, %arg5: memref<1280x1xf32, #tpu.memory_space<vmem>>, %arg6: memref<1280x64xf32, #tpu.memory_space<vmem>>, %arg7: memref<1280x1xf32, #tpu.memory_space<vmem>>, %arg8: memref<1280x1xf32, #tpu.memory_space<vmem>>) attributes {dimension_semantics = [#tpu.dimension_semantics<arbitrary>, #tpu.dimension_semantics<arbitrary>], iteration_bounds = array<i64: 8, 2>, scalar_prefetch = 0 : i64, scratch_operands = 0 : i64, tpu.core_type = #tpu.core_type<tc>, window_params = [{transform_indices = @transform_0, window_bounds = array<i64: 1280, 128>}, {transform_indices = @transform_1, window_bounds = array<i64: 1, 128, 64>}, {transform_indices = @transform_2, window_bounds = array<i64: 1280, 1>}, {transform_indices = @transform_3, window_bounds = array<i64: 1280, 1>}, {transform_indices = @transform_4, window_bounds = array<i64: 1280, 64>}, {transform_indices = @transform_5, window_bounds = array<i64: 1280, 1>}, {transform_indices = @transform_6, window_bounds = array<i64: 1280, 1>}]} {
    %get3A = arith.constant 0 : index
    %get3A_0 = arith.constant 0 : index
    %get3A_1 = vector.load %arg4[%get3A, %get3A_0] : memref<1280x1xf32, #tpu.memory_space<vmem>>, vector<1280x1xf32>
    %get3A_2 = arith.constant 0 : index
    %get3A_3 = arith.constant 0 : index
    %get3A_4 = vector.load %arg5[%get3A_2, %get3A_3] : memref<1280x1xf32, #tpu.memory_space<vmem>>, vector<1280x1xf32>
    %gt3A = arith.constant 0.000000e+00 : f32
    %gt3A_5 = vector.broadcast %gt3A : f32 to vector<1280x1xf32>
    %gt3A_6 = arith.cmpf ogt, %get3A_1, %gt3A_5 : vector<1280x1xf32>
    %max3A = arith.constant 1.000000e+00 : f32
    %max3A_7 = vector.broadcast %max3A : f32 to vector<1280x1xf32>
    %max3A_8 = arith.maximumf %get3A_1, %max3A_7 : vector<1280x1xf32>
    %rsqrt3A = math.rsqrt %max3A_8 : vector<1280x1xf32>
    %jit3A = arith.constant 0.000000e+00 : f32
    %broadcast_in_dim3A = vector.broadcast %jit3A : f32 to vector<1280x1xf32>
    %select_n3A = arith.select %gt3A_6, %rsqrt3A, %broadcast_in_dim3A : vector<1280x1xi1>, vector<1280x1xf32>
    %gt3A_9 = arith.constant 0.000000e+00 : f32
    %gt3A_10 = vector.broadcast %gt3A_9 : f32 to vector<1280x1xf32>
    %gt3A_11 = arith.cmpf ogt, %get3A_4, %gt3A_10 : vector<1280x1xf32>
    %max3A_12 = arith.constant 1.000000e+00 : f32
    %max3A_13 = vector.broadcast %max3A_12 : f32 to vector<1280x1xf32>
    %max3A_14 = arith.maximumf %get3A_4, %max3A_13 : vector<1280x1xf32>
    %rsqrt3A_15 = math.rsqrt %max3A_14 : vector<1280x1xf32>
    %jit3A_16 = arith.constant 0.000000e+00 : f32
    %broadcast_in_dim3A_17 = vector.broadcast %jit3A_16 : f32 to vector<1280x1xf32>
    %select_n3A_18 = arith.select %gt3A_11, %rsqrt3A_15, %broadcast_in_dim3A_17 : vector<1280x1xi1>, vector<1280x1xf32>
    %get3A_19 = arith.constant 0 : index
    %get3A_20 = arith.constant 0 : index
    %get3A_21 = vector.load %arg2[%get3A_19, %get3A_20] : memref<1280x128xf32, #tpu.memory_space<vmem>>, vector<1280x128xf32>
    %get3A_22 = arith.constant 0 : index
    %get3A_23 = arith.constant 0 : index
    %get3A_24 = arith.constant 0 : index
    %get3A_25 = vector.load %arg3[%get3A_22, %get3A_23, %get3A_24] : memref<1x128x64xf32, #tpu.memory_space<vmem>>, vector<1x128x64xf32>
    %get3A_26 = vector.shape_cast %get3A_25 : vector<1x128x64xf32> to vector<128x64xf32>
    %dot_general3A = arith.constant dense<0.000000e+00> : vector<1280x64xf32>
    %dot_general3A_27 = tpu.matmul %get3A_21, %get3A_26, %dot_general3A {dimension_numbers = #tpu.dot_dimension_numbers<[1], [0], [0], [1], [0, 0, 1, 1], [], []>, transpose_lhs_hint = false} : vector<1280x128xf32>, vector<128x64xf32>, vector<1280x64xf32> -> vector<1280x64xf32>
    %mul3A = vector.broadcast %select_n3A : vector<1280x1xf32> to vector<1280x64xf32>
    %mul3A_28 = arith.mulf %dot_general3A_27, %mul3A : vector<1280x64xf32>
    %swap3A = arith.constant 0 : index
    %swap3A_29 = arith.constant 0 : index
    %swap3A_30 = vector.load %arg6[%swap3A, %swap3A_29] : memref<1280x64xf32, #tpu.memory_space<vmem>>, vector<1280x64xf32>
    tpu.vector_store %arg6[%swap3A, %swap3A_29], %mul3A_28 {strides = array<i32>} : memref<1280x64xf32, #tpu.memory_space<vmem>>, vector<1280x64xf32>,
    %swap3A_31 = arith.constant 0 : index
    %swap3A_32 = arith.constant 0 : index
    %swap3A_33 = vector.load %arg7[%swap3A_31, %swap3A_32] : memref<1280x1xf32, #tpu.memory_space<vmem>>, vector<1280x1xf32>
    tpu.vector_store %arg7[%swap3A_31, %swap3A_32], %select_n3A {strides = array<i32>} : memref<1280x1xf32, #tpu.memory_space<vmem>>, vector<1280x1xf32>,
    %swap3A_34 = arith.constant 0 : index
    %swap3A_35 = arith.constant 0 : index
    %swap3A_36 = vector.load %arg8[%swap3A_34, %swap3A_35] : memref<1280x1xf32, #tpu.memory_space<vmem>>, vector<1280x1xf32>
    tpu.vector_store %arg8[%swap3A_34, %swap3A_35], %select_n3A_18 {strides = array<i32>} : memref<1280x1xf32, #tpu.memory_space<vmem>>, vector<1280x1xf32>,
    return
  }
  func.func @transform_0(%arg0: i32, %arg1: i32) -> (i32, i32) {
    %c0_i32 = arith.constant 0 : i32
    %c0_i32_0 = arith.constant 0 : i32
    return %arg0, %c0_i32 : i32, i32
  }
  func.func @transform_1(%arg0: i32, %arg1: i32) -> (i32, i32, i32) {
    %c0_i32 = arith.constant 0 : i32
    %c0_i32_0 = arith.constant 0 : i32
    %c0_i32_1 = arith.constant 0 : i32
    return %arg1, %c0_i32, %c0_i32_0 : i32, i32, i32
  }
  func.func @transform_2(%arg0: i32, %arg1: i32) -> (i32, i32) {
    %c0_i32 = arith.constant 0 : i32
    %c0_i32_0 = arith.constant 0 : i32
    return %arg0, %c0_i32 : i32, i32
  }
  func.func @transform_3(%arg0: i32, %arg1: i32) -> (i32, i32) {
    %c0_i32 = arith.constant 0 : i32
    %c0_i32_0 = arith.constant 0 : i32
    return %arg0, %c0_i32 : i32, i32
  }
  func.func @transform_4(%arg0: i32, %arg1: i32) -> (i32, i32) {
    %mul3A = arith.constant 8 : i32
    %mul3A_0 = arith.muli %arg1, %mul3A : i32
    %add3A = arith.addi %mul3A_0, %arg0 : i32
    %c0_i32 = arith.constant 0 : i32
    %c0_i32_1 = arith.constant 0 : i32
    return %add3A, %c0_i32 : i32, i32
  }
  func.func @transform_5(%arg0: i32, %arg1: i32) -> (i32, i32) {
    %c0_i32 = arith.constant 0 : i32
    %c0_i32_0 = arith.constant 0 : i32
    return %arg0, %c0_i32 : i32, i32
  }
  func.func @transform_6(%arg0: i32, %arg1: i32) -> (i32, i32) {
    %c0_i32 = arith.constant 0 : i32
    %c0_i32_0 = arith.constant 0 : i32
    return %arg0, %c0_i32 : i32, i32
  }
}

module attributes {stable_mosaic.version = 14 : i64} {
  func.func @_tc2_body(%arg0: i32, %arg1: memref<2x1280x64xf32, #tpu.memory_space<vmem>>, %arg2: memref<1280x1xf32, #tpu.memory_space<vmem>>, %arg3: memref<1280x1xf32, #tpu.memory_space<vmem>>, %arg4: memref<1x128xf32, #tpu.memory_space<vmem>>, %arg5: memref<128x128xf32, #tpu.memory_space<vmem>>, %arg6: memref<128x1xf32, #tpu.memory_space<vmem>>, %arg7: memref<1x128xf32, #tpu.memory_space<vmem>>, %arg8: memref<1x1xf32, #tpu.memory_space<vmem>>, %arg9: memref<1280x1xf32, #tpu.memory_space<vmem>>, %arg10: memref<1x128xf32, #tpu.memory_space<vmem>>) attributes {dimension_semantics = [#tpu.dimension_semantics<arbitrary>], iteration_bounds = array<i64: 8>, scalar_prefetch = 0 : i64, scratch_operands = 0 : i64, tpu.core_type = #tpu.core_type<tc>, window_params = [{transform_indices = @transform_0, window_bounds = array<i64: 2, 1280, 64>}, {transform_indices = @transform_1, window_bounds = array<i64: 1280, 1>}, {transform_indices = @transform_2, window_bounds = array<i64: 1280, 1>}, {pipeline_mode = #tpu.pipeline_mode<synchronous>, transform_indices = @transform_3, window_bounds = array<i64: 1, 128>}, {pipeline_mode = #tpu.pipeline_mode<synchronous>, transform_indices = @transform_4, window_bounds = array<i64: 128, 128>}, {pipeline_mode = #tpu.pipeline_mode<synchronous>, transform_indices = @transform_5, window_bounds = array<i64: 128, 1>}, {pipeline_mode = #tpu.pipeline_mode<synchronous>, transform_indices = @transform_6, window_bounds = array<i64: 1, 128>}, {pipeline_mode = #tpu.pipeline_mode<synchronous>, transform_indices = @transform_7, window_bounds = array<i64: 1, 1>}, {transform_indices = @transform_8, window_bounds = array<i64: 1280, 1>}, {pipeline_mode = #tpu.pipeline_mode<synchronous>, transform_indices = @transform_9, window_bounds = array<i64: 1, 128>}]} {
    %get3A = arith.constant 0 : index
    %get3A_0 = arith.constant 0 : index
    %get3A_1 = arith.constant 0 : index
    %get3A_2 = vector.load %arg1[%get3A, %get3A_0, %get3A_1] : memref<2x1280x64xf32, #tpu.memory_space<vmem>>, vector<1x1280x64xf32>
    %get3A_3 = vector.shape_cast %get3A_2 : vector<1x1280x64xf32> to vector<1280x64xf32>
    %get3A_4 = arith.constant 1 : index
    %get3A_5 = arith.constant 0 : index
    %get3A_6 = arith.constant 0 : index
    %get3A_7 = vector.load %arg1[%get3A_4, %get3A_5, %get3A_6] : memref<2x1280x64xf32, #tpu.memory_space<vmem>>, vector<1x1280x64xf32>
    %get3A_8 = vector.shape_cast %get3A_7 : vector<1x1280x64xf32> to vector<1280x64xf32>
    %concatenate3A = tpu.concatenate %get3A_3, %get3A_8 in 1 : vector<1280x64xf32>, vector<1280x64xf32> -> vector<1280x128xf32>
    %get3A_9 = arith.constant 0 : index
    %get3A_10 = arith.constant 0 : index
    %get3A_11 = vector.load %arg2[%get3A_9, %get3A_10] : memref<1280x1xf32, #tpu.memory_space<vmem>>, vector<1280x1xf32>
    %mul3A = vector.broadcast %get3A_11 : vector<1280x1xf32> to vector<1280x128xf32>
    %mul3A_12 = arith.mulf %concatenate3A, %mul3A : vector<1280x128xf32>
    %get3A_13 = arith.constant 0 : index
    %get3A_14 = arith.constant 0 : index
    %get3A_15 = vector.load %arg4[%get3A_13, %get3A_14] : memref<1x128xf32, #tpu.memory_space<vmem>>, vector<1x128xf32>
    %add3A = vector.broadcast %get3A_15 : vector<1x128xf32> to vector<1280x128xf32>
    %add3A_16 = arith.addf %mul3A_12, %add3A : vector<1280x128xf32>
    %max3A = arith.constant 0.000000e+00 : f32
    %max3A_17 = vector.broadcast %max3A : f32 to vector<1280x128xf32>
    %max3A_18 = arith.maximumf %add3A_16, %max3A_17 : vector<1280x128xf32>
    %get3A_19 = arith.constant 0 : index
    %get3A_20 = arith.constant 0 : index
    %get3A_21 = vector.load %arg5[%get3A_19, %get3A_20] : memref<128x128xf32, #tpu.memory_space<vmem>>, vector<128x128xf32>
    %get3A_22 = arith.constant 0 : index
    %get3A_23 = arith.constant 0 : index
    %get3A_24 = vector.load %arg6[%get3A_22, %get3A_23] : memref<128x1xf32, #tpu.memory_space<vmem>>, vector<128x1xf32>
    %dot_general3A = arith.constant dense<0.000000e+00> : vector<128x1xf32>
    %dot_general3A_25 = tpu.matmul %get3A_21, %get3A_24, %dot_general3A {dimension_numbers = #tpu.dot_dimension_numbers<[1], [0], [0], [1], [0, 0, 1, 1], [], []>, transpose_lhs_hint = false} : vector<128x128xf32>, vector<128x1xf32>, vector<128x1xf32> -> vector<128x1xf32>
    %dot_general3A_26 = arith.constant dense<0.000000e+00> : vector<1280x1xf32>
    %dot_general3A_27 = tpu.matmul %max3A_18, %dot_general3A_25, %dot_general3A_26 {dimension_numbers = #tpu.dot_dimension_numbers<[1], [0], [0], [1], [0, 0, 1, 1], [], []>, transpose_lhs_hint = false} : vector<1280x128xf32>, vector<128x1xf32>, vector<1280x1xf32> -> vector<1280x1xf32>
    %get3A_28 = arith.constant 0 : index
    %get3A_29 = arith.constant 0 : index
    %get3A_30 = vector.load %arg3[%get3A_28, %get3A_29] : memref<1280x1xf32, #tpu.memory_space<vmem>>, vector<1280x1xf32>
    %mul3A_31 = arith.mulf %dot_general3A_27, %get3A_30 : vector<1280x1xf32>
    %swap3A = arith.constant 0 : index
    %swap3A_32 = arith.constant 0 : index
    %swap3A_33 = vector.load %arg9[%swap3A, %swap3A_32] : memref<1280x1xf32, #tpu.memory_space<vmem>>, vector<1280x1xf32>
    tpu.vector_store %arg9[%swap3A, %swap3A_32], %mul3A_31 {strides = array<i32>} : memref<1280x1xf32, #tpu.memory_space<vmem>>, vector<1280x1xf32>,
    %get3A_34 = arith.constant 0 : index
    %get3A_35 = arith.constant 0 : index
    %get3A_36 = vector.load %arg7[%get3A_34, %get3A_35] : memref<1x128xf32, #tpu.memory_space<vmem>>, vector<1x128xf32>
    %get3A_37 = arith.constant 0 : index
    %get3A_38 = arith.constant 0 : index
    %get3A_39 = vector.load %arg6[%get3A_37, %get3A_38] : memref<128x1xf32, #tpu.memory_space<vmem>>, vector<128x1xf32>
    %dot_general3A_40 = arith.constant dense<0.000000e+00> : vector<1x1xf32>
    %dot_general3A_41 = tpu.matmul %get3A_36, %get3A_39, %dot_general3A_40 {dimension_numbers = #tpu.dot_dimension_numbers<[1], [0], [0], [1], [0, 0, 1, 1], [], []>, transpose_lhs_hint = false} : vector<1x128xf32>, vector<128x1xf32>, vector<1x1xf32> -> vector<1x1xf32>
    %get3A_42 = arith.constant 0 : index
    %get3A_43 = arith.constant 0 : index
    %get3A_44 = vector.load %arg8[%get3A_42, %get3A_43] : memref<1x1xf32, #tpu.memory_space<vmem>>, vector<1x1xf32>
    %add3A_45 = arith.addf %dot_general3A_41, %get3A_44 : vector<1x1xf32>
    %broadcast_in_dim3A = vector.shape_cast %add3A_45 : vector<1x1xf32> to vector<1x1xf32>
    %broadcast_in_dim3A_46 = vector.broadcast %broadcast_in_dim3A : vector<1x1xf32> to vector<1x128xf32>
    %swap3A_47 = arith.constant 0 : index
    %swap3A_48 = arith.constant 0 : index
    %swap3A_49 = vector.load %arg10[%swap3A_47, %swap3A_48] : memref<1x128xf32, #tpu.memory_space<vmem>>, vector<1x128xf32>
    tpu.vector_store %arg10[%swap3A_47, %swap3A_48], %broadcast_in_dim3A_46 {strides = array<i32>} : memref<1x128xf32, #tpu.memory_space<vmem>>, vector<1x128xf32>,
    return
  }
  func.func @transform_0(%arg0: i32) -> (i32, i32, i32) {
    %c0_i32 = arith.constant 0 : i32
    %c0_i32_0 = arith.constant 0 : i32
    %c0_i32_1 = arith.constant 0 : i32
    return %c0_i32, %arg0, %c0_i32_0 : i32, i32, i32
  }
  func.func @transform_1(%arg0: i32) -> (i32, i32) {
    %c0_i32 = arith.constant 0 : i32
    %c0_i32_0 = arith.constant 0 : i32
    return %arg0, %c0_i32 : i32, i32
  }
  func.func @transform_2(%arg0: i32) -> (i32, i32) {
    %c0_i32 = arith.constant 0 : i32
    %c0_i32_0 = arith.constant 0 : i32
    return %arg0, %c0_i32 : i32, i32
  }
  func.func @transform_3(%arg0: i32) -> (i32, i32) {
    %c0_i32 = arith.constant 0 : i32
    %c0_i32_0 = arith.constant 0 : i32
    %c0_i32_1 = arith.constant 0 : i32
    return %c0_i32, %c0_i32_0 : i32, i32
  }
  func.func @transform_4(%arg0: i32) -> (i32, i32) {
    %c0_i32 = arith.constant 0 : i32
    %c0_i32_0 = arith.constant 0 : i32
    %c0_i32_1 = arith.constant 0 : i32
    return %c0_i32, %c0_i32_0 : i32, i32
  }
  func.func @transform_5(%arg0: i32) -> (i32, i32) {
    %c0_i32 = arith.constant 0 : i32
    %c0_i32_0 = arith.constant 0 : i32
    %c0_i32_1 = arith.constant 0 : i32
    return %c0_i32, %c0_i32_0 : i32, i32
  }
  func.func @transform_6(%arg0: i32) -> (i32, i32) {
    %c0_i32 = arith.constant 0 : i32
    %c0_i32_0 = arith.constant 0 : i32
    %c0_i32_1 = arith.constant 0 : i32
    return %c0_i32, %c0_i32_0 : i32, i32
  }
  func.func @transform_7(%arg0: i32) -> (i32, i32) {
    %c0_i32 = arith.constant 0 : i32
    %c0_i32_0 = arith.constant 0 : i32
    %c0_i32_1 = arith.constant 0 : i32
    return %c0_i32, %c0_i32_0 : i32, i32
  }
  func.func @transform_8(%arg0: i32) -> (i32, i32) {
    %c0_i32 = arith.constant 0 : i32
    %c0_i32_0 = arith.constant 0 : i32
    return %arg0, %c0_i32 : i32, i32
  }
  func.func @transform_9(%arg0: i32) -> (i32, i32) {
    %c0_i32 = arith.constant 0 : i32
    %c0_i32_0 = arith.constant 0 : i32
    %c0_i32_1 = arith.constant 0 : i32
    return %c0_i32, %c0_i32_0 : i32, i32
  }
}

</mosaic_0001>

<sc_bundles>
// kernel: kernel.10.cloned.1.call-start
scs
__scs_entry_jumppad:
0x0: {  	(pc) =	sbr.rel $0x88, $3  }
0x1: {  	(tag) =	ssettag $0x0;
	lr =	simm.s32 $0x1  }
0x2: {  	[smem:$0x3F99] =	sst lr;
	_ =	strace $0xD0000000  }
0x3: {  	_ = 	snop  }
0x4: {  	_ = 	snop  }
0x5: {  	_ = 	snop  }
0x6: {  	_ = 	snop  }
0x7: {  	_ = 	snop  }
__scs_overlays_trampoline_lowered:
0x8: {  	[smem:$0x3FA8] =	sst s0  }
0x9: {  	[smem:$0x3FA9] =	sst s1  }
0xa: {  	[smem:$0x3FAA] =	sst s2  }
0xb: {  	[smem:$0x3FAB] =	sst s3  }
0xc: {  	[smem:$0x3FAC] =	sst s4  }
0xd: {  	[smem:$0x3FAD] =	sst s5  }
0xe: {  	[smem:$0x3FAE] =	sst s6  }
0xf: {  	[smem:$0x3FAF] =	sst s7  }
0x10: {  	[smem:$0x3FB0] =	sst s8  }
0x11: {  	[smem:$0x3FB1] =	sst s9;
	s0 =	simm.s32 @!p0 $0x0  }
0x12: {  	s1 =	sld [smem:$0x3F97];
	s0 =	simm.s32 @p0 $0x1  }
0x13: {  	[smem:$0x3FB2] =	sst s0;
	s0 =	simm.s32 @!p1 $0x0  }
0x14: {  	s2 =	sld [smem:$0x3F96];
	s0 =	simm.s32 @p1 $0x1  }
0x15: {  	[smem:$0x3FB3] =	sst s0;
	s0 =	simm.s32 @!p2 $0x0  }
0x16: {  	s3 =	sld [smem:$0x3FDB];
	s0 =	simm.s32 @p2 $0x1  }
0x17: {  	s4 =	simm.s32 $0x1BF5;
	[smem:$0x3FB5] =	sst s0  }
0x18: {  	s0 =	sld [smem:$0x3F98];
	_ =	swait.ge [sflag:s4], $0x0  }
0x19: {  	s7 =	sld [smem:$0x3F99]  }
0x1a: {  	s8 =	sadd.s32 $0xFFFFE003, lr  }
0x1b: {  	s9 =	sadd.s32 $0xFFFFFEF7, lr;
	s5 =	simm.s32 $0xFFFFFFFF;
	p2 =	slt.u32 s8, $0xFFFFF086  }
0x1c: {  	p1 =	slt.u32 s9, $0xF7A;
	s5 =	simm.s32 @!p2 $0x0  }
0x1d: {  	s5 =	simm.s32 @p1 $0x1;
	p0 =	seq.s32 s7, s2  }
0x1e: {  	s7 =	smul.u32 @!p0 $0xF7A, s2;
	p2 =	seq.s32 @!p0 s5, $0x0  }
0x1f: {  	s9 =	smul.u32 $0xF7A, s1;
	s8 =	simm.s32 @!p0 $0x1BF5;
	p2 =	por !p2, p0  }
0x20: {  	[sflag:s8] =	ssyncset.s32 @!p0 $0xFFFFF086;
	s6 =	sadd.s32 @!p0 s3, s7;
	s7 =	simm.s32 @!p0 $0x108  }
0x21: {  	s3 =	sadd.s32 s3, s9;
	s6 =	sadd.s32 @!p0 $0x88, s6;
	s7 =	simm.s32 @p2 $0x1082  }
0x22: {  	[simem:s7], [sflag:s8] =	dma.local @!p0 [hbm:s6], $0xF7A  }
0x23: {  	s9 =	sor.u32 $0xD0000000, s2;
	s6 =	simm.s32 $0x108;
	_ =	swait.ge @!p0 [sflag:s8], $0x0  }
0x24: {  	s3 =	sadd.s32 $0x88, s3;
	s6 =	simm.s32 @!p1 $0x1082;
	[sflag:s4] =	ssyncset.s32 $0xFFFFF086  }
0x25: {  	[simem:s6], [sflag:s4] =	dma.local [hbm:s3], $0xF7A  }
0x26: {  	[smem:$0x3F99] =	sst s1;
	(tag) =	ssettag s2;
	_ =	strace s9  }
0x27: {  	s1 =	sld [smem:$0x3FA9]  }
0x28: {  	s2 =	sld [smem:$0x3FAA]  }
0x29: {  	s4 =	sld [smem:$0x3FAC]  }
0x2a: {  	p0 =	seq.s32 s5, $0x0;
	s5 =	sld [smem:$0x3FAD]  }
0x2b: {  	s6 =	sld [smem:$0x3FAE]  }
0x2c: {  	s7 =	sld [smem:$0x3FAF]  }
0x2d: {  	s3 =	simm.s32 $0x108;
	s8 =	sld [smem:$0x3FB0]  }
0x2e: {  	s3 =	simm.s32 @!p0 $0x1082;
	s9 =	sld [smem:$0x3FB1]  }
0x2f: {  	lr =	sadd.s32 s0, s3;
	s0 =	sld [smem:$0x3FA8]  }
0x30: {  	s3 =	sld [smem:$0x3FAB]  }
0x31: {  	[smem:$0x3FB4] =	sst s10  }
0x32: {  	s10 =	sld [smem:$0x3FB2];
	_ =	sdelay $0x3  }
0x33: {  	p0 =	seq.s32 s10, $0x1;
	s10 =	sld [smem:$0x3FB4];
	_ =	sdelay $0x3  }
0x34: {  	[smem:$0x3FB4] =	sst s10  }
0x35: {  	s10 =	sld [smem:$0x3FB3];
	_ =	sdelay $0x3  }
0x36: {  	p1 =	seq.s32 s10, $0x1;
	s10 =	sld [smem:$0x3FB4];
	_ =	sdelay $0x3  }
0x37: {  	[smem:$0x3FB4] =	sst s10  }
0x38: {  	s10 =	sld [smem:$0x3FB5]  }
0x39: {  	_ = 	snop;
	(pc) =	sbr.ind lr, $3  }
0x3a: {  	_ = 	snop  }
0x3b: {  	_ = 	snop  }
0x3c: {  	p2 =	seq.s32 s10, $0x1;
	s10 =	sld [smem:$0x3FB4]  }
0x3d: {  	_ =	shalt  }
0x3e: {  	_ =	shalt  }
0x3f: {  	_ =	shalt  }
0x40: {  	_ =	shalt  }
0x41: {  	_ =	shalt  }
0x42: {  	_ =	shalt  }
0x43: {  	_ =	shalt  }
0x44: {  	_ =	shalt  }
0x45: {  	_ =	shalt  }
0x46: {  	_ =	shalt  }
0x47: {  	_ =	shalt  }
0x48: {  	_ =	shalt  }
0x49: {  	_ =	shalt  }
0x4a: {  	_ =	shalt  }
0x4b: {  	_ =	shalt  }
0x4c: {  	_ =	shalt  }
0x4d: {  	_ =	shalt  }
0x4e: {  	_ =	shalt  }
0x4f: {  	_ =	shalt  }
0x50: {  	_ =	shalt  }
0x51: {  	_ =	shalt  }
0x52: {  	_ =	shalt  }
0x53: {  	_ =	shalt  }
0x54: {  	_ =	shalt  }
0x55: {  	_ =	shalt  }
0x56: {  	_ =	shalt  }
0x57: {  	_ =	shalt  }
0x58: {  	_ =	shalt  }
0x59: {  	_ =	shalt  }
0x5a: {  	_ =	shalt  }
0x5b: {  	_ =	shalt  }
0x5c: {  	_ =	shalt  }
0x5d: {  	_ =	shalt  }
0x5e: {  	_ =	shalt  }
0x5f: {  	_ =	shalt  }
0x60: {  	_ =	shalt  }
0x61: {  	_ =	shalt  }
0x62: {  	_ =	shalt  }
0x63: {  	_ =	shalt  }
0x64: {  	_ =	shalt  }
0x65: {  	_ =	shalt  }
0x66: {  	_ =	shalt  }
0x67: {  	_ =	shalt  }
0x68: {  	_ =	shalt  }
0x69: {  	_ =	shalt  }
0x6a: {  	_ =	shalt  }
0x6b: {  	_ =	shalt  }
0x6c: {  	_ =	shalt  }
0x6d: {  	_ =	shalt  }
0x6e: {  	_ =	shalt  }
0x6f: {  	_ =	shalt  }
0x70: {  	_ =	shalt  }
0x71: {  	_ =	shalt  }
0x72: {  	_ =	shalt  }
0x73: {  	_ =	shalt  }
0x74: {  	_ =	shalt  }
0x75: {  	_ =	shalt  }
0x76: {  	_ =	shalt  }
0x77: {  	_ =	shalt  }
0x78: {  	_ =	shalt  }
0x79: {  	_ =	shalt  }
0x7a: {  	_ =	shalt  }
0x7b: {  	_ =	shalt  }
0x7c: {  	_ =	shalt  }
0x7d: {  	_ =	shalt  }
0x7e: {  	_ =	shalt  }
0x7f: {  	_ =	shalt  }
0x80: {  	_ =	shalt  }
0x81: {  	_ =	shalt  }
0x82: {  	_ =	shalt  }
0x83: {  	_ =	shalt  }
0x84: {  	_ =	shalt  }
0x85: {  	_ =	shalt  }
0x86: {  	_ =	shalt  }
0x87: {  	_ =	shalt  }
.Lfunc_end0:
.L_simem_size_0:
called_computation.1_lowered:
.L_overlay_start_0:
0x88: {  	s2 =	sld [smem:$0x3FD9]  }
0x89: {  	s3 =	sld [smem:$0x3FFE];
	_ =	sdelay $0x1  }
0x8a: {  	s1 =	srdreg.scid  }
0x8b: {  	s0 =	sand.u32 $0x1, s1  }
0x8c: {  	s16 =	sshll.u32 s0, $0xA;
	s2 =	sadd.s32 s3, s2  }
0x8d: {  	s2 =	sadd.s32 s2, s16  }
0x8e: {  	[smem:$0x3FC0] =	sst s2  }
0x8f: {  	_ = 	snop  }
0x90: {  	(tm) =	ssettm $0x1  }
0x91: {  	s17 =	sld [smem:$0x3FFB];
	_ =	sdelay $0x3  }
0x92: {  	_ =	strace s17  }
0x93: {  	s2 =	sld [smem:$0x3FFC];
	_ =	sdelay $0x3  }
0x94: {  	_ =	strace s2  }
0x95: {  	s2 =	sld [smem:$0x3FFD];
	_ =	sdelay $0x3  }
0x96: {  	_ =	strace s2  }
0x97: {  	_ =	strace $0x8FFFFFFF  }
0x98: {  	s18 =	sld [smem:$0x3FDB];
	_ =	sdelay $0x1  }
0x99: {  	s19 =	simm.s32 $_scs_section_size  }
0x9a: {  	s4 =	simm.s32 $_size__tile_overlayer_lowered;
	s5 =	simm.s32 $_tile_overlayer_lowered  }
0x9b: {  	s22 =	simm.s32 $0x1BFF;
	s21 =	sshll.u32 s5, $0x1;
	s2 =	sadd.s32 s19, s18  }
0x9c: {  	s6 =	simm.s32 $0x0;
	s20 =	sshll.u32 s4, $0x1;
	s4 =	sadd.s32 s21, s2  }
0x9d: {  	[timem:s6], [sflag:s22] =	dma.local [hbm:s4], s20  }
0x9e: {  	_ =	swait.ge [sflag:s22], s20  }
0x9f: {  	s3 =	ssub.s32 $0x0, s20;
	[sflag:s22] =	ssyncset.done $0x0  }
0xa0: {  	[sflag:s22] =	ssyncadd.s32 s3;
	_ =	sdelay $0x1  }
0xa1: {  	s23 =	simm.s32 $0x1B8B  }
0xa2: {  	_ =	swait.ge [sflag:s23], $0x1  }
0xa3: {  	[sflag:s23] =	ssyncset.done $0x0  }
0xa4: {  	s25 =	simm.s32 $0x1B8E;
	s24 =	sld [smem:$0x3FFE];
	[sflag:s23] =	ssyncadd.s32 $0xFFFFFFFF  }
0xa5: {  	s26 =	simm.s32 $execute0_lowered;
	[smem:$0x3FD2] =	sst s25  }
0xa6: {  	s4 =	sshll.u32 s26, $0x1;
	_ =	strace $0x80000049;
	[dreg:$0x1] =	wrdreg $0xFFFFFFFF  }
0xa7: {  	s28 =	simm.s32 $_size_execute0_lowered;
	s2 =	sadd.s32 s2, s4;
	[dreg:$0x0] =	wrdreg $0x0  }
0xa8: {  	s4 =	sshll.u32 s28, $0x1;
	[dreg:$0x2] =	wrdreg s2  }
0xa9: {  	[dreg:$0x3] =	wrdreg s4  }
0xaa: {  	[dreg:$0x4] =	wrdreg $0xC0  }
0xab: {  	_ =	task [dreg:s6], $0x5FFFF  }
0xac: {  	[dreg:$0x1] =	wrdreg $0xFFFFFFFF  }
0xad: {  	[dreg:$0x0] =	wrdreg $0x60  }
0xae: {  	[dreg:$0x2] =	wrdreg s24  }
0xaf: {  	[dreg:$0x3] =	wrdreg $0x13C400  }
0xb0: {  	[dreg:$0x4] =	wrdreg $0x9  }
0xb1: {  	_ =	task.clear_ibuf [dreg:s6], $0x5FFFF;
	_ =	strace $0x90000049  }
0xb2: {  	s29 =	simm.s32 $0x9;
	_ =	strace $0x8000004B  }
0xb3: {  	_ =	swait.ge [sflag:s29], $0x1  }
0xb4: {  	[sflag:s29] =	ssyncadd.s32 $0xFFFFFFFF  }
0xb5: {  	_ =	strace $0x9000004B  }
0xb6: {  	_ =	sfence  }
0xb7: {  	s30 =	sld [smem:$0x0];
	_ =	sdelay $0x2  }
0xb8: {  	s31 =	sshll.u32 s1, $0xD;
	s1 =	sshrl.u32 s1, $0x2  }
0xb9: {  	s3 =	sand.u32 $0x4000, s31;
	s1 =	sadd.s32 s1, s30  }
0xba: {  	s0 =	sor.u32 s3, s0;
	s1 =	sshll.u32 s1, $0x11  }
0xbb: {  	s0 =	sor.u32 s1, s0  }
0xbc: {  	s0 =	sadd.s32 $0x8F2B, s0  }
0xbd: {  	[sflag:s0] =	ssyncadd.remote.s32 $0x1  }
0xbe: {  	_ =	sfence.sel $0xFFFF  }
0xbf: {  	[dreg:$0x0] =	wrdreg $0xFFFFFFFF;
	(pc) =	sbr.abs _section_cstart, $3  }
0xc0: {  	[dreg:$0x1] =	wrdreg $0xFFFFFFFF  }
0xc1: {  	_ =	task.clear_ibuf [dreg:s6], $0x2FFFF;
	_ =	strace $0x9FFFFFFF  }
0xc2: {  	(tm) =	ssettm $0x7FFFFFFF  }
0xc3: {  	_ =	shalt  }
tec
execute0_lowered:
.L_overlay_start_1:
0x0: {  	(tag) =	ssettag $0x1  }
0x1: {  	s0 =	rddreg [dreg:$0x0]  }
0x2: {  	s10 =	stileid.u32;
	s1 =	srdreg.scid  }
0x3: {  	s2 =	rddreg [dreg:$0x1];
	s3 =	simm.s32 $0x0;
	s17 =	simm.s32 $0x9C40  }
0x4: {  	s20 =	simm.s32 $0x50;
	s28 =	simm.s32 $0xEC40;
	s29 =	simm.s32 $0x1  }
0x5: {  	s30 =	simm.s32 $0x10040;
	s31 =	simm.s32 $0x2;
	s4 =	smul.u32 $0x9C4, s10  }
0x6: {  	s11 =	simm.s32 $0xC;
	s12 =	simm.s32 $0x8;
	s6 =	smul.u32 $0xA000, s10  }
0x7: {  	s1 =	sand.u32 $0x1, s1;
	[smem:$0x7FF] =	sst s3;
	s10 =	smul.u32 $0x28000, s10  }
0x8: {  	s16 =	simm.s32 $0x10;
	s5 =	smul.u32 $0xA0000, s1;
	_ =	strace $0x8000004A  }
0x9: {  	s8 =	ssub.s32 $0x2, s1;
	s15 =	smul.u32 $0x2800, s1;
	s7 =	sadd.s32 s4, s0  }
0xa: {  	s4 =	sadd.s32 $0x36000, s0;
	s9 =	sshrl.u32 s8, $0x1;
	s18 =	sshrl.u32 s10, $0x2  }
0xb: {  	s19 =	sadd.s32 s6, s2;
	s10 =	simm.s32 $0x7;
	s14 =	sadd.s32 $0x2C200, s7  }
0xc: {  	s5 =	sadd.s32 s6, s5;
	s7 =	sadd.s32 $0x22400, s7;
	[dreg:$0x3] =	wrdreg s14  }
0xd: {  	s13 =	ssub.s32 s8, s9;
	s1 =	sadd.s32 s18, s2;
	[dreg:$0x4] =	wrdreg s7  }
0xe: {  	s18 =	simm.s32 $0x11;
	s21 =	sadd.s32 $0x1400, s1;
	[dreg:$0x6] =	wrdreg s1  }
0xf: {  	s6 =	simm.s32 $0xA;
	s22 =	sadd.s32 $0x2800, s1;
	[dreg:$0x8] =	wrdreg s21  }
0x10: {  	s9 =	simm.s32 $0xB;
	s23 =	sadd.s32 $0x3C00, s1;
	[dreg:$0x9] =	wrdreg s22  }
0x11: {  	s5 =	sshrl.u32 s5, $0x3;
	s24 =	sadd.s32 $0x5000, s1;
	[dreg:$0xa] =	wrdreg s23  }
0x12: {  	s25 =	sadd.s32 $0x6400, s1;
	s26 =	sadd.s32 $0x7800, s1;
	[dreg:$0xb] =	wrdreg s24  }
0x13: {  	s1 =	sadd.s32 $0x8C00, s1;
	s7 =	simm.s32 $0x6;
	[dreg:$0xc] =	wrdreg s25  }
0x14: {  	s0 =	sadd.s32 s5, s0;
	s5 =	smax.u32 s13, $0x1;
	[dreg:$0xd] =	wrdreg s26  }
0x15: {  	[dreg:$0xe] =	wrdreg s1;
	s21 =	simm.s32 $0xB040;
	s23 =	simm.s32 $0xC440  }
0x16: {  	s26 =	simm.s32 $0xD840;
	s1 =	simm.s32 $0x11440;
	s22 =	simm.s32 $0x12840  }
0x17: {  	s25 =	simm.s32 $0x4;
	s0 =	sadd.s32 $0x5E000, s0;
	[dreg:$0x7] =	wrdreg s5  }
0x18: {  	s5 =	simm.s32 $0x5;
	[dreg:$0x5] =	wrdreg s0;
	s0 =	sshrl.u32 s19, $0x3  }
0x19: {  	v1 =	vimm.f32 $0.0e+00;
	v0 =	vmov s15;
	s19 =	simm.s32 $0x3;
	[dreg:$0xf] =	wrdreg s0;
	s0 =	simm.s32 $0x9  }
.LBB2_1:
0x1a: {  	s13 =	simm.s32 $0x100;
	s8 =	simm.s32 $0x0  }
.LBB2_2:
0x1b: {  	p0 =	sne.s32 s13, $0x4F00;
	[tilespmem:s8+$0x9C70] =	vst v1;
	s24 =	smov.u32 s13;
	s13 =	sadd.s32 $0x100, s13  }
.Ltmp0:
0x1c: {  	[tilespmem:s8+$0x9C60] =	vst v1;
	(pc) =	sbr.rel @p0 .LBB2_2-.Ltmp0, $3  }
0x1d: {  	[tilespmem:s8+$0x9C40] =	vst v1  }
0x1e: {  	[tilespmem:s8+$0x9C50] =	vst v1;
	_ =	sdelay $0x1  }
0x1f: {  	s8 =	sshra.s32 s24, $0x2  }
0x20: {  	[tilespmem:s8+$0x9C70] =	vst v1  }
0x21: {  	[tilespmem:s8+$0x9C60] =	vst v1  }
0x22: {  	[tilespmem:s8+$0x9C40] =	vst v1  }
0x23: {  	[tilespmem:s8+$0x9C50] =	vst v1;
	s15 =	rddreg [dreg:$0x6]  }
0x24: {  	[spmem:s15] =	stream.linear.scatter [tilespmem:s17], [sflag:$0x11], $0x1400, $0x38;
	[tilespmem:$0x1DC40] =	vst v63  }
0x25: {  	_ =	swait.ge [sflag:s18], $0x1400  }
0x26: {  	[sflag:s18] =	ssyncset.done $0x0  }
0x27: {  	s24 =	rddreg [dreg:$0x8];
	[sflag:s18] =	ssyncadd.s32 $0xFFFFEC00  }
0x28: {  	[spmem:s24] =	stream.linear.scatter [tilespmem:s17], [sflag:$0x11], $0x1400, $0x38;
	[tilespmem:$0x1DC40] =	vst v63  }
0x29: {  	_ =	swait.ge [sflag:s18], $0x1400  }
0x2a: {  	[sflag:s18] =	ssyncset.done $0x0  }
0x2b: {  	s13 =	rddreg [dreg:$0x9];
	[sflag:s18] =	ssyncadd.s32 $0xFFFFEC00  }
0x2c: {  	[spmem:s13] =	stream.linear.scatter [tilespmem:s17], [sflag:$0x11], $0x1400, $0x38;
	[tilespmem:$0x1DC40] =	vst v63  }
0x2d: {  	_ =	swait.ge [sflag:s18], $0x1400  }
0x2e: {  	[sflag:s18] =	ssyncset.done $0x0  }
0x2f: {  	s14 =	rddreg [dreg:$0xa];
	[sflag:s18] =	ssyncadd.s32 $0xFFFFEC00  }
0x30: {  	[spmem:s14] =	stream.linear.scatter [tilespmem:s17], [sflag:$0x11], $0x1400, $0x38;
	[tilespmem:$0x1DC40] =	vst v63  }
0x31: {  	_ =	swait.ge [sflag:s18], $0x1400  }
0x32: {  	[sflag:s18] =	ssyncset.done $0x0  }
0x33: {  	s15 =	rddreg [dreg:$0xb];
	[sflag:s18] =	ssyncadd.s32 $0xFFFFEC00  }
0x34: {  	[spmem:s15] =	stream.linear.scatter [tilespmem:s17], [sflag:$0x11], $0x1400, $0x38;
	[tilespmem:$0x1DC40] =	vst v63  }
0x35: {  	_ =	swait.ge [sflag:s18], $0x1400  }
0x36: {  	[sflag:s18] =	ssyncset.done $0x0  }
0x37: {  	s24 =	rddreg [dreg:$0xc];
	[sflag:s18] =	ssyncadd.s32 $0xFFFFEC00  }
0x38: {  	[spmem:s24] =	stream.linear.scatter [tilespmem:s17], [sflag:$0x11], $0x1400, $0x38;
	[tilespmem:$0x1DC40] =	vst v63  }
0x39: {  	_ =	swait.ge [sflag:s18], $0x1400  }
0x3a: {  	[sflag:s18] =	ssyncset.done $0x0  }
0x3b: {  	s13 =	rddreg [dreg:$0xd];
	[sflag:s18] =	ssyncadd.s32 $0xFFFFEC00  }
0x3c: {  	[spmem:s13] =	stream.linear.scatter [tilespmem:s17], [sflag:$0x11], $0x1400, $0x38;
	[tilespmem:$0x1DC40] =	vst v63  }
0x3d: {  	_ =	swait.ge [sflag:s18], $0x1400  }
0x3e: {  	[sflag:s18] =	ssyncset.done $0x0  }
0x3f: {  	s14 =	rddreg [dreg:$0xe];
	[sflag:s18] =	ssyncadd.s32 $0xFFFFEC00  }
0x40: {  	[spmem:s14] =	stream.linear.scatter [tilespmem:s17], [sflag:$0x11], $0x1400, $0x38;
	[tilespmem:$0x1DC40] =	vst v63  }
0x41: {  	_ =	swait.ge [sflag:s18], $0x1400  }
0x42: {  	[sflag:s18] =	ssyncset.done $0x0  }
0x43: {  	s15 =	simm.s32 $0x0;
	s13 =	rddreg [dreg:$0x3];
	[sflag:s18] =	ssyncadd.s32 $0xFFFFEC00  }
0x44: {  	[tilespmem:s15], [sflag:$0x11] =	stream.linear.gather [hbm4b:s13+s15], $0x4E20, $0x38;
	[tilespmem:$0x1DC40] =	vst v63  }
0x45: {  	_ =	swait.ge [sflag:s18], $0x4E20  }
0x46: {  	[sflag:s18] =	ssyncset.done $0x0  }
0x47: {  	s14 =	simm.s32 $0x4E20;
	s24 =	rddreg [dreg:$0x4];
	[sflag:s18] =	ssyncadd.s32 $0xFFFFB1E0  }
0x48: {  	[tilespmem:s14], [sflag:$0x11] =	stream.linear.gather [hbm4b:s24+s15], $0x4E20, $0x38;
	[tilespmem:$0x1DC40] =	vst v63  }
0x49: {  	_ =	swait.ge [sflag:s18], $0x4E20  }
0x4a: {  	[sflag:s18] =	ssyncset.done $0x0  }
0x4b: {  	s8 =	simm.s32 $0x0;
	[sflag:s18] =	ssyncadd.s32 $0xFFFFB1E0  }
0x4c: {  	v5 =	vld [tilespmem:s8+$0x0]  }
0x4d: {  	v4 =	vld [tilespmem:s8+$0x10]  }
0x4e: {  	v3 =	vld [tilespmem:s8+$0x20]  }
0x4f: {  	s13 =	simm.s32 $0x140;
	v2 =	vld [tilespmem:s8+$0x30]  }
.LBB2_4:
0x50: {  	p0 =	sne.s32 s13, $0x13740;
	v6 =	vld [tilespmem:s8+$0x40]  }
0x51: {  	v5 =	vadd.s32 v0, v5  }
.Ltmp1:
0x52: {  	s24 =	sshra.s32 s13, $0x2;
	[tilespmem:s8+$0x0] =	vst v5;
	v4 =	vadd.s32 v0, v4;
	(pc) =	sbr.rel @p0 .LBB2_4-.Ltmp1, $4  }
0x53: {  	v5 =	vld [tilespmem:s24+$0x0];
	[tilespmem:s8+$0x10] =	vst v4;
	v3 =	vadd.s32 v0, v3  }
0x54: {  	v4 =	vld [tilespmem:s24+$0x10];
	[tilespmem:s8+$0x20] =	vst v3;
	v2 =	vadd.s32 v0, v2  }
0x55: {  	v3 =	vld [tilespmem:s24+$0x20];
	[tilespmem:s8+$0x30] =	vst v2;
	v6 =	vadd.s32 v0, v6  }
0x56: {  	s13 =	sadd.s32 $0x140, s13;
	v2 =	vld [tilespmem:s24+$0x30];
	[tilespmem:s8+$0x40] =	vst v6;
	s8 =	smov.u32 s24  }
0x57: {  	v6 =	vld [tilespmem:s8+$0x40]  }
0x58: {  	v5 =	vadd.s32 v0, v5  }
0x59: {  	[tilespmem:s8+$0x0] =	vst v5;
	v4 =	vadd.s32 v0, v4  }
0x5a: {  	[tilespmem:s8+$0x10] =	vst v4;
	v3 =	vadd.s32 v0, v3  }
0x5b: {  	[tilespmem:s8+$0x20] =	vst v3;
	v2 =	vadd.s32 v0, v2  }
0x5c: {  	[tilespmem:s8+$0x30] =	vst v2;
	v2 =	vadd.s32 v0, v6  }
0x5d: {  	[tilespmem:s8+$0x40] =	vst v2  }
0x5e: {  	s14 =	simm.s32 $0x0;
	[bflag:$0x0] =	sbarrier.arrive $0xFFFF  }
0x5f: {  	[tilespmem:s17], [sflag:$0x1] =	stream.indirect.gather [hbm4b:s4+s20], $0x40, s14, s20, $0xb8;
	[tilespmem:$0x1DC40] =	vst v63  }
0x60: {  	_ = 	snop  }
0x61: {  	[tilespmem:s21], [sflag:$0x2] =	stream.indirect.gather [hbm4b:s4+s20], $0x40, s20, s20, $0xb8;
	[tilespmem:$0x1DC40] =	vst v63  }
0x62: {  	s15 =	simm.s32 $0xA0;
	p0 =	por $0x1, $0x1  }
0x63: {  	[tilespmem:s23], [sflag:$0x3] =	stream.indirect.gather [hbm4b:s4+s20], $0x40, s15, s20, $0xb8;
	[tilespmem:$0x1DC40] =	vst v63  }
0x64: {  	s24 =	simm.s32 $0xF0;
	s8 =	simm.s32 @!p0 $0xD  }
0x65: {  	[tilespmem:s26], [sflag:$0x4] =	stream.indirect.gather [hbm4b:s4+s20], $0x40, s24, s20, $0xb8;
	[tilespmem:$0x1DC40] =	vst v63  }
0x66: {  	_ =	swait.ge @!p0 [sflag:s8], $0x1400  }
0x67: {  	[sflag:s8] =	ssyncset.done @!p0 $0x0  }
0x68: {  	s13 =	simm.s32 $0x140;
	[sflag:s8] =	ssyncadd.s32 @!p0 $0xFFFFEC00  }
0x69: {  	[tilespmem:s28], [sflag:$0x5] =	stream.indirect.gather [hbm4b:s4+s20], $0x40, s13, s20, $0xb8;
	[tilespmem:$0x1DC40] =	vst v63  }
0x6a: {  	_ =	swait.ge [sflag:s29], $0x1400  }
0x6b: {  	[sflag:s29] =	ssyncset.done $0x0  }
0x6c: {  	s14 =	simm.s32 $0x4E20;
	s13 =	simm.s32 @!p0 $0xE;
	[sflag:s29] =	ssyncadd.s32 $0xFFFFEC00  }
0x6d: {  	[spmem:s2] =	stream.indirect.scatter.add.f32 [tilespmem:s17], [sflag:$0x9], $0x40, s14, s20, $0xb8;
	[tilespmem:$0x1DC40] =	vst v63  }
0x6e: {  	_ =	swait.ge @!p0 [sflag:s13], $0x1400  }
0x6f: {  	[sflag:s13] =	ssyncset.done @!p0 $0x0  }
0x70: {  	s15 =	simm.s32 $0x190;
	[sflag:s13] =	ssyncadd.s32 @!p0 $0xFFFFEC00  }
0x71: {  	[tilespmem:s30], [sflag:$0x6] =	stream.indirect.gather [hbm4b:s4+s20], $0x40, s15, s20, $0xb8;
	[tilespmem:$0x1DC40] =	vst v63  }
0x72: {  	_ =	swait.ge [sflag:s31], $0x1400  }
0x73: {  	[sflag:s31] =	ssyncset.done $0x0  }
0x74: {  	s24 =	simm.s32 $0x4E70;
	s13 =	simm.s32 @!p0 $0xF;
	[sflag:s31] =	ssyncadd.s32 $0xFFFFEC00  }
0x75: {  	[spmem:s2] =	stream.indirect.scatter.add.f32 [tilespmem:s21], [sflag:$0xA], $0x40, s24, s20, $0xb8;
	[tilespmem:$0x1DC40] =	vst v63  }
0x76: {  	_ =	swait.ge @!p0 [sflag:s13], $0x1400  }
0x77: {  	[sflag:s13] =	ssyncset.done @!p0 $0x0  }
0x78: {  	s14 =	simm.s32 $0x1E0;
	[sflag:s13] =	ssyncadd.s32 @!p0 $0xFFFFEC00  }
0x79: {  	[tilespmem:s1], [sflag:$0x7] =	stream.indirect.gather [hbm4b:s4+s20], $0x40, s14, s20, $0xb8;
	[tilespmem:$0x1DC40] =	vst v63  }
0x7a: {  	_ =	swait.ge [sflag:s19], $0x1400  }
0x7b: {  	[sflag:s19] =	ssyncset.done $0x0  }
0x7c: {  	s15 =	simm.s32 $0x4EC0;
	s13 =	simm.s32 @!p0 $0x10;
	[sflag:s19] =	ssyncadd.s32 $0xFFFFEC00  }
0x7d: {  	[spmem:s2] =	stream.indirect.scatter.add.f32 [tilespmem:s23], [sflag:$0xB], $0x40, s15, s20, $0xb8;
	[tilespmem:$0x1DC40] =	vst v63  }
0x7e: {  	_ =	swait.ge @!p0 [sflag:s13], $0x1400  }
0x7f: {  	[sflag:s13] =	ssyncset.done @!p0 $0x0  }
0x80: {  	s24 =	simm.s32 $0x230;
	[sflag:s13] =	ssyncadd.s32 @!p0 $0xFFFFEC00  }
0x81: {  	[tilespmem:s22], [sflag:$0x8] =	stream.indirect.gather [hbm4b:s4+s20], $0x40, s24, s20, $0xb8;
	[tilespmem:$0x1DC40] =	vst v63  }
0x82: {  	_ =	swait.ge [sflag:s25], $0x1400  }
0x83: {  	[sflag:s25] =	ssyncset.done $0x0  }
0x84: {  	s13 =	simm.s32 $0x4F10;
	[sflag:s25] =	ssyncadd.s32 $0xFFFFEC00  }
0x85: {  	[spmem:s2] =	stream.indirect.scatter.add.f32 [tilespmem:s26], [sflag:$0xC], $0x40, s13, s20, $0xb8;
	[tilespmem:$0x1DC40] =	vst v63  }
0x86: {  	_ =	swait.ge [sflag:s0], $0x1400  }
0x87: {  	[sflag:s0] =	ssyncset.done $0x0  }
0x88: {  	s14 =	simm.s32 $0x280;
	[sflag:s0] =	ssyncadd.s32 $0xFFFFEC00  }
0x89: {  	[tilespmem:s17], [sflag:$0x1] =	stream.indirect.gather [hbm4b:s4+s20], $0x40, s14, s20, $0xb8;
	[tilespmem:$0x1DC40] =	vst v63  }
0x8a: {  	_ =	swait.ge [sflag:s5], $0x1400  }
0x8b: {  	[sflag:s5] =	ssyncset.done $0x0  }
0x8c: {  	s15 =	simm.s32 $0x4F60;
	[sflag:s5] =	ssyncadd.s32 $0xFFFFEC00  }
0x8d: {  	[spmem:s2] =	stream.indirect.scatter.add.f32 [tilespmem:s28], [sflag:$0xD], $0x40, s15, s20, $0xb8;
	[tilespmem:$0x1DC40] =	vst v63  }
0x8e: {  	_ =	swait.ge [sflag:s6], $0x1400  }
0x8f: {  	[sflag:s6] =	ssyncset.done $0x0  }
0x90: {  	s24 =	simm.s32 $0x2D0;
	[sflag:s6] =	ssyncadd.s32 $0xFFFFEC00  }
0x91: {  	[tilespmem:s21], [sflag:$0x2] =	stream.indirect.gather [hbm4b:s4+s20], $0x40, s24, s20, $0xb8;
	[tilespmem:$0x1DC40] =	vst v63  }
0x92: {  	_ =	swait.ge [sflag:s7], $0x1400  }
0x93: {  	[sflag:s7] =	ssyncset.done $0x0  }
0x94: {  	s13 =	simm.s32 $0x4FB0;
	[sflag:s7] =	ssyncadd.s32 $0xFFFFEC00  }
0x95: {  	[spmem:s2] =	stream.indirect.scatter.add.f32 [tilespmem:s30], [sflag:$0xE], $0x40, s13, s20, $0xb8;
	[tilespmem:$0x1DC40] =	vst v63  }
0x96: {  	_ =	swait.ge [sflag:s9], $0x1400  }
0x97: {  	[sflag:s9] =	ssyncset.done $0x0  }
0x98: {  	s14 =	simm.s32 $0x320;
	[sflag:s9] =	ssyncadd.s32 $0xFFFFEC00  }
0x99: {  	[tilespmem:s23], [sflag:$0x3] =	stream.indirect.gather [hbm4b:s4+s20], $0x40, s14, s20, $0xb8;
	[tilespmem:$0x1DC40] =	vst v63  }
0x9a: {  	_ =	swait.ge [sflag:s10], $0x1400  }
0x9b: {  	[sflag:s10] =	ssyncset.done $0x0  }
0x9c: {  	s15 =	simm.s32 $0x5000;
	[sflag:s10] =	ssyncadd.s32 $0xFFFFEC00  }
0x9d: {  	[spmem:s2] =	stream.indirect.scatter.add.f32 [tilespmem:s1], [sflag:$0xF], $0x40, s15, s20, $0xb8;
	[tilespmem:$0x1DC40] =	vst v63  }
0x9e: {  	_ =	swait.ge [sflag:s11], $0x1400  }
0x9f: {  	[sflag:s11] =	ssyncset.done $0x0  }
0xa0: {  	s24 =	simm.s32 $0x370;
	[sflag:s11] =	ssyncadd.s32 $0xFFFFEC00  }
0xa1: {  	[tilespmem:s26], [sflag:$0x4] =	stream.indirect.gather [hbm4b:s4+s20], $0x40, s24, s20, $0xb8;
	[tilespmem:$0x1DC40] =	vst v63  }
0xa2: {  	p1 =	por $0x0, $0x0;
	s8 =	simm.s32 $0x1400;
	_ =	swait.ge [sflag:s12], $0x1400  }
0xa3: {  	s13 =	simm.s32 $0x5050;
	s24 =	simm.s32 $0xA00;
	[sflag:s12] =	ssyncset.done $0x0  }
.LBB2_6:
0xa4: {  	s14 =	simm.s32 @!p1 $0xD  }
0xa5: {  	[sflag:s12] =	ssyncadd.s32 $0xFFFFEC00;
	s15 =	smov.u32 s8;
	s8 =	sadd.s32 $0xA00, s8  }
0xa6: {  	[spmem:s2] =	stream.indirect.scatter.add.f32 [tilespmem:s22], [sflag:$0x10], $0x40, s13, s20, $0xb8;
	[tilespmem:$0x1DC40] =	vst v63  }
0xa7: {  	p0 =	sne.s32 s8, $0x12C00;
	_ =	swait.ge @!p1 [sflag:s14], $0x1400  }
0xa8: {  	s13 =	sshra.s32 s24, $0x2;
	s24 =	smov.u32 s15;
	[sflag:s14] =	ssyncset.done @!p1 $0x0  }
0xa9: {  	[sflag:s14] =	ssyncadd.s32 @!p1 $0xFFFFEC00;
	s14 =	sadd.s32 $0x140, s13  }
0xaa: {  	[tilespmem:s28], [sflag:$0x5] =	stream.indirect.gather [hbm4b:s4+s20], $0x40, s14, s20, $0xb8;
	[tilespmem:$0x1DC40] =	vst v63  }
0xab: {  	_ =	swait.ge [sflag:s29], $0x1400  }
0xac: {  	[sflag:s29] =	ssyncset.done $0x0  }
0xad: {  	s15 =	simm.s32 @!p1 $0xE;
	s14 =	sadd.s32 $0x4E20, s13;
	[sflag:s29] =	ssyncadd.s32 $0xFFFFEC00  }
0xae: {  	[spmem:s2] =	stream.indirect.scatter.add.f32 [tilespmem:s17], [sflag:$0x9], $0x40, s14, s20, $0xb8;
	[tilespmem:$0x1DC40] =	vst v63  }
0xaf: {  	_ =	swait.ge @!p1 [sflag:s15], $0x1400  }
0xb0: {  	[sflag:s15] =	ssyncset.done @!p1 $0x0  }
0xb1: {  	s14 =	sadd.s32 $0x190, s13;
	[sflag:s15] =	ssyncadd.s32 @!p1 $0xFFFFEC00  }
0xb2: {  	[tilespmem:s30], [sflag:$0x6] =	stream.indirect.gather [hbm4b:s4+s20], $0x40, s14, s20, $0xb8;
	[tilespmem:$0x1DC40] =	vst v63  }
0xb3: {  	_ =	swait.ge [sflag:s31], $0x1400  }
0xb4: {  	[sflag:s31] =	ssyncset.done $0x0  }
0xb5: {  	s15 =	simm.s32 @!p1 $0xF;
	s14 =	sadd.s32 $0x4E70, s13;
	[sflag:s31] =	ssyncadd.s32 $0xFFFFEC00  }
0xb6: {  	[spmem:s2] =	stream.indirect.scatter.add.f32 [tilespmem:s21], [sflag:$0xA], $0x40, s14, s20, $0xb8;
	[tilespmem:$0x1DC40] =	vst v63  }
0xb7: {  	_ =	swait.ge @!p1 [sflag:s15], $0x1400  }
0xb8: {  	[sflag:s15] =	ssyncset.done @!p1 $0x0  }
0xb9: {  	s14 =	sadd.s32 $0x1E0, s13;
	[sflag:s15] =	ssyncadd.s32 @!p1 $0xFFFFEC00  }
0xba: {  	[tilespmem:s1], [sflag:$0x7] =	stream.indirect.gather [hbm4b:s4+s20], $0x40, s14, s20, $0xb8;
	[tilespmem:$0x1DC40] =	vst v63  }
0xbb: {  	_ =	swait.ge [sflag:s19], $0x1400  }
0xbc: {  	[sflag:s19] =	ssyncset.done $0x0  }
0xbd: {  	s15 =	simm.s32 @!p1 $0x10;
	s14 =	sadd.s32 $0x4EC0, s13;
	[sflag:s19] =	ssyncadd.s32 $0xFFFFEC00  }
0xbe: {  	[spmem:s2] =	stream.indirect.scatter.add.f32 [tilespmem:s23], [sflag:$0xB], $0x40, s14, s20, $0xb8;
	[tilespmem:$0x1DC40] =	vst v63  }
0xbf: {  	_ =	swait.ge @!p1 [sflag:s15], $0x1400  }
0xc0: {  	[sflag:s15] =	ssyncset.done @!p1 $0x0  }
0xc1: {  	s14 =	sadd.s32 $0x230, s13;
	[sflag:s15] =	ssyncadd.s32 @!p1 $0xFFFFEC00  }
0xc2: {  	[tilespmem:s22], [sflag:$0x8] =	stream.indirect.gather [hbm4b:s4+s20], $0x40, s14, s20, $0xb8;
	[tilespmem:$0x1DC40] =	vst v63  }
0xc3: {  	_ =	swait.ge [sflag:s25], $0x1400  }
0xc4: {  	[sflag:s25] =	ssyncset.done $0x0  }
0xc5: {  	s14 =	sadd.s32 $0x4F10, s13;
	[sflag:s25] =	ssyncadd.s32 $0xFFFFEC00  }
0xc6: {  	[spmem:s2] =	stream.indirect.scatter.add.f32 [tilespmem:s26], [sflag:$0xC], $0x40, s14, s20, $0xb8;
	[tilespmem:$0x1DC40] =	vst v63  }
0xc7: {  	_ =	swait.ge [sflag:s0], $0x1400  }
0xc8: {  	[sflag:s0] =	ssyncset.done $0x0  }
0xc9: {  	s14 =	sadd.s32 $0x280, s13;
	[sflag:s0] =	ssyncadd.s32 $0xFFFFEC00  }
0xca: {  	[tilespmem:s17], [sflag:$0x1] =	stream.indirect.gather [hbm4b:s4+s20], $0x40, s14, s20, $0xb8;
	[tilespmem:$0x1DC40] =	vst v63  }
0xcb: {  	_ =	swait.ge [sflag:s5], $0x1400  }
0xcc: {  	[sflag:s5] =	ssyncset.done $0x0  }
0xcd: {  	s14 =	sadd.s32 $0x4F60, s13;
	[sflag:s5] =	ssyncadd.s32 $0xFFFFEC00  }
0xce: {  	[spmem:s2] =	stream.indirect.scatter.add.f32 [tilespmem:s28], [sflag:$0xD], $0x40, s14, s20, $0xb8;
	[tilespmem:$0x1DC40] =	vst v63  }
0xcf: {  	_ =	swait.ge [sflag:s6], $0x1400  }
0xd0: {  	[sflag:s6] =	ssyncset.done $0x0  }
0xd1: {  	s14 =	sadd.s32 $0x2D0, s13;
	[sflag:s6] =	ssyncadd.s32 $0xFFFFEC00  }
0xd2: {  	[tilespmem:s21], [sflag:$0x2] =	stream.indirect.gather [hbm4b:s4+s20], $0x40, s14, s20, $0xb8;
	[tilespmem:$0x1DC40] =	vst v63  }
0xd3: {  	_ =	swait.ge [sflag:s7], $0x1400  }
0xd4: {  	[sflag:s7] =	ssyncset.done $0x0  }
0xd5: {  	s14 =	sadd.s32 $0x4FB0, s13;
	[sflag:s7] =	ssyncadd.s32 $0xFFFFEC00  }
0xd6: {  	[spmem:s2] =	stream.indirect.scatter.add.f32 [tilespmem:s30], [sflag:$0xE], $0x40, s14, s20, $0xb8;
	[tilespmem:$0x1DC40] =	vst v63  }
0xd7: {  	_ =	swait.ge [sflag:s9], $0x1400  }
0xd8: {  	[sflag:s9] =	ssyncset.done $0x0  }
0xd9: {  	s14 =	sadd.s32 $0x320, s13;
	[sflag:s9] =	ssyncadd.s32 $0xFFFFEC00  }
0xda: {  	[tilespmem:s23], [sflag:$0x3] =	stream.indirect.gather [hbm4b:s4+s20], $0x40, s14, s20, $0xb8;
	[tilespmem:$0x1DC40] =	vst v63  }
0xdb: {  	_ =	swait.ge [sflag:s10], $0x1400  }
0xdc: {  	[sflag:s10] =	ssyncset.done $0x0  }
0xdd: {  	s14 =	sadd.s32 $0x5000, s13;
	[sflag:s10] =	ssyncadd.s32 $0xFFFFEC00  }
0xde: {  	[spmem:s2] =	stream.indirect.scatter.add.f32 [tilespmem:s1], [sflag:$0xF], $0x40, s14, s20, $0xb8;
	[tilespmem:$0x1DC40] =	vst v63  }
0xdf: {  	_ =	swait.ge [sflag:s11], $0x1400  }
.Ltmp2:
0xe0: {  	[sflag:s11] =	ssyncset.done $0x0;
	(pc) =	sbr.rel @p0 .LBB2_6-.Ltmp2, $4  }
0xe1: {  	s14 =	sadd.s32 $0x370, s13;
	[sflag:s11] =	ssyncadd.s32 $0xFFFFEC00  }
0xe2: {  	[tilespmem:s26], [sflag:$0x4] =	stream.indirect.gather [hbm4b:s4+s20], $0x40, s14, s20, $0xb8;
	[tilespmem:$0x1DC40] =	vst v63  }
0xe3: {  	_ =	swait.ge [sflag:s12], $0x1400  }
0xe4: {  	p1 =	seq.s32 s24, $0x0;
	s13 =	sadd.s32 $0x5050, s13;
	[sflag:s12] =	ssyncset.done $0x0  }
0xe5: {  	[sflag:s12] =	ssyncadd.s32 $0xFFFFEC00  }
0xe6: {  	[spmem:s2] =	stream.indirect.scatter.add.f32 [tilespmem:s22], [sflag:$0x10], $0x40, s13, s20, $0xb8;
	[tilespmem:$0x1DC40] =	vst v63  }
0xe7: {  	s13 =	simm.s32 @!p1 $0xD  }
0xe8: {  	_ =	swait.ge @!p1 [sflag:s13], $0x1400  }
0xe9: {  	s8 =	sshra.s32 s24, $0x2;
	[sflag:s13] =	ssyncset.done @!p1 $0x0  }
0xea: {  	s24 =	sadd.s32 $0x140, s8;
	[sflag:s13] =	ssyncadd.s32 @!p1 $0xFFFFEC00  }
0xeb: {  	[tilespmem:s28], [sflag:$0x5] =	stream.indirect.gather [hbm4b:s4+s20], $0x40, s24, s20, $0xb8;
	[tilespmem:$0x1DC40] =	vst v63  }
0xec: {  	_ =	swait.ge [sflag:s29], $0x1400  }
0xed: {  	[sflag:s29] =	ssyncset.done $0x0  }
0xee: {  	s14 =	sadd.s32 $0x4E20, s8;
	s13 =	simm.s32 @!p1 $0xE;
	[sflag:s29] =	ssyncadd.s32 $0xFFFFEC00  }
0xef: {  	[spmem:s2] =	stream.indirect.scatter.add.f32 [tilespmem:s17], [sflag:$0x9], $0x40, s14, s20, $0xb8;
	[tilespmem:$0x1DC40] =	vst v63  }
0xf0: {  	_ =	swait.ge @!p1 [sflag:s13], $0x1400  }
0xf1: {  	[sflag:s13] =	ssyncset.done @!p1 $0x0  }
0xf2: {  	s15 =	sadd.s32 $0x190, s8;
	[sflag:s13] =	ssyncadd.s32 @!p1 $0xFFFFEC00  }
0xf3: {  	[tilespmem:s30], [sflag:$0x6] =	stream.indirect.gather [hbm4b:s4+s20], $0x40, s15, s20, $0xb8;
	[tilespmem:$0x1DC40] =	vst v63  }
0xf4: {  	_ =	swait.ge [sflag:s31], $0x1400  }
0xf5: {  	[sflag:s31] =	ssyncset.done $0x0  }
0xf6: {  	s24 =	sadd.s32 $0x4E70, s8;
	s13 =	simm.s32 @!p1 $0xF;
	[sflag:s31] =	ssyncadd.s32 $0xFFFFEC00  }
0xf7: {  	[spmem:s2] =	stream.indirect.scatter.add.f32 [tilespmem:s21], [sflag:$0xA], $0x40, s24, s20, $0xb8;
	[tilespmem:$0x1DC40] =	vst v63  }
0xf8: {  	_ =	swait.ge @!p1 [sflag:s13], $0x1400  }
0xf9: {  	[sflag:s13] =	ssyncset.done @!p1 $0x0  }
0xfa: {  	s14 =	sadd.s32 $0x1E0, s8;
	[sflag:s13] =	ssyncadd.s32 @!p1 $0xFFFFEC00  }
0xfb: {  	[tilespmem:s1], [sflag:$0x7] =	stream.indirect.gather [hbm4b:s4+s20], $0x40, s14, s20, $0xb8;
	[tilespmem:$0x1DC40] =	vst v63  }
0xfc: {  	_ =	swait.ge [sflag:s19], $0x1400  }
0xfd: {  	[sflag:s19] =	ssyncset.done $0x0  }
0xfe: {  	s15 =	sadd.s32 $0x4EC0, s8;
	s13 =	simm.s32 @!p1 $0x10;
	[sflag:s19] =	ssyncadd.s32 $0xFFFFEC00  }
0xff: {  	[spmem:s2] =	stream.indirect.scatter.add.f32 [tilespmem:s23], [sflag:$0xB], $0x40, s15, s20, $0xb8;
	[tilespmem:$0x1DC40] =	vst v63  }
0x100: {  	_ =	swait.ge @!p1 [sflag:s13], $0x1400  }
0x101: {  	[sflag:s13] =	ssyncset.done @!p1 $0x0  }
0x102: {  	s24 =	sadd.s32 $0x230, s8;
	[sflag:s13] =	ssyncadd.s32 @!p1 $0xFFFFEC00  }
0x103: {  	[tilespmem:s22], [sflag:$0x8] =	stream.indirect.gather [hbm4b:s4+s20], $0x40, s24, s20, $0xb8;
	[tilespmem:$0x1DC40] =	vst v63  }
0x104: {  	_ =	swait.ge [sflag:s25], $0x1400  }
0x105: {  	[sflag:s25] =	ssyncset.done $0x0  }
0x106: {  	s14 =	sadd.s32 $0x4F10, s8;
	[sflag:s25] =	ssyncadd.s32 $0xFFFFEC00  }
0x107: {  	[spmem:s2] =	stream.indirect.scatter.add.f32 [tilespmem:s26], [sflag:$0xC], $0x40, s14, s20, $0xb8;
	[tilespmem:$0x1DC40] =	vst v63  }
0x108: {  	_ =	swait.ge [sflag:s0], $0x1400  }
0x109: {  	[sflag:s0] =	ssyncset.done $0x0  }
0x10a: {  	s15 =	sadd.s32 $0x280, s8;
	[sflag:s0] =	ssyncadd.s32 $0xFFFFEC00  }
0x10b: {  	[tilespmem:s17], [sflag:$0x1] =	stream.indirect.gather [hbm4b:s4+s20], $0x40, s15, s20, $0xb8;
	[tilespmem:$0x1DC40] =	vst v63  }
0x10c: {  	_ =	swait.ge [sflag:s5], $0x1400  }
0x10d: {  	[sflag:s5] =	ssyncset.done $0x0  }
0x10e: {  	s24 =	sadd.s32 $0x4F60, s8;
	[sflag:s5] =	ssyncadd.s32 $0xFFFFEC00  }
0x10f: {  	[spmem:s2] =	stream.indirect.scatter.add.f32 [tilespmem:s28], [sflag:$0xD], $0x40, s24, s20, $0xb8;
	[tilespmem:$0x1DC40] =	vst v63  }
0x110: {  	_ =	swait.ge [sflag:s6], $0x1400  }
0x111: {  	[sflag:s6] =	ssyncset.done $0x0  }
0x112: {  	s14 =	sadd.s32 $0x2D0, s8;
	[sflag:s6] =	ssyncadd.s32 $0xFFFFEC00  }
0x113: {  	[tilespmem:s21], [sflag:$0x2] =	stream.indirect.gather [hbm4b:s4+s20], $0x40, s14, s20, $0xb8;
	[tilespmem:$0x1DC40] =	vst v63  }
0x114: {  	_ =	swait.ge [sflag:s7], $0x1400  }
0x115: {  	[sflag:s7] =	ssyncset.done $0x0  }
0x116: {  	s15 =	sadd.s32 $0x4FB0, s8;
	[sflag:s7] =	ssyncadd.s32 $0xFFFFEC00  }
0x117: {  	[spmem:s2] =	stream.indirect.scatter.add.f32 [tilespmem:s30], [sflag:$0xE], $0x40, s15, s20, $0xb8;
	[tilespmem:$0x1DC40] =	vst v63  }
0x118: {  	_ =	swait.ge [sflag:s9], $0x1400  }
0x119: {  	[sflag:s9] =	ssyncset.done $0x0  }
0x11a: {  	s24 =	sadd.s32 $0x320, s8;
	[sflag:s9] =	ssyncadd.s32 $0xFFFFEC00  }
0x11b: {  	[tilespmem:s23], [sflag:$0x3] =	stream.indirect.gather [hbm4b:s4+s20], $0x40, s24, s20, $0xb8;
	[tilespmem:$0x1DC40] =	vst v63  }
0x11c: {  	_ =	swait.ge [sflag:s10], $0x1400  }
0x11d: {  	[sflag:s10] =	ssyncset.done $0x0  }
0x11e: {  	s14 =	sadd.s32 $0x5000, s8;
	[sflag:s10] =	ssyncadd.s32 $0xFFFFEC00  }
0x11f: {  	[spmem:s2] =	stream.indirect.scatter.add.f32 [tilespmem:s1], [sflag:$0xF], $0x40, s14, s20, $0xb8;
	[tilespmem:$0x1DC40] =	vst v63  }
0x120: {  	_ =	swait.ge [sflag:s11], $0x1400  }
0x121: {  	[sflag:s11] =	ssyncset.done $0x0  }
0x122: {  	s15 =	sadd.s32 $0x370, s8;
	[sflag:s11] =	ssyncadd.s32 $0xFFFFEC00  }
0x123: {  	[tilespmem:s26], [sflag:$0x4] =	stream.indirect.gather [hbm4b:s4+s20], $0x40, s15, s20, $0xb8;
	[tilespmem:$0x1DC40] =	vst v63  }
0x124: {  	_ =	swait.ge [sflag:s12], $0x1400  }
0x125: {  	[sflag:s12] =	ssyncset.done $0x0  }
0x126: {  	s8 =	sadd.s32 $0x5050, s8;
	[sflag:s12] =	ssyncadd.s32 $0xFFFFEC00  }
0x127: {  	[spmem:s2] =	stream.indirect.scatter.add.f32 [tilespmem:s22], [sflag:$0x10], $0x40, s8, s20, $0xb8;
	[tilespmem:$0x1DC40] =	vst v63  }
0x128: {  	s8 =	simm.s32 $0xD  }
0x129: {  	_ =	swait.ge [sflag:s8], $0x1400  }
0x12a: {  	[sflag:s8] =	ssyncset.done $0x0  }
0x12b: {  	s24 =	simm.s32 $0x4C40;
	[sflag:s8] =	ssyncadd.s32 $0xFFFFEC00  }
0x12c: {  	[tilespmem:s28], [sflag:$0x5] =	stream.indirect.gather [hbm4b:s4+s20], $0x40, s24, s20, $0xb8;
	[tilespmem:$0x1DC40] =	vst v63  }
0x12d: {  	_ =	swait.ge [sflag:s29], $0x1400  }
0x12e: {  	[sflag:s29] =	ssyncset.done $0x0  }
0x12f: {  	s13 =	simm.s32 $0xE;
	s14 =	simm.s32 $0x9920;
	[sflag:s29] =	ssyncadd.s32 $0xFFFFEC00  }
0x130: {  	[spmem:s2] =	stream.indirect.scatter.add.f32 [tilespmem:s17], [sflag:$0x9], $0x40, s14, s20, $0xb8;
	[tilespmem:$0x1DC40] =	vst v63  }
0x131: {  	_ =	swait.ge [sflag:s13], $0x1400  }
0x132: {  	[sflag:s13] =	ssyncset.done $0x0  }
0x133: {  	s14 =	simm.s32 $0x4C90;
	[sflag:s13] =	ssyncadd.s32 $0xFFFFEC00  }
0x134: {  	[tilespmem:s30], [sflag:$0x6] =	stream.indirect.gather [hbm4b:s4+s20], $0x40, s14, s20, $0xb8;
	[tilespmem:$0x1DC40] =	vst v63  }
0x135: {  	_ =	swait.ge [sflag:s31], $0x1400  }
0x136: {  	[sflag:s31] =	ssyncset.done $0x0  }
0x137: {  	s15 =	simm.s32 $0x9970;
	s14 =	simm.s32 $0xF;
	[sflag:s31] =	ssyncadd.s32 $0xFFFFEC00  }
0x138: {  	[spmem:s2] =	stream.indirect.scatter.add.f32 [tilespmem:s21], [sflag:$0xA], $0x40, s15, s20, $0xb8;
	[tilespmem:$0x1DC40] =	vst v63  }
0x139: {  	_ =	swait.ge [sflag:s14], $0x1400  }
0x13a: {  	[sflag:s14] =	ssyncset.done $0x0  }
0x13b: {  	s15 =	simm.s32 $0x4CE0;
	[sflag:s14] =	ssyncadd.s32 $0xFFFFEC00  }
0x13c: {  	[tilespmem:s1], [sflag:$0x7] =	stream.indirect.gather [hbm4b:s4+s20], $0x40, s15, s20, $0xb8;
	[tilespmem:$0x1DC40] =	vst v63  }
0x13d: {  	_ =	swait.ge [sflag:s19], $0x1400  }
0x13e: {  	[sflag:s19] =	ssyncset.done $0x0  }
0x13f: {  	s24 =	simm.s32 $0x99C0;
	[sflag:s19] =	ssyncadd.s32 $0xFFFFEC00  }
0x140: {  	[spmem:s2] =	stream.indirect.scatter.add.f32 [tilespmem:s23], [sflag:$0xB], $0x40, s24, s20, $0xb8;
	[tilespmem:$0x1DC40] =	vst v63  }
0x141: {  	_ =	swait.ge [sflag:s16], $0x1400  }
0x142: {  	[sflag:s16] =	ssyncset.done $0x0  }
0x143: {  	s24 =	simm.s32 $0x4D30;
	[sflag:s16] =	ssyncadd.s32 $0xFFFFEC00  }
0x144: {  	[tilespmem:s22], [sflag:$0x8] =	stream.indirect.gather [hbm4b:s4+s20], $0x40, s24, s20, $0xb8;
	[tilespmem:$0x1DC40] =	vst v63  }
0x145: {  	_ =	swait.ge [sflag:s25], $0x1400  }
0x146: {  	[sflag:s25] =	ssyncset.done $0x0  }
0x147: {  	s24 =	simm.s32 $0x9A10;
	[sflag:s25] =	ssyncadd.s32 $0xFFFFEC00  }
0x148: {  	[spmem:s2] =	stream.indirect.scatter.add.f32 [tilespmem:s26], [sflag:$0xC], $0x40, s24, s20, $0xb8;
	[tilespmem:$0x1DC40] =	vst v63  }
0x149: {  	_ =	swait.ge [sflag:s0], $0x1400  }
0x14a: {  	[sflag:s0] =	ssyncset.done $0x0  }
0x14b: {  	s24 =	simm.s32 $0x4D80;
	[sflag:s0] =	ssyncadd.s32 $0xFFFFEC00  }
0x14c: {  	[tilespmem:s17], [sflag:$0x1] =	stream.indirect.gather [hbm4b:s4+s20], $0x40, s24, s20, $0xb8;
	[tilespmem:$0x1DC40] =	vst v63  }
0x14d: {  	_ =	swait.ge [sflag:s5], $0x1400  }
0x14e: {  	[sflag:s5] =	ssyncset.done $0x0  }
0x14f: {  	s24 =	simm.s32 $0x9A60;
	[sflag:s5] =	ssyncadd.s32 $0xFFFFEC00  }
0x150: {  	[spmem:s2] =	stream.indirect.scatter.add.f32 [tilespmem:s28], [sflag:$0xD], $0x40, s24, s20, $0xb8;
	[tilespmem:$0x1DC40] =	vst v63  }
0x151: {  	_ =	swait.ge [sflag:s6], $0x1400  }
0x152: {  	[sflag:s6] =	ssyncset.done $0x0  }
0x153: {  	s24 =	simm.s32 $0x4DD0;
	[sflag:s6] =	ssyncadd.s32 $0xFFFFEC00  }
0x154: {  	[tilespmem:s21], [sflag:$0x2] =	stream.indirect.gather [hbm4b:s4+s20], $0x40, s24, s20, $0xb8;
	[tilespmem:$0x1DC40] =	vst v63  }
0x155: {  	_ =	swait.ge [sflag:s7], $0x1400  }
0x156: {  	[sflag:s7] =	ssyncset.done $0x0  }
0x157: {  	s24 =	simm.s32 $0x9AB0;
	[sflag:s7] =	ssyncadd.s32 $0xFFFFEC00  }
0x158: {  	[spmem:s2] =	stream.indirect.scatter.add.f32 [tilespmem:s30], [sflag:$0xE], $0x40, s24, s20, $0xb8;
	[tilespmem:$0x1DC40] =	vst v63  }
0x159: {  	_ =	swait.ge [sflag:s9], $0x1400  }
0x15a: {  	[sflag:s9] =	ssyncset.done $0x0  }
0x15b: {  	[sflag:s9] =	ssyncadd.s32 $0xFFFFEC00  }
0x15c: {  	_ =	swait.ge [sflag:s10], $0x1400  }
0x15d: {  	[sflag:s10] =	ssyncset.done $0x0  }
0x15e: {  	s24 =	simm.s32 $0x9B00;
	[sflag:s10] =	ssyncadd.s32 $0xFFFFEC00  }
0x15f: {  	[spmem:s2] =	stream.indirect.scatter.add.f32 [tilespmem:s1], [sflag:$0xF], $0x40, s24, s20, $0xb8;
	[tilespmem:$0x1DC40] =	vst v63  }
0x160: {  	_ =	swait.ge [sflag:s11], $0x1400  }
0x161: {  	[sflag:s11] =	ssyncset.done $0x0  }
0x162: {  	[sflag:s11] =	ssyncadd.s32 $0xFFFFEC00  }
0x163: {  	_ =	swait.ge [sflag:s12], $0x1400  }
0x164: {  	[sflag:s12] =	ssyncset.done $0x0  }
0x165: {  	s24 =	simm.s32 $0x9B50;
	[sflag:s12] =	ssyncadd.s32 $0xFFFFEC00  }
0x166: {  	[spmem:s2] =	stream.indirect.scatter.add.f32 [tilespmem:s22], [sflag:$0x10], $0x40, s24, s20, $0xb8;
	[tilespmem:$0x1DC40] =	vst v63  }
0x167: {  	_ =	swait.ge [sflag:s8], $0x1400  }
0x168: {  	[sflag:s8] =	ssyncset.done $0x0  }
0x169: {  	[sflag:s8] =	ssyncadd.s32 $0xFFFFEC00  }
0x16a: {  	_ =	swait.ge [sflag:s29], $0x1400  }
0x16b: {  	[sflag:s29] =	ssyncset.done $0x0  }
0x16c: {  	s15 =	simm.s32 $0x9BA0;
	[sflag:s29] =	ssyncadd.s32 $0xFFFFEC00  }
0x16d: {  	[spmem:s2] =	stream.indirect.scatter.add.f32 [tilespmem:s17], [sflag:$0x9], $0x40, s15, s20, $0xb8;
	[tilespmem:$0x1DC40] =	vst v63  }
0x16e: {  	_ =	swait.ge [sflag:s13], $0x1400  }
0x16f: {  	[sflag:s13] =	ssyncset.done $0x0  }
0x170: {  	[sflag:s13] =	ssyncadd.s32 $0xFFFFEC00  }
0x171: {  	_ =	swait.ge [sflag:s31], $0x1400  }
0x172: {  	[sflag:s31] =	ssyncset.done $0x0  }
0x173: {  	s24 =	simm.s32 $0x9BF0;
	[sflag:s31] =	ssyncadd.s32 $0xFFFFEC00  }
0x174: {  	[spmem:s2] =	stream.indirect.scatter.add.f32 [tilespmem:s21], [sflag:$0xA], $0x40, s24, s20, $0xb8;
	[tilespmem:$0x1DC40] =	vst v63  }
0x175: {  	_ =	swait.ge [sflag:s14], $0x1400  }
0x176: {  	[sflag:s14] =	ssyncset.done $0x0  }
0x177: {  	[sflag:s14] =	ssyncadd.s32 $0xFFFFEC00  }
0x178: {  	_ =	swait.ge [sflag:s16], $0x1400  }
0x179: {  	[sflag:s16] =	ssyncset.done $0x0  }
0x17a: {  	[sflag:s16] =	ssyncadd.s32 $0xFFFFEC00  }
0x17b: {  	_ =	swait.ge [sflag:s0], $0x1400  }
0x17c: {  	[sflag:s0] =	ssyncset.done $0x0  }
0x17d: {  	[sflag:s0] =	ssyncadd.s32 $0xFFFFEC00  }
0x17e: {  	_ =	swait.ge [sflag:s6], $0x1400  }
0x17f: {  	[sflag:s6] =	ssyncset.done $0x0  }
0x180: {  	[sflag:s6] =	ssyncadd.s32 $0xFFFFEC00  }
0x181: {  	s13 =	stileid.u32;
	[bflag:$0x0] =	sbarrier.arrive $0xFFFF  }
0x182: {  	s8 =	sshll.u32 s13, $0x6;
	s14 =	rddreg [dreg:$0x5]  }
0x183: {  	s8 =	sor.u32 $0x1C11, s8;
	s15 =	rddreg [dreg:$0xf]  }
0x184: {  	[hbm:s14], [sflag:s8] =	dma.local [spmem:s15], $0x1400  }
0x185: {  	_ =	swait.ge [sflag:s18], $0x1400  }
0x186: {  	s3 =	sadd.s32 $0x1, s3;
	s24 =	rddreg [dreg:$0x7]  }
0x187: {  	p0 =	sne.s32 s3, s24  }
.Ltmp3:
0x188: {  	_ = 	snop;
	(pc) =	sbr.rel @p0 .LBB2_1-.Ltmp3, $3  }
0x189: {  	_ =	sdelay $0x1  }
0x18a: {  	[sflag:s18] =	ssyncset.done $0x0  }
0x18b: {  	[sflag:s18] =	ssyncadd.s32 $0xFFFFEC00  }
0x18c: {  	_ =	sfence.sel $0x180000  }
0x18d: {  	[bflag:$0x0] =	sbarrier.arrive $0xFFFF  }
0x18e: {  	_ =	strace $0x9000004A  }
0x18f: {  	s0 =	stileid.u32;
	[bflag:$0x2] =	sbarrier.arrive $0xFFFF  }
0x190: {  	p0 =	sne.s32 s0, $0x0;
	s0 =	rddreg [dreg:$0x2]  }
0x191: {  	s0 =	sadd.s32 @!p0 $0x100000, s0  }
0x192: {  	[sflag:s0] =	ssyncadd.tile.s32 @!p0 $0x1;
	_ =	shalt  }
.Lfunc_end2:
_tile_overlayer_lowered:
.L_overlay_start_2:
0x193: {  	(tag) =	ssettag $0x2  }
0x194: {  	s0 =	rddreg [dreg:$0x0];
	s2 =	stileid.u32  }
0x195: {  	s1 =	rddreg [dreg:$0x1];
	p0 =	sne.s32 s2, $0x0  }
0x196: {  	s3 =	rddreg [dreg:$0x2];
	[bflag:$0x3] =	sbarrier.arrive $0xFFFF;
	s2 =	simm.s32 @!p0 $0x1C11  }
0x197: {  	[timem:s3], [sflag:s2] =	dma.local @!p0 [hbm:s0], s1  }
0x198: {  	s0 =	simm.s32 @!p0 $0x11  }
0x199: {  	_ =	swait.ge @!p0 [sflag:s0], s1  }
0x19a: {  	s1 =	ssub.s32 @!p0 $0x0, s1;
	[sflag:s0] =	ssyncset.done @!p0 $0x0  }
0x19b: {  	[sflag:s0] =	ssyncadd.s32 @!p0 s1  }
0x19c: {  	[bflag:$0x3] =	sbarrier.arrive $0xFFFF  }
0x19d: {  	_ =	shalt  }

// kernel: kernel.13.cloned.1.call-start
scs
__scs_entry_jumppad:
0x0: {  	(pc) =	sbr.rel $0x88, $3  }
0x1: {  	(tag) =	ssettag $0x0;
	lr =	simm.s32 $0x1  }
0x2: {  	[smem:$0x3F99] =	sst lr;
	_ =	strace $0xD0000000  }
0x3: {  	_ = 	snop  }
0x4: {  	_ = 	snop  }
0x5: {  	_ = 	snop  }
0x6: {  	_ = 	snop  }
0x7: {  	_ = 	snop  }
__scs_overlays_trampoline_lowered:
0x8: {  	[smem:$0x3FA8] =	sst s0  }
0x9: {  	[smem:$0x3FA9] =	sst s1  }
0xa: {  	[smem:$0x3FAA] =	sst s2  }
0xb: {  	[smem:$0x3FAB] =	sst s3  }
0xc: {  	[smem:$0x3FAC] =	sst s4  }
0xd: {  	[smem:$0x3FAD] =	sst s5  }
0xe: {  	[smem:$0x3FAE] =	sst s6  }
0xf: {  	[smem:$0x3FAF] =	sst s7  }
0x10: {  	[smem:$0x3FB0] =	sst s8  }
0x11: {  	[smem:$0x3FB1] =	sst s9;
	s0 =	simm.s32 @!p0 $0x0  }
0x12: {  	s1 =	sld [smem:$0x3F97];
	s0 =	simm.s32 @p0 $0x1  }
0x13: {  	[smem:$0x3FB2] =	sst s0;
	s0 =	simm.s32 @!p1 $0x0  }
0x14: {  	s2 =	sld [smem:$0x3F96];
	s0 =	simm.s32 @p1 $0x1  }
0x15: {  	[smem:$0x3FB3] =	sst s0;
	s0 =	simm.s32 @!p2 $0x0  }
0x16: {  	s3 =	sld [smem:$0x3FDB];
	s0 =	simm.s32 @p2 $0x1  }
0x17: {  	s4 =	simm.s32 $0x1BF5;
	[smem:$0x3FB5] =	sst s0  }
0x18: {  	s0 =	sld [smem:$0x3F98];
	_ =	swait.ge [sflag:s4], $0x0  }
0x19: {  	s7 =	sld [smem:$0x3F99]  }
0x1a: {  	s8 =	sadd.s32 $0xFFFFE003, lr  }
0x1b: {  	s9 =	sadd.s32 $0xFFFFFEF7, lr;
	s5 =	simm.s32 $0xFFFFFFFF;
	p2 =	slt.u32 s8, $0xFFFFF086  }
0x1c: {  	p1 =	slt.u32 s9, $0xF7A;
	s5 =	simm.s32 @!p2 $0x0  }
0x1d: {  	s5 =	simm.s32 @p1 $0x1;
	p0 =	seq.s32 s7, s2  }
0x1e: {  	s7 =	smul.u32 @!p0 $0xF7A, s2;
	p2 =	seq.s32 @!p0 s5, $0x0  }
0x1f: {  	s9 =	smul.u32 $0xF7A, s1;
	s8 =	simm.s32 @!p0 $0x1BF5;
	p2 =	por !p2, p0  }
0x20: {  	[sflag:s8] =	ssyncset.s32 @!p0 $0xFFFFF086;
	s6 =	sadd.s32 @!p0 s3, s7;
	s7 =	simm.s32 @!p0 $0x108  }
0x21: {  	s3 =	sadd.s32 s3, s9;
	s6 =	sadd.s32 @!p0 $0x88, s6;
	s7 =	simm.s32 @p2 $0x1082  }
0x22: {  	[simem:s7], [sflag:s8] =	dma.local @!p0 [hbm:s6], $0xF7A  }
0x23: {  	s9 =	sor.u32 $0xD0000000, s2;
	s6 =	simm.s32 $0x108;
	_ =	swait.ge @!p0 [sflag:s8], $0x0  }
0x24: {  	s3 =	sadd.s32 $0x88, s3;
	s6 =	simm.s32 @!p1 $0x1082;
	[sflag:s4] =	ssyncset.s32 $0xFFFFF086  }
0x25: {  	[simem:s6], [sflag:s4] =	dma.local [hbm:s3], $0xF7A  }
0x26: {  	[smem:$0x3F99] =	sst s1;
	(tag) =	ssettag s2;
	_ =	strace s9  }
0x27: {  	s1 =	sld [smem:$0x3FA9]  }
0x28: {  	s2 =	sld [smem:$0x3FAA]  }
0x29: {  	s4 =	sld [smem:$0x3FAC]  }
0x2a: {  	p0 =	seq.s32 s5, $0x0;
	s5 =	sld [smem:$0x3FAD]  }
0x2b: {  	s6 =	sld [smem:$0x3FAE]  }
0x2c: {  	s7 =	sld [smem:$0x3FAF]  }
0x2d: {  	s3 =	simm.s32 $0x108;
	s8 =	sld [smem:$0x3FB0]  }
0x2e: {  	s3 =	simm.s32 @!p0 $0x1082;
	s9 =	sld [smem:$0x3FB1]  }
0x2f: {  	lr =	sadd.s32 s0, s3;
	s0 =	sld [smem:$0x3FA8]  }
0x30: {  	s3 =	sld [smem:$0x3FAB]  }
0x31: {  	[smem:$0x3FB4] =	sst s10  }
0x32: {  	s10 =	sld [smem:$0x3FB2];
	_ =	sdelay $0x3  }
0x33: {  	p0 =	seq.s32 s10, $0x1;
	s10 =	sld [smem:$0x3FB4];
	_ =	sdelay $0x3  }
0x34: {  	[smem:$0x3FB4] =	sst s10  }
0x35: {  	s10 =	sld [smem:$0x3FB3];
	_ =	sdelay $0x3  }
0x36: {  	p1 =	seq.s32 s10, $0x1;
	s10 =	sld [smem:$0x3FB4];
	_ =	sdelay $0x3  }
0x37: {  	[smem:$0x3FB4] =	sst s10  }
0x38: {  	s10 =	sld [smem:$0x3FB5]  }
0x39: {  	_ = 	snop;
	(pc) =	sbr.ind lr, $3  }
0x3a: {  	_ = 	snop  }
0x3b: {  	_ = 	snop  }
0x3c: {  	p2 =	seq.s32 s10, $0x1;
	s10 =	sld [smem:$0x3FB4]  }
0x3d: {  	_ =	shalt  }
0x3e: {  	_ =	shalt  }
0x3f: {  	_ =	shalt  }
0x40: {  	_ =	shalt  }
0x41: {  	_ =	shalt  }
0x42: {  	_ =	shalt  }
0x43: {  	_ =	shalt  }
0x44: {  	_ =	shalt  }
0x45: {  	_ =	shalt  }
0x46: {  	_ =	shalt  }
0x47: {  	_ =	shalt  }
0x48: {  	_ =	shalt  }
0x49: {  	_ =	shalt  }
0x4a: {  	_ =	shalt  }
0x4b: {  	_ =	shalt  }
0x4c: {  	_ =	shalt  }
0x4d: {  	_ =	shalt  }
0x4e: {  	_ =	shalt  }
0x4f: {  	_ =	shalt  }
0x50: {  	_ =	shalt  }
0x51: {  	_ =	shalt  }
0x52: {  	_ =	shalt  }
0x53: {  	_ =	shalt  }
0x54: {  	_ =	shalt  }
0x55: {  	_ =	shalt  }
0x56: {  	_ =	shalt  }
0x57: {  	_ =	shalt  }
0x58: {  	_ =	shalt  }
0x59: {  	_ =	shalt  }
0x5a: {  	_ =	shalt  }
0x5b: {  	_ =	shalt  }
0x5c: {  	_ =	shalt  }
0x5d: {  	_ =	shalt  }
0x5e: {  	_ =	shalt  }
0x5f: {  	_ =	shalt  }
0x60: {  	_ =	shalt  }
0x61: {  	_ =	shalt  }
0x62: {  	_ =	shalt  }
0x63: {  	_ =	shalt  }
0x64: {  	_ =	shalt  }
0x65: {  	_ =	shalt  }
0x66: {  	_ =	shalt  }
0x67: {  	_ =	shalt  }
0x68: {  	_ =	shalt  }
0x69: {  	_ =	shalt  }
0x6a: {  	_ =	shalt  }
0x6b: {  	_ =	shalt  }
0x6c: {  	_ =	shalt  }
0x6d: {  	_ =	shalt  }
0x6e: {  	_ =	shalt  }
0x6f: {  	_ =	shalt  }
0x70: {  	_ =	shalt  }
0x71: {  	_ =	shalt  }
0x72: {  	_ =	shalt  }
0x73: {  	_ =	shalt  }
0x74: {  	_ =	shalt  }
0x75: {  	_ =	shalt  }
0x76: {  	_ =	shalt  }
0x77: {  	_ =	shalt  }
0x78: {  	_ =	shalt  }
0x79: {  	_ =	shalt  }
0x7a: {  	_ =	shalt  }
0x7b: {  	_ =	shalt  }
0x7c: {  	_ =	shalt  }
0x7d: {  	_ =	shalt  }
0x7e: {  	_ =	shalt  }
0x7f: {  	_ =	shalt  }
0x80: {  	_ =	shalt  }
0x81: {  	_ =	shalt  }
0x82: {  	_ =	shalt  }
0x83: {  	_ =	shalt  }
0x84: {  	_ =	shalt  }
0x85: {  	_ =	shalt  }
0x86: {  	_ =	shalt  }
0x87: {  	_ =	shalt  }
.Lfunc_end0:
.L_simem_size_0:
called_computation.2_lowered:
.L_overlay_start_0:
0x88: {  	s2 =	sld [smem:$0x3FD9]  }
0x89: {  	s3 =	sld [smem:$0x3FFE];
	_ =	sdelay $0x1  }
0x8a: {  	s1 =	srdreg.scid  }
0x8b: {  	s0 =	sand.u32 $0x1, s1  }
0x8c: {  	s17 =	sshll.u32 s0, $0xA;
	s2 =	sadd.s32 s3, s2  }
0x8d: {  	s2 =	sadd.s32 s2, s17  }
0x8e: {  	[smem:$0x3FC0] =	sst s2  }
0x8f: {  	_ = 	snop  }
0x90: {  	s2 =	sld [smem:$0x3FD0];
	(tm) =	ssettm $0x1  }
0x91: {  	s18 =	sld [smem:$0x3FFB];
	_ =	sdelay $0x3  }
0x92: {  	_ =	strace s18  }
0x93: {  	s3 =	sld [smem:$0x3FFC];
	_ =	sdelay $0x3  }
0x94: {  	_ =	strace s3  }
0x95: {  	s3 =	sld [smem:$0x3FFD];
	_ =	sdelay $0x3  }
0x96: {  	_ =	strace s3  }
0x97: {  	_ =	strace $0x8FFFFFFF  }
0x98: {  	s19 =	sld [smem:$0x3FDB];
	_ =	sdelay $0x1  }
0x99: {  	s4 =	simm.s32 $_scs_section_size  }
0x9a: {  	s5 =	simm.s32 $_size__tile_overlayer_lowered;
	s6 =	simm.s32 $_tile_overlayer_lowered  }
0x9b: {  	s22 =	simm.s32 $0x1BFF;
	s21 =	sshll.u32 s6, $0x1;
	s3 =	sadd.s32 s4, s19  }
0x9c: {  	s7 =	simm.s32 $0x0;
	s20 =	sshll.u32 s5, $0x1;
	s5 =	sadd.s32 s21, s3  }
0x9d: {  	[timem:s7], [sflag:s22] =	dma.local [hbm:s5], s20  }
0x9e: {  	_ =	swait.ge [sflag:s22], s20  }
0x9f: {  	s4 =	ssub.s32 $0x0, s20;
	[sflag:s22] =	ssyncset.done $0x0  }
0xa0: {  	[sflag:s22] =	ssyncadd.s32 s4;
	_ =	sdelay $0x1  }
0xa1: {  	s23 =	simm.s32 $0x1B8B  }
0xa2: {  	_ =	swait.ge [sflag:s23], $0x1  }
0xa3: {  	[sflag:s23] =	ssyncset.done $0x0  }
0xa4: {  	s25 =	simm.s32 $0x1B8E;
	s24 =	sld [smem:$0x3FFE];
	[sflag:s23] =	ssyncadd.s32 $0xFFFFFFFF  }
0xa5: {  	s26 =	simm.s32 $execute0_lowered;
	[smem:$0x3FD2] =	sst s25  }
0xa6: {  	s5 =	sshll.u32 s26, $0x1;
	_ =	strace $0x8000004C;
	[dreg:$0x1] =	wrdreg $0xFFFFFFFF  }
0xa7: {  	s28 =	simm.s32 $_size_execute0_lowered;
	s3 =	sadd.s32 s3, s5;
	[dreg:$0x0] =	wrdreg $0x0  }
0xa8: {  	s5 =	sshll.u32 s28, $0x1;
	[dreg:$0x2] =	wrdreg s3  }
0xa9: {  	[dreg:$0x3] =	wrdreg s5  }
0xaa: {  	[dreg:$0x4] =	wrdreg $0xC0  }
0xab: {  	_ =	task [dreg:s7], $0x5FFFF  }
0xac: {  	[dreg:$0x1] =	wrdreg $0xFFFFFFFF  }
0xad: {  	[dreg:$0x0] =	wrdreg $0x60  }
0xae: {  	[dreg:$0x2] =	wrdreg s24  }
0xaf: {  	[dreg:$0x3] =	wrdreg s2  }
0xb0: {  	[dreg:$0x4] =	wrdreg $0x188000  }
0xb1: {  	[dreg:$0x5] =	wrdreg $0x180000  }
0xb2: {  	[dreg:$0x6] =	wrdreg $0x9  }
0xb3: {  	_ =	task.clear_ibuf [dreg:s7], $0x7FFFF;
	_ =	strace $0x9000004C  }
0xb4: {  	s29 =	simm.s32 $0x9;
	_ =	strace $0x8000004E  }
0xb5: {  	_ =	swait.ge [sflag:s29], $0x1  }
0xb6: {  	[sflag:s29] =	ssyncadd.s32 $0xFFFFFFFF  }
0xb7: {  	_ =	strace $0x9000004E  }
0xb8: {  	_ =	sfence  }
0xb9: {  	s30 =	sld [smem:$0x0];
	_ =	sdelay $0x2  }
0xba: {  	s31 =	sshll.u32 s1, $0xD;
	s1 =	sshrl.u32 s1, $0x2  }
0xbb: {  	s3 =	sand.u32 $0x4000, s31;
	s1 =	sadd.s32 s1, s30  }
0xbc: {  	s0 =	sor.u32 s3, s0;
	s1 =	sshll.u32 s1, $0x11  }
0xbd: {  	s0 =	sor.u32 s1, s0  }
0xbe: {  	s0 =	sadd.s32 $0x8F2B, s0  }
0xbf: {  	[sflag:s0] =	ssyncadd.remote.s32 $0x1  }
0xc0: {  	_ =	sfence.sel $0xFFFF  }
0xc1: {  	[dreg:$0x0] =	wrdreg $0xFFFFFFFF;
	(pc) =	sbr.abs _section_cstart, $3  }
0xc2: {  	[dreg:$0x1] =	wrdreg $0xFFFFFFFF  }
0xc3: {  	_ =	task.clear_ibuf [dreg:s7], $0x2FFFF;
	_ =	strace $0x9FFFFFFF  }
0xc4: {  	(tm) =	ssettm $0x7FFFFFFF  }
0xc5: {  	_ =	shalt  }
tec
execute0_lowered:
.L_overlay_start_1:
0x0: {  	(tag) =	ssettag $0x1  }
0x1: {  	s1 =	srdreg.scid  }
0x2: {  	s1 =	sand.u32 $0x1, s1  }
0x3: {  	s4 =	rddreg [dreg:$0x0];
	p0 =	seq.s32 s1, $0x1  }
.Ltmp0:
0x4: {  	s2 =	rddreg [dreg:$0x1];
	(pc) =	sbr.rel @p0 .LBB2_12-.Ltmp0, $4  }
0x5: {  	s3 =	rddreg [dreg:$0x2]  }
0x6: {  	s5 =	rddreg [dreg:$0x3];
	s6 =	simm.s32 $0x0  }
0x7: {  	[smem:$0x7FF] =	sst s6  }
0x8: {  	s0 =	rddreg [dreg:$0x4];
	_ =	strace $0x8000004D;
	s1 =	stileid.u32  }
0x9: {  	v0 =	vimm.f32 $0.0e+00  }
0xa: {  	[tilespmem:$0x18280] =	vst v0  }
0xb: {  	[tilespmem:$0x18290] =	vst v0  }
0xc: {  	[tilespmem:$0x182A0] =	vst v0  }
0xd: {  	[tilespmem:$0x182B0] =	vst v0  }
0xe: {  	[tilespmem:$0x182C0] =	vst v0  }
0xf: {  	[tilespmem:$0x182D0] =	vst v0  }
0x10: {  	[tilespmem:$0x182E0] =	vst v0  }
0x11: {  	[tilespmem:$0x182F0] =	vst v0  }
0x12: {  	[tilespmem:$0x18300] =	vst v0  }
0x13: {  	[tilespmem:$0x18310] =	vst v0  }
0x14: {  	[tilespmem:$0x18320] =	vst v0  }
0x15: {  	[tilespmem:$0x18330] =	vst v0  }
0x16: {  	[tilespmem:$0x18340] =	vst v0  }
0x17: {  	[tilespmem:$0x18350] =	vst v0  }
0x18: {  	[tilespmem:$0x18360] =	vst v0  }
0x19: {  	[tilespmem:$0x18370] =	vst v0  }
0x1a: {  	[tilespmem:$0x18380] =	vst v0  }
0x1b: {  	[tilespmem:$0x18390] =	vst v0  }
0x1c: {  	[tilespmem:$0x183A0] =	vst v0  }
0x1d: {  	[tilespmem:$0x183B0] =	vst v0  }
0x1e: {  	[tilespmem:$0x183C0] =	vst v0  }
0x1f: {  	[tilespmem:$0x183D0] =	vst v0  }
0x20: {  	[tilespmem:$0x183E0] =	vst v0  }
0x21: {  	[tilespmem:$0x183F0] =	vst v0  }
0x22: {  	[tilespmem:$0x18400] =	vst v0  }
0x23: {  	[tilespmem:$0x18410] =	vst v0  }
0x24: {  	[tilespmem:$0x18420] =	vst v0  }
0x25: {  	[tilespmem:$0x18430] =	vst v0  }
0x26: {  	[tilespmem:$0x18440] =	vst v0  }
0x27: {  	[tilespmem:$0x18450] =	vst v0  }
0x28: {  	[tilespmem:$0x18460] =	vst v0  }
0x29: {  	[tilespmem:$0x18470] =	vst v0  }
0x2a: {  	[tilespmem:$0x18480] =	vst v0  }
0x2b: {  	[tilespmem:$0x18490] =	vst v0  }
0x2c: {  	[tilespmem:$0x184A0] =	vst v0  }
0x2d: {  	[tilespmem:$0x184B0] =	vst v0  }
0x2e: {  	[tilespmem:$0x184C0] =	vst v0  }
0x2f: {  	s8 =	smul.u32 $0x280, s1;
	[tilespmem:$0x184D0] =	vst v0  }
0x30: {  	[tilespmem:$0x184E0] =	vst v0  }
0x31: {  	s9 =	simm.s32 $0x18280;
	s25 =	simm.s32 $0x2;
	[tilespmem:$0x184F0] =	vst v0;
	s7 =	sadd.s32 s8, s3  }
0x32: {  	[spmem:s7] =	stream.linear.scatter [tilespmem:s9], [sflag:$0x2], $0x280, $0x38;
	[tilespmem:$0x18A80] =	vst v63  }
0x33: {  	_ =	swait.ge [sflag:s25], $0x280  }
0x34: {  	s10 =	sadd.s32 $0x1A00, s4;
	s11 =	sshll.u32 s1, $0xC;
	[sflag:s25] =	ssyncset.done $0x0  }
0x35: {  	s10 =	sadd.s32 s10, s11;
	[sflag:s25] =	ssyncadd.s32 $0xFFFFFD80  }
0x36: {  	[tilespmem:s6], [sflag:$0x2] =	stream.linear.gather [hbm4b:s10+s6], $0x7D00, $0x38;
	[tilespmem:$0x18A80] =	vst v63  }
0x37: {  	_ =	swait.ge [sflag:s25], $0x7D00  }
0x38: {  	s26 =	sadd.s32 $0x11A00, s4;
	s12 =	sadd.s32 $0x22000, s4;
	[sflag:s25] =	ssyncset.done $0x0  }
0x39: {  	s28 =	simm.s32 $0x8000;
	s10 =	sadd.s32 s26, s11;
	[sflag:s25] =	ssyncadd.s32 $0xFFFF8300  }
0x3a: {  	[tilespmem:s28], [sflag:$0x2] =	stream.linear.gather [hbm4b:s10+s6], $0x7D00, $0x38;
	[tilespmem:$0x18A80] =	vst v63  }
0x3b: {  	s30 =	sshll.u32 s1, $0x6;
	s13 =	sshrl.u32 s8, $0x3;
	_ =	swait.ge [sflag:s25], $0x7D00  }
0x3c: {  	s8 =	sadd.s32 s8, s5;
	s29 =	sadd.s32 s12, s13;
	[sflag:s25] =	ssyncset.done $0x0  }
0x3d: {  	s8 =	sshrl.u32 s8, $0x3;
	s11 =	sor.u32 $0x1C02, s30;
	[sflag:s25] =	ssyncadd.s32 $0xFFFF8300  }
0x3e: {  	[spmem:s8], [sflag:s11] =	dma.local [hbm:s29], $0x50  }
0x3f: {  	_ =	swait.ge [sflag:s25], $0x50  }
0x40: {  	[sflag:s25] =	ssyncset.done $0x0  }
0x41: {  	s31 =	sadd.s32 s13, s4;
	s9 =	simm.s32 $0x50;
	[sflag:s25] =	ssyncadd.s32 $0xFFFFFFB0  }
0x42: {  	s4 =	sadd.s32 $0x22600, s31;
	s8 =	sadd.s32 $0x21A00, s31;
	[bflag:$0x0] =	sbarrier.arrive $0xFFFF  }
.LBB2_2:
0x43: {  	p0 =	sne.s32 s6, $0x1F200  }
.Ltmp1:
0x44: {  	_ = 	snop;
	(pc) =	sbr.rel @p0 .LBB2_2-.Ltmp1, $4  }
0x45: {  	_ = 	snop  }
0x46: {  	s10 =	sshra.s32 s6, $0x2  }
0x47: {  	s6 =	sadd.s32 $0x200, s6;
	s11 =	sadd.s32 $0x10000, s10  }
0x48: {  	[tilespmem:s11], [sflag:$0x1] =	stream.indirect.gather [spmem:s5], $0x1, s10, s9, $0xb8;
	[tilespmem:$0x18A80] =	vst v63  }
0x49: {  	s5 =	simm.s32 $0xFA;
	s6 =	simm.s32 $0x1  }
.LBB2_4:
0x4a: {  	p0 =	sne.s32 s5, $0x1  }
.Ltmp2:
0x4b: {  	_ = 	snop;
	(pc) =	sbr.rel @p0 .LBB2_4-.Ltmp2, $4  }
0x4c: {  	_ = 	snop  }
0x4d: {  	_ =	swait.ge [sflag:s6], $0x50  }
0x4e: {  	[sflag:s6] =	ssyncset.done $0x0  }
0x4f: {  	s5 =	sadd.s32 $0xFFFFFFFF, s5;
	[sflag:s6] =	ssyncadd.s32 $0xFFFFFFB0  }
0x50: {  	s5 =	simm.s32 $0x0;
	s6 =	simm.s32 $0x50  }
.LBB2_6:
0x51: {  	p0 =	sne.s32 s5, $0x1F200  }
.Ltmp3:
0x52: {  	_ = 	snop;
	(pc) =	sbr.rel @p0 .LBB2_6-.Ltmp3, $4  }
0x53: {  	_ = 	snop  }
0x54: {  	s9 =	sshra.s32 s5, $0x2  }
0x55: {  	s5 =	sadd.s32 $0x200, s5;
	s10 =	sadd.s32 $0x10000, s9;
	s9 =	sadd.s32 $0x8000, s9  }
0x56: {  	[spmem:s3] =	stream.indirect.scatter.add.f32 [tilespmem:s10], [sflag:$0x1], $0x1, s9, s6, $0xb8;
	[tilespmem:$0x18A80] =	vst v63  }
0x57: {  	s3 =	simm.s32 $0x1  }
0x58: {  	_ =	swait.ge [sflag:s3], $0x50  }
0x59: {  	s5 =	simm.s32 $0xF9;
	[sflag:s3] =	ssyncset.done $0x0  }
.LBB2_8:
0x5a: {  	p0 =	sne.s32 s5, $0x1;
	s5 =	sadd.s32 $0xFFFFFFFF, s5;
	[sflag:s3] =	ssyncadd.s32 $0xFFFFFFB0  }
.Ltmp4:
0x5b: {  	(pc) =	sbr.rel @p0 .LBB2_8-.Ltmp4, $3  }
0x5c: {  	_ =	sdelay $0x1  }
0x5d: {  	_ =	swait.ge [sflag:s3], $0x50  }
0x5e: {  	[sflag:s3] =	ssyncset.done $0x0  }
0x5f: {  	[sflag:s3] =	ssyncadd.s32 $0xFFFFFFB0  }
0x60: {  	s29 =	simm.s32 $0x18280;
	s30 =	simm.s32 $0x2;
	[bflag:$0x0] =	sbarrier.arrive $0xFFFF  }
0x61: {  	[tilespmem:s29], [sflag:$0x2] =	stream.linear.gather [spmem:s7], $0x280, $0x38;
	[tilespmem:$0x18A80] =	vst v63  }
0x62: {  	_ =	swait.ge [sflag:s30], $0x280  }
0x63: {  	[sflag:s30] =	ssyncset.done $0x0  }
0x64: {  	s5 =	simm.s32 $0x0;
	s6 =	simm.s32 $0x18500;
	[sflag:s30] =	ssyncadd.s32 $0xFFFFFD80  }
0x65: {  	[tilespmem:s6], [sflag:$0x2] =	stream.linear.gather [hbm4b:s8+s5], $0x280, $0x38;
	[tilespmem:$0x18A80] =	vst v63  }
0x66: {  	_ =	swait.ge [sflag:s30], $0x280  }
0x67: {  	[sflag:s30] =	ssyncset.done $0x0  }
0x68: {  	s31 =	simm.s32 $0x18780;
	[sflag:s30] =	ssyncadd.s32 $0xFFFFFD80  }
0x69: {  	[tilespmem:s31], [sflag:$0x2] =	stream.linear.gather [hbm4b:s2+s5], $0x10, $0x38;
	[tilespmem:$0x18A80] =	vst v63  }
0x6a: {  	_ =	swait.ge [sflag:s30], $0x10  }
0x6b: {  	[sflag:s30] =	ssyncset.done $0x0  }
0x6c: {  	[sflag:s30] =	ssyncadd.s32 $0xFFFFFFF0  }
0x6d: {  	s2 =	simm.s32 $0x0;
	v0 =	vld [tilespmem:$0x18780]  }
0x6e: {  	s3 =	simm.s32 $0x40;
	v1 =	vld [tilespmem:s2+$0x18500]  }
.LBB2_10:
0x6f: {  	p0 =	sne.s32 s3, $0x9C0;
	v2 =	vld [tilespmem:s2+$0x18280];
	_ =	sdelay $0x4  }
.Ltmp5:
0x70: {  	v1 =	vmul.f32 v1, v2;
	(pc) =	sbr.rel @p0 .LBB2_10-.Ltmp5, $4  }
0x71: {  	_ = 	snop  }
0x72: {  	v2 =	vadd.f32 v1, v0  }
0x73: {  	s5 =	sshra.s32 s3, $0x2  }
0x74: {  	s3 =	sadd.s32 $0x40, s3;
	v1 =	vld [tilespmem:s5+$0x18500];
	[tilespmem:s2+$0x18280] =	vst v2;
	s2 =	smov.u32 s5  }
0x75: {  	v2 =	vld [tilespmem:s2+$0x18280];
	_ =	sdelay $0x4  }
0x76: {  	v1 =	vmul.f32 v1, v2;
	_ =	sdelay $0x1  }
0x77: {  	v0 =	vadd.f32 v1, v0;
	_ =	sdelay $0x1  }
0x78: {  	s30 =	simm.s32 $0x0;
	s3 =	simm.s32 $0x18280;
	s31 =	simm.s32 $0x2;
	[tilespmem:s2+$0x18280] =	vst v0  }
0x79: {  	[hbm4b:s4+s30] =	stream.linear.scatter [tilespmem:s3], [sflag:$0x2], $0x280, $0x38;
	[tilespmem:$0x18A80] =	vst v63  }
0x7a: {  	_ =	swait.ge [sflag:s31], $0x280  }
0x7b: {  	[sflag:s31] =	ssyncset.done $0x0  }
0x7c: {  	[sflag:s31] =	ssyncadd.s32 $0xFFFFFD80  }
.LBB2_12:
0x7d: {  	_ =	sfence.sel $0x180000  }
0x7e: {  	[bflag:$0x0] =	sbarrier.arrive $0xFFFF  }
0x7f: {  	p0 =	sne.s32 s1, $0x0;
	_ =	strace $0x9000004D  }
0x80: {  	s0 =	sadd.s32 @!p0 $0x100000, s0;
	[bflag:$0x2] =	sbarrier.arrive $0xFFFF  }
0x81: {  	[sflag:s0] =	ssyncadd.tile.s32 @!p0 $0x1;
	_ =	shalt  }
.Lfunc_end2:
_tile_overlayer_lowered:
.L_overlay_start_2:
0x82: {  	(tag) =	ssettag $0x2  }
0x83: {  	s0 =	rddreg [dreg:$0x0];
	s2 =	stileid.u32  }
0x84: {  	s1 =	rddreg [dreg:$0x1];
	p0 =	sne.s32 s2, $0x0  }
0x85: {  	s3 =	rddreg [dreg:$0x2];
	[bflag:$0x3] =	sbarrier.arrive $0xFFFF;
	s2 =	simm.s32 @!p0 $0x1C02  }
0x86: {  	[timem:s3], [sflag:s2] =	dma.local @!p0 [hbm:s0], s1  }
0x87: {  	s0 =	simm.s32 @!p0 $0x2  }
0x88: {  	_ =	swait.ge @!p0 [sflag:s0], s1  }
0x89: {  	s1 =	ssub.s32 @!p0 $0x0, s1;
	[sflag:s0] =	ssyncset.done @!p0 $0x0  }
0x8a: {  	[sflag:s0] =	ssyncadd.s32 @!p0 s1  }
0x8b: {  	[bflag:$0x3] =	sbarrier.arrive $0xFFFF  }
0x8c: {  	_ =	shalt  }

// kernel: kernel.7.cloned.1.call-start
scs
__scs_entry_jumppad:
0x0: {  	(pc) =	sbr.rel $0x88, $3  }
0x1: {  	(tag) =	ssettag $0x0;
	lr =	simm.s32 $0x1  }
0x2: {  	[smem:$0x3F99] =	sst lr;
	_ =	strace $0xD0000000  }
0x3: {  	_ = 	snop  }
0x4: {  	_ = 	snop  }
0x5: {  	_ = 	snop  }
0x6: {  	_ = 	snop  }
0x7: {  	_ = 	snop  }
__scs_overlays_trampoline_lowered:
0x8: {  	[smem:$0x3FA8] =	sst s0  }
0x9: {  	[smem:$0x3FA9] =	sst s1  }
0xa: {  	[smem:$0x3FAA] =	sst s2  }
0xb: {  	[smem:$0x3FAB] =	sst s3  }
0xc: {  	[smem:$0x3FAC] =	sst s4  }
0xd: {  	[smem:$0x3FAD] =	sst s5  }
0xe: {  	[smem:$0x3FAE] =	sst s6  }
0xf: {  	[smem:$0x3FAF] =	sst s7  }
0x10: {  	[smem:$0x3FB0] =	sst s8  }
0x11: {  	[smem:$0x3FB1] =	sst s9;
	s0 =	simm.s32 @!p0 $0x0  }
0x12: {  	s1 =	sld [smem:$0x3F97];
	s0 =	simm.s32 @p0 $0x1  }
0x13: {  	[smem:$0x3FB2] =	sst s0;
	s0 =	simm.s32 @!p1 $0x0  }
0x14: {  	s2 =	sld [smem:$0x3F96];
	s0 =	simm.s32 @p1 $0x1  }
0x15: {  	[smem:$0x3FB3] =	sst s0;
	s0 =	simm.s32 @!p2 $0x0  }
0x16: {  	s3 =	sld [smem:$0x3FDB];
	s0 =	simm.s32 @p2 $0x1  }
0x17: {  	s4 =	simm.s32 $0x1BF5;
	[smem:$0x3FB5] =	sst s0  }
0x18: {  	s0 =	sld [smem:$0x3F98];
	_ =	swait.ge [sflag:s4], $0x0  }
0x19: {  	s7 =	sld [smem:$0x3F99]  }
0x1a: {  	s8 =	sadd.s32 $0xFFFFE003, lr  }
0x1b: {  	s9 =	sadd.s32 $0xFFFFFEF7, lr;
	s5 =	simm.s32 $0xFFFFFFFF;
	p2 =	slt.u32 s8, $0xFFFFF086  }
0x1c: {  	p1 =	slt.u32 s9, $0xF7A;
	s5 =	simm.s32 @!p2 $0x0  }
0x1d: {  	s5 =	simm.s32 @p1 $0x1;
	p0 =	seq.s32 s7, s2  }
0x1e: {  	s7 =	smul.u32 @!p0 $0xF7A, s2;
	p2 =	seq.s32 @!p0 s5, $0x0  }
0x1f: {  	s9 =	smul.u32 $0xF7A, s1;
	s8 =	simm.s32 @!p0 $0x1BF5;
	p2 =	por !p2, p0  }
0x20: {  	[sflag:s8] =	ssyncset.s32 @!p0 $0xFFFFF086;
	s6 =	sadd.s32 @!p0 s3, s7;
	s7 =	simm.s32 @!p0 $0x108  }
0x21: {  	s3 =	sadd.s32 s3, s9;
	s6 =	sadd.s32 @!p0 $0x88, s6;
	s7 =	simm.s32 @p2 $0x1082  }
0x22: {  	[simem:s7], [sflag:s8] =	dma.local @!p0 [hbm:s6], $0xF7A  }
0x23: {  	s9 =	sor.u32 $0xD0000000, s2;
	s6 =	simm.s32 $0x108;
	_ =	swait.ge @!p0 [sflag:s8], $0x0  }
0x24: {  	s3 =	sadd.s32 $0x88, s3;
	s6 =	simm.s32 @!p1 $0x1082;
	[sflag:s4] =	ssyncset.s32 $0xFFFFF086  }
0x25: {  	[simem:s6], [sflag:s4] =	dma.local [hbm:s3], $0xF7A  }
0x26: {  	[smem:$0x3F99] =	sst s1;
	(tag) =	ssettag s2;
	_ =	strace s9  }
0x27: {  	s1 =	sld [smem:$0x3FA9]  }
0x28: {  	s2 =	sld [smem:$0x3FAA]  }
0x29: {  	s4 =	sld [smem:$0x3FAC]  }
0x2a: {  	p0 =	seq.s32 s5, $0x0;
	s5 =	sld [smem:$0x3FAD]  }
0x2b: {  	s6 =	sld [smem:$0x3FAE]  }
0x2c: {  	s7 =	sld [smem:$0x3FAF]  }
0x2d: {  	s3 =	simm.s32 $0x108;
	s8 =	sld [smem:$0x3FB0]  }
0x2e: {  	s3 =	simm.s32 @!p0 $0x1082;
	s9 =	sld [smem:$0x3FB1]  }
0x2f: {  	lr =	sadd.s32 s0, s3;
	s0 =	sld [smem:$0x3FA8]  }
0x30: {  	s3 =	sld [smem:$0x3FAB]  }
0x31: {  	[smem:$0x3FB4] =	sst s10  }
0x32: {  	s10 =	sld [smem:$0x3FB2];
	_ =	sdelay $0x3  }
0x33: {  	p0 =	seq.s32 s10, $0x1;
	s10 =	sld [smem:$0x3FB4];
	_ =	sdelay $0x3  }
0x34: {  	[smem:$0x3FB4] =	sst s10  }
0x35: {  	s10 =	sld [smem:$0x3FB3];
	_ =	sdelay $0x3  }
0x36: {  	p1 =	seq.s32 s10, $0x1;
	s10 =	sld [smem:$0x3FB4];
	_ =	sdelay $0x3  }
0x37: {  	[smem:$0x3FB4] =	sst s10  }
0x38: {  	s10 =	sld [smem:$0x3FB5]  }
0x39: {  	_ = 	snop;
	(pc) =	sbr.ind lr, $3  }
0x3a: {  	_ = 	snop  }
0x3b: {  	_ = 	snop  }
0x3c: {  	p2 =	seq.s32 s10, $0x1;
	s10 =	sld [smem:$0x3FB4]  }
0x3d: {  	_ =	shalt  }
0x3e: {  	_ =	shalt  }
0x3f: {  	_ =	shalt  }
0x40: {  	_ =	shalt  }
0x41: {  	_ =	shalt  }
0x42: {  	_ =	shalt  }
0x43: {  	_ =	shalt  }
0x44: {  	_ =	shalt  }
0x45: {  	_ =	shalt  }
0x46: {  	_ =	shalt  }
0x47: {  	_ =	shalt  }
0x48: {  	_ =	shalt  }
0x49: {  	_ =	shalt  }
0x4a: {  	_ =	shalt  }
0x4b: {  	_ =	shalt  }
0x4c: {  	_ =	shalt  }
0x4d: {  	_ =	shalt  }
0x4e: {  	_ =	shalt  }
0x4f: {  	_ =	shalt  }
0x50: {  	_ =	shalt  }
0x51: {  	_ =	shalt  }
0x52: {  	_ =	shalt  }
0x53: {  	_ =	shalt  }
0x54: {  	_ =	shalt  }
0x55: {  	_ =	shalt  }
0x56: {  	_ =	shalt  }
0x57: {  	_ =	shalt  }
0x58: {  	_ =	shalt  }
0x59: {  	_ =	shalt  }
0x5a: {  	_ =	shalt  }
0x5b: {  	_ =	shalt  }
0x5c: {  	_ =	shalt  }
0x5d: {  	_ =	shalt  }
0x5e: {  	_ =	shalt  }
0x5f: {  	_ =	shalt  }
0x60: {  	_ =	shalt  }
0x61: {  	_ =	shalt  }
0x62: {  	_ =	shalt  }
0x63: {  	_ =	shalt  }
0x64: {  	_ =	shalt  }
0x65: {  	_ =	shalt  }
0x66: {  	_ =	shalt  }
0x67: {  	_ =	shalt  }
0x68: {  	_ =	shalt  }
0x69: {  	_ =	shalt  }
0x6a: {  	_ =	shalt  }
0x6b: {  	_ =	shalt  }
0x6c: {  	_ =	shalt  }
0x6d: {  	_ =	shalt  }
0x6e: {  	_ =	shalt  }
0x6f: {  	_ =	shalt  }
0x70: {  	_ =	shalt  }
0x71: {  	_ =	shalt  }
0x72: {  	_ =	shalt  }
0x73: {  	_ =	shalt  }
0x74: {  	_ =	shalt  }
0x75: {  	_ =	shalt  }
0x76: {  	_ =	shalt  }
0x77: {  	_ =	shalt  }
0x78: {  	_ =	shalt  }
0x79: {  	_ =	shalt  }
0x7a: {  	_ =	shalt  }
0x7b: {  	_ =	shalt  }
0x7c: {  	_ =	shalt  }
0x7d: {  	_ =	shalt  }
0x7e: {  	_ =	shalt  }
0x7f: {  	_ =	shalt  }
0x80: {  	_ =	shalt  }
0x81: {  	_ =	shalt  }
0x82: {  	_ =	shalt  }
0x83: {  	_ =	shalt  }
0x84: {  	_ =	shalt  }
0x85: {  	_ =	shalt  }
0x86: {  	_ =	shalt  }
0x87: {  	_ =	shalt  }
.Lfunc_end0:
.L_simem_size_0:
called_computation_lowered:
.L_overlay_start_0:
0x88: {  	s2 =	sld [smem:$0x3FD9]  }
0x89: {  	s3 =	sld [smem:$0x3FFE];
	_ =	sdelay $0x1  }
0x8a: {  	s1 =	srdreg.scid  }
0x8b: {  	s0 =	sand.u32 $0x1, s1  }
0x8c: {  	s16 =	sshll.u32 s0, $0xA;
	s2 =	sadd.s32 s3, s2  }
0x8d: {  	s2 =	sadd.s32 s2, s16  }
0x8e: {  	[smem:$0x3FC0] =	sst s2  }
0x8f: {  	_ = 	snop  }
0x90: {  	(tm) =	ssettm $0x1  }
0x91: {  	s17 =	sld [smem:$0x3FFB];
	_ =	sdelay $0x3  }
0x92: {  	_ =	strace s17  }
0x93: {  	s2 =	sld [smem:$0x3FFC];
	_ =	sdelay $0x3  }
0x94: {  	_ =	strace s2  }
0x95: {  	s2 =	sld [smem:$0x3FFD];
	_ =	sdelay $0x3  }
0x96: {  	_ =	strace s2  }
0x97: {  	_ =	strace $0x8FFFFFFF  }
0x98: {  	s18 =	sld [smem:$0x3FDB];
	_ =	sdelay $0x1  }
0x99: {  	s19 =	simm.s32 $_scs_section_size  }
0x9a: {  	s4 =	simm.s32 $_size__tile_overlayer_lowered;
	s5 =	simm.s32 $_tile_overlayer_lowered  }
0x9b: {  	s22 =	simm.s32 $0x1BFF;
	s21 =	sshll.u32 s5, $0x1;
	s2 =	sadd.s32 s19, s18  }
0x9c: {  	s6 =	simm.s32 $0x0;
	s20 =	sshll.u32 s4, $0x1;
	s4 =	sadd.s32 s21, s2  }
0x9d: {  	[timem:s6], [sflag:s22] =	dma.local [hbm:s4], s20  }
0x9e: {  	_ =	swait.ge [sflag:s22], s20  }
0x9f: {  	s3 =	ssub.s32 $0x0, s20;
	[sflag:s22] =	ssyncset.done $0x0  }
0xa0: {  	[sflag:s22] =	ssyncadd.s32 s3;
	_ =	sdelay $0x1  }
0xa1: {  	s23 =	simm.s32 $0x1B8B  }
0xa2: {  	_ =	swait.ge [sflag:s23], $0x1  }
0xa3: {  	[sflag:s23] =	ssyncset.done $0x0  }
0xa4: {  	s25 =	simm.s32 $0x1B8E;
	s24 =	sld [smem:$0x3FFE];
	[sflag:s23] =	ssyncadd.s32 $0xFFFFFFFF  }
0xa5: {  	s26 =	simm.s32 $execute0_lowered;
	[smem:$0x3FD2] =	sst s25  }
0xa6: {  	s4 =	sshll.u32 s26, $0x1;
	_ =	strace $0x80000046;
	[dreg:$0x1] =	wrdreg $0xFFFFFFFF  }
0xa7: {  	s28 =	simm.s32 $_size_execute0_lowered;
	s2 =	sadd.s32 s2, s4;
	[dreg:$0x0] =	wrdreg $0x0  }
0xa8: {  	s4 =	sshll.u32 s28, $0x1;
	[dreg:$0x2] =	wrdreg s2  }
0xa9: {  	[dreg:$0x3] =	wrdreg s4  }
0xaa: {  	[dreg:$0x4] =	wrdreg $0xC0  }
0xab: {  	_ =	task [dreg:s6], $0x5FFFF  }
0xac: {  	[dreg:$0x1] =	wrdreg $0xFFFFFFFF  }
0xad: {  	[dreg:$0x0] =	wrdreg $0x60  }
0xae: {  	[dreg:$0x2] =	wrdreg s24  }
0xaf: {  	[dreg:$0x3] =	wrdreg $0x83000  }
0xb0: {  	[dreg:$0x4] =	wrdreg $0x9  }
0xb1: {  	_ =	task.clear_ibuf [dreg:s6], $0x5FFFF;
	_ =	strace $0x90000046  }
0xb2: {  	s29 =	simm.s32 $0x9;
	_ =	strace $0x80000048  }
0xb3: {  	_ =	swait.ge [sflag:s29], $0x1  }
0xb4: {  	[sflag:s29] =	ssyncadd.s32 $0xFFFFFFFF  }
0xb5: {  	_ =	strace $0x90000048  }
0xb6: {  	_ =	sfence  }
0xb7: {  	s30 =	sld [smem:$0x0];
	_ =	sdelay $0x2  }
0xb8: {  	s31 =	sshll.u32 s1, $0xD;
	s1 =	sshrl.u32 s1, $0x2  }
0xb9: {  	s3 =	sand.u32 $0x4000, s31;
	s1 =	sadd.s32 s1, s30  }
0xba: {  	s0 =	sor.u32 s3, s0;
	s1 =	sshll.u32 s1, $0x11  }
0xbb: {  	s0 =	sor.u32 s1, s0  }
0xbc: {  	s0 =	sadd.s32 $0x8F2B, s0  }
0xbd: {  	[sflag:s0] =	ssyncadd.remote.s32 $0x1  }
0xbe: {  	_ =	sfence.sel $0xFFFF  }
0xbf: {  	[dreg:$0x0] =	wrdreg $0xFFFFFFFF;
	(pc) =	sbr.abs _section_cstart, $3  }
0xc0: {  	[dreg:$0x1] =	wrdreg $0xFFFFFFFF  }
0xc1: {  	_ =	task.clear_ibuf [dreg:s6], $0x2FFFF;
	_ =	strace $0x9FFFFFFF  }
0xc2: {  	(tm) =	ssettm $0x7FFFFFFF  }
0xc3: {  	_ =	shalt  }
tec
execute0_lowered:
.L_overlay_start_1:
0x0: {  	(tag) =	ssettag $0x1  }
0x1: {  	s4 =	rddreg [dreg:$0x0]  }
0x2: {  	s2 =	rddreg [dreg:$0x1]  }
0x3: {  	s0 =	rddreg [dreg:$0x2]  }
0x4: {  	s1 =	stileid.u32;
	s5 =	srdreg.scid  }
0x5: {  	s3 =	simm.s32 $0x0;
	s10 =	simm.s32 $0x50;
	s11 =	simm.s32 $0x8000  }
0x6: {  	s12 =	simm.s32 $0x1;
	s15 =	simm.s32 $0x20;
	s16 =	simm.s32 $0x10  }
0x7: {  	s17 =	simm.s32 $0x0;
	s5 =	sand.u32 $0x1, s5;
	s6 =	smul.u32 $0x500, s1  }
0x8: {  	[smem:$0x7FF] =	sst s3;
	s7 =	sshll.u32 s1, $0xC;
	s9 =	smul.u32 $0xA00, s1  }
0x9: {  	s13 =	sshll.u32 s1, $0x6;
	s8 =	sshll.u32 s5, $0x7;
	_ =	strace $0x80000047  }
0xa: {  	s7 =	sadd.s32 s7, s4;
	s29 =	ssub.s32 $0x2, s5;
	s5 =	sshll.u32 s5, $0x10  }
0xb: {  	s13 =	sor.u32 $0x1C02, s13;
	s6 =	sor.u32 s8, s6;
	s30 =	sshrl.u32 s29, $0x1  }
0xc: {  	s31 =	sshrl.u32 s9, $0x2;
	s5 =	sadd.s32 s5, s7;
	s9 =	simm.s32 $0x2  }
0xd: {  	s6 =	sshrl.u32 s6, $0x3;
	s8 =	ssub.s32 s29, s30;
	s5 =	sadd.s32 $0x1A00, s5  }
0xe: {  	s6 =	sadd.s32 s6, s4;
	s4 =	sadd.s32 s31, s2;
	s7 =	smax.u32 s8, $0x1  }
0xf: {  	v0 =	vimm.f32 $1.000000000e+00;
	v1 =	vimm.f32 $0.0e+00;
	s8 =	simm.s32 $0x8080;
	s6 =	sadd.s32 $0x21A00, s6;
	s14 =	sshrl.u32 s4, $0x3  }
.LBB2_1:
0x10: {  	[tilespmem:$0x8000] =	vst v0  }
0x11: {  	[tilespmem:$0x8010] =	vst v0  }
0x12: {  	[tilespmem:$0x8020] =	vst v0  }
0x13: {  	[tilespmem:$0x8030] =	vst v0  }
0x14: {  	[tilespmem:$0x8040] =	vst v0  }
0x15: {  	[tilespmem:$0x8080] =	vst v1  }
0x16: {  	[tilespmem:$0x8090] =	vst v1  }
0x17: {  	[tilespmem:$0x80A0] =	vst v1  }
0x18: {  	[tilespmem:$0x80B0] =	vst v1  }
0x19: {  	[tilespmem:$0x80C0] =	vst v1  }
0x1a: {  	[tilespmem:$0x80D0] =	vst v1  }
0x1b: {  	[tilespmem:$0x80E0] =	vst v1  }
0x1c: {  	[tilespmem:$0x80F0] =	vst v1  }
0x1d: {  	[tilespmem:$0x8100] =	vst v1  }
0x1e: {  	[tilespmem:$0x8110] =	vst v1  }
0x1f: {  	[tilespmem:$0x8120] =	vst v1  }
0x20: {  	[tilespmem:$0x8130] =	vst v1  }
0x21: {  	[tilespmem:$0x8140] =	vst v1  }
0x22: {  	[tilespmem:$0x8150] =	vst v1  }
0x23: {  	[tilespmem:$0x8160] =	vst v1  }
0x24: {  	[tilespmem:$0x8170] =	vst v1  }
0x25: {  	[tilespmem:$0x8180] =	vst v1  }
0x26: {  	[tilespmem:$0x8190] =	vst v1  }
0x27: {  	[tilespmem:$0x81A0] =	vst v1  }
0x28: {  	[tilespmem:$0x81B0] =	vst v1  }
0x29: {  	[tilespmem:$0x81C0] =	vst v1  }
0x2a: {  	[tilespmem:$0x81D0] =	vst v1  }
0x2b: {  	[tilespmem:$0x81E0] =	vst v1  }
0x2c: {  	[tilespmem:$0x81F0] =	vst v1  }
0x2d: {  	[tilespmem:$0x8200] =	vst v1  }
0x2e: {  	[tilespmem:$0x8210] =	vst v1  }
0x2f: {  	[tilespmem:$0x8220] =	vst v1  }
0x30: {  	[tilespmem:$0x8230] =	vst v1  }
0x31: {  	[tilespmem:$0x8240] =	vst v1  }
0x32: {  	[tilespmem:$0x8250] =	vst v1  }
0x33: {  	[tilespmem:$0x8260] =	vst v1  }
0x34: {  	[tilespmem:$0x8270] =	vst v1  }
0x35: {  	[tilespmem:$0x8280] =	vst v1  }
0x36: {  	[tilespmem:$0x8290] =	vst v1  }
0x37: {  	[tilespmem:$0x82A0] =	vst v1  }
0x38: {  	[tilespmem:$0x82B0] =	vst v1  }
0x39: {  	[tilespmem:$0x82C0] =	vst v1  }
0x3a: {  	[tilespmem:$0x82D0] =	vst v1  }
0x3b: {  	[tilespmem:$0x82E0] =	vst v1  }
0x3c: {  	[tilespmem:$0x82F0] =	vst v1  }
0x3d: {  	[spmem:s4] =	stream.linear.scatter [tilespmem:s8], [sflag:$0x2], $0x280, $0x38;
	[tilespmem:$0x8580] =	vst v63  }
0x3e: {  	_ =	swait.ge [sflag:s9], $0x280  }
0x3f: {  	[sflag:s9] =	ssyncset.done $0x0  }
0x40: {  	[sflag:s9] =	ssyncadd.s32 $0xFFFFFD80  }
0x41: {  	[tilespmem:s3], [sflag:$0x2] =	stream.linear.gather [hbm4b:s5+s3], $0x7D00, $0x38;
	[tilespmem:$0x8580] =	vst v63  }
0x42: {  	_ =	swait.ge [sflag:s9], $0x7D00  }
0x43: {  	[sflag:s9] =	ssyncset.done $0x0  }
0x44: {  	[sflag:s9] =	ssyncadd.s32 $0xFFFF8300  }
0x45: {  	s18 =	simm.s32 $0x0;
	[bflag:$0x0] =	sbarrier.arrive $0xFFFF  }
.LBB2_2:
0x46: {  	p0 =	sne.s32 s18, $0x1F200  }
.Ltmp0:
0x47: {  	_ = 	snop;
	(pc) =	sbr.rel @p0 .LBB2_2-.Ltmp0, $3  }
0x48: {  	_ =	sdelay $0x1  }
0x49: {  	s19 =	sshra.s32 s18, $0x2;
	s18 =	sadd.s32 $0x200, s18  }
0x4a: {  	[spmem:s2] =	stream.indirect.scatter.add.f32 [tilespmem:s11], [sflag:$0x1], $0x1, s19, s10, $0xb8;
	[tilespmem:$0x8580] =	vst v63  }
0x4b: {  	_ =	swait.ge [sflag:s12], $0x50  }
0x4c: {  	s18 =	simm.s32 $0xF9;
	[sflag:s12] =	ssyncset.done $0x0  }
.LBB2_4:
0x4d: {  	p0 =	sne.s32 s18, $0x1;
	s18 =	sadd.s32 $0xFFFFFFFF, s18;
	[sflag:s12] =	ssyncadd.s32 $0xFFFFFFB0  }
.Ltmp1:
0x4e: {  	(pc) =	sbr.rel @p0 .LBB2_4-.Ltmp1, $3  }
0x4f: {  	_ =	sdelay $0x1  }
0x50: {  	_ =	swait.ge [sflag:s12], $0x50  }
0x51: {  	[sflag:s12] =	ssyncset.done $0x0  }
0x52: {  	s17 =	sadd.s32 $0x1, s17  }
0x53: {  	[sflag:s12] =	ssyncadd.s32 $0xFFFFFFB0;
	p0 =	sne.s32 s17, s7  }
.Ltmp2:
0x54: {  	[bflag:$0x0] =	sbarrier.arrive $0xFFFF;
	(pc) =	sbr.rel @p0 .LBB2_1-.Ltmp2, $4  }
0x55: {  	[hbm:s6@s15], [sflag:s13] =	dma.strided [spmem:s14@s16], $0x50, s12, $0x10   }
0x56: {  	_ =	swait.ge [sflag:s9], $0x50  }
0x57: {  	[sflag:s9] =	ssyncset.done $0x0  }
0x58: {  	[sflag:s9] =	ssyncadd.s32 $0xFFFFFFB0  }
0x59: {  	_ =	sfence.sel $0x180000  }
0x5a: {  	[bflag:$0x0] =	sbarrier.arrive $0xFFFF  }
0x5b: {  	p0 =	sne.s32 s1, $0x0;
	_ =	strace $0x90000047  }
0x5c: {  	s0 =	sadd.s32 @!p0 $0x100000, s0;
	[bflag:$0x2] =	sbarrier.arrive $0xFFFF  }
0x5d: {  	[sflag:s0] =	ssyncadd.tile.s32 @!p0 $0x1;
	_ =	shalt  }
.Lfunc_end2:
_tile_overlayer_lowered:
.L_overlay_start_2:
0x5e: {  	(tag) =	ssettag $0x2  }
0x5f: {  	s0 =	rddreg [dreg:$0x0];
	s2 =	stileid.u32  }
0x60: {  	s1 =	rddreg [dreg:$0x1];
	p0 =	sne.s32 s2, $0x0  }
0x61: {  	s3 =	rddreg [dreg:$0x2];
	[bflag:$0x3] =	sbarrier.arrive $0xFFFF;
	s2 =	simm.s32 @!p0 $0x1C02  }
0x62: {  	[timem:s3], [sflag:s2] =	dma.local @!p0 [hbm:s0], s1  }
0x63: {  	s0 =	simm.s32 @!p0 $0x2  }
0x64: {  	_ =	swait.ge @!p0 [sflag:s0], s1  }
0x65: {  	s1 =	ssub.s32 @!p0 $0x0, s1;
	[sflag:s0] =	ssyncset.done @!p0 $0x0  }
0x66: {  	[sflag:s0] =	ssyncadd.s32 @!p0 s1  }
0x67: {  	[bflag:$0x3] =	sbarrier.arrive $0xFFFF  }
0x68: {  	_ =	shalt  }

</sc_bundles>
